<compile_context>
chip_gen: v7x
topology: tpu7x:2x2x1
jax: 0.10.2.dev20260603
libtpu: 0.0.44.dev20260713+nightly
codegen_flags: <defaults>
</compile_context>

<pallas_src>
import jax
import jax.numpy as jnp
from jax import lax
from jax.experimental import pallas as pl
from jax.experimental.pallas import tpu as pltpu
from jax.experimental.pallas import tpu_sc as plsc
from jax._src.pallas import mpmd as plmpmd

_D = 2304
_B = 8192
_NW = 32

_R_SCS = 512
_R_TEC = _B - _R_SCS

_BPW = _R_TEC // _NW
_CHUNK = 16
_NCHUNK = _BPW // _CHUNK
_NBUF = 3

_SPC = _R_SCS // 2
_SCHUNK = 64
_SNCHUNK = _SPC // _SCHUNK


def _make_gather():
  vmesh = plsc.VectorSubcoreMesh(core_axis_name="c", subcore_axis_name="s")
  smesh = plsc.ScalarSubcoreMesh(axis_name="c", num_cores=2)

  tec_vmem = pltpu.MemorySpace.VMEM @ vmesh
  scs_smem = pltpu.MemorySpace.SMEM @ smesh
  scratch = [
      tec_vmem((_BPW,), jnp.int32),
      tec_vmem((_NBUF, _CHUNK, _D), jnp.float32),
  ] + [pltpu.SemaphoreType.DMA @ vmesh] * (2 * _NBUF) + [
      scs_smem((_SPC,), jnp.int32),
      pltpu.MemorySpace.VMEM_SHARED((2, _SCHUNK, _D), jnp.float32),
      pltpu.SemaphoreType.DMA @ smesh,
      pltpu.SemaphoreType.DMA @ smesh,
      pltpu.SemaphoreType.DMA @ smesh,
  ]

  def tec_fn(idx_hbm, table_hbm, out_hbm, idx_v, rows_v,
             g0, g1, g2, s0, s1, s2, *_scs_scratch):
    gsems = (g0, g1, g2)
    ssems = (s0, s1, s2)
    wid = lax.axis_index("s") * 2 + lax.axis_index("c")
    base = wid * _BPW
    pltpu.sync_copy(idx_hbm.at[pl.ds(base, _BPW)], idx_v)

    def fire_gather(c):
      b = c % _NBUF
      return pltpu.async_copy(
          table_hbm.at[idx_v.at[pl.ds(c * _CHUNK, _CHUNK)]],
          rows_v.at[b], gsems[b])

    def fire_scatter(c):
      b = c % _NBUF
      return pltpu.async_copy(
          rows_v.at[b],
          out_hbm.at[pl.ds(base + c * _CHUNK, _CHUNK)], ssems[b])

    gathers = [None] * _NBUF
    scatters = [None] * _NBUF
    for t in range(_NCHUNK + _NBUF - 1):
      if t < _NCHUNK:
        b = t % _NBUF
        if scatters[b] is not None:
          scatters[b].wait()
          scatters[b] = None
        gathers[b] = fire_gather(t)
      d = t - (_NBUF - 1)
      if d >= 0:
        bd = d % _NBUF
        gathers[bd].wait()
        scatters[bd] = fire_scatter(d)
    for s in scatters:
      if s is not None:
        s.wait()

  def scs_fn(idx_hbm, table_hbm, out_hbm, _idx_v, _rows_v,
             _g0, _g1, _g2, _s0, _s1, _s2,
             idx_s, rows_sh, gsem, ssem0, ssem1):
    cid = lax.axis_index("c")
    base = _R_TEC + cid * _SPC
    pltpu.sync_copy(idx_hbm.at[pl.ds(base, _SPC)], idx_s)
    ssems = (ssem0, ssem1)

    scatters = [None, None]
    for c in range(_SNCHUNK):
      b = c % 2
      if scatters[b] is not None:
        scatters[b].wait()
        scatters[b] = None

      def issue_row(j, carry, c=c, b=b):
        row = idx_s[c * _SCHUNK + j]
        pltpu.async_copy(
            table_hbm.at[pl.ds(row, 1)],
            rows_sh.at[b].at[pl.ds(j, 1)], gsem)
        return carry

      lax.fori_loop(0, _SCHUNK, issue_row, 0)
      pltpu.make_async_copy(
          table_hbm.at[pl.ds(0, _SCHUNK)], rows_sh.at[b], gsem).wait()
      scatters[b] = pltpu.async_copy(
          rows_sh.at[b],
          out_hbm.at[pl.ds(base + c * _SCHUNK, _SCHUNK)], ssems[b])
    for s in scatters:
      if s is not None:
        s.wait()

  return plmpmd.mpmd_map(
      [(smesh, scs_fn), (vmesh, tec_fn)],
      out_types=jax.ShapeDtypeStruct((_B, _D), jnp.float32),
      scratch_types=scratch,
  )


_gather = _make_gather()


def kernel(token_ids, table):
  flat_ids = token_ids.reshape(-1).astype(jnp.int32)
  out = _gather(flat_ids, table)
  return out.reshape(token_ids.shape + (table.shape[1],))

# --- scband reference (transcript-rebuilt; emitter-appended) ---
"""Pipeline reference for scband-text-tokenizer-66718021976480 (READ-ONLY COPY).

The authoritative reference and input builder live on the scoring server;
editing this copy changes nothing except your own understanding.
"""

import jax, jax.numpy as jnp
import numpy as np

VOCAB = 257216
DIM = 2304
PADDING_IDX = 0


def setup_inputs(seed: int = 0) -> dict:
    key = jax.random.key(seed)
    k_idx, k_tab = jax.random.split(key)
    token_ids = jax.random.randint(k_idx, (4, 2048), 0, VOCAB, dtype=jnp.int64 if jax.config.jax_enable_x64 else jnp.int32)
    # Embedding table per module: nn.Embedding(257216, 2304, padding_idx=0).
    table = jax.random.normal(k_tab, (VOCAB, DIM), dtype=jnp.float32) * 0.02
    table = table.at[PADDING_IDX].set(0.0)  # padding row is zero, matching nn.Embedding padding_idx init
    return {"token_ids": token_ids, "table": table}


def reference(token_ids, table):
    # Faithful translation of TextTokenizer forward after tokenization:
    # token ids -> embedding gather (nn.Embedding lookup).
    return jnp.take(table, token_ids, axis=0)

if __name__ == "__main__":
    import jax
    _d = setup_inputs()
    print(jax.jit(kernel)(*tuple(_d.values())))

</pallas_src>

<mosaic_0001>
#map = affine_map<(d0) -> (0)>
#map1 = affine_map<(d0) -> (0, 0)>
#map2 = affine_map<(d0, d1) -> (0)>
#map3 = affine_map<(d0, d1) -> (0, 0)>
module attributes {stable_mosaic.version = 14 : i64} {
  func.func @scs_fn(%arg0: i32, %arg1: memref<8192xi32, #tpu.memory_space<hbm>>, %arg2: memref<257216x2304xf32, #tpu.memory_space<hbm>>, %arg3: memref<8192x2304xf32, #tpu.memory_space<hbm>>, %arg4: memref<240xi32, #tpu.memory_space<vmem, sc_vector_subcore>>, %arg5: memref<3x16x2304xf32, #tpu.memory_space<vmem, sc_vector_subcore>>, %arg6: memref<!tpu.dma_semaphore, #tpu.memory_space<semaphore_mem, sc_vector_subcore>>, %arg7: memref<!tpu.dma_semaphore, #tpu.memory_space<semaphore_mem, sc_vector_subcore>>, %arg8: memref<!tpu.dma_semaphore, #tpu.memory_space<semaphore_mem, sc_vector_subcore>>, %arg9: memref<!tpu.dma_semaphore, #tpu.memory_space<semaphore_mem, sc_vector_subcore>>, %arg10: memref<!tpu.dma_semaphore, #tpu.memory_space<semaphore_mem, sc_vector_subcore>>, %arg11: memref<!tpu.dma_semaphore, #tpu.memory_space<semaphore_mem, sc_vector_subcore>>, %arg12: memref<256xi32, #tpu.memory_space<smem>>, %arg13: memref<2x64x2304xf32, #tpu.memory_space<vmem_shared>>, %arg14: memref<!tpu.dma_semaphore, #tpu.memory_space<semaphore_mem>>, %arg15: memref<!tpu.dma_semaphore, #tpu.memory_space<semaphore_mem>>, %arg16: memref<!tpu.dma_semaphore, #tpu.memory_space<semaphore_mem>>) attributes {dimension_semantics = [#tpu.dimension_semantics<core_parallel>], iteration_bounds = array<i64: 2>, scalar_prefetch = 0 : i64, scratch_operands = 13 : i64, tpu.core_type = #tpu.core_type<sc_scalar_subcore>, window_params = [{transform_indices = #map}, {transform_indices = #map1}, {transform_indices = #map1}]} {
    %mul3A = arith.constant 256 : i32
    %mul3A_0 = arith.muli %arg0, %mul3A : i32
    %add3A = arith.constant 7680 : i32
    %add3A_1 = arith.addi %add3A, %mul3A_0 : i32
    "tpu.region"() ({
      %run_scoped3A = tpu.sem_alloc : memref<!tpu.dma_semaphore, #tpu.memory_space<semaphore_mem>>
      %dma_start3A_119 = tpu.memref_slice %arg1[%add3A_1] : memref<8192xi32, #tpu.memory_space<hbm>> -> memref<256xi32, #tpu.memory_space<hbm>>
      tpu.enqueue_dma source(%dma_start3A_119 : memref<256xi32, #tpu.memory_space<hbm>>) target(%arg12 : memref<256xi32, #tpu.memory_space<smem>>) target_semaphore(%run_scoped3A : memref<!tpu.dma_semaphore, #tpu.memory_space<semaphore_mem>>)
      %dma_wait3A_120 = tpu.memref_slice %arg1[%add3A_1] : memref<8192xi32, #tpu.memory_space<hbm>> -> memref<256xi32, #tpu.memory_space<hbm>>
      tpu.wait_dma2 semaphore(%run_scoped3A : memref<!tpu.dma_semaphore, #tpu.memory_space<semaphore_mem>>) src(%dma_wait3A_120 : memref<256xi32, #tpu.memory_space<hbm>>) dst(%arg12 : memref<256xi32, #tpu.memory_space<smem>>)
      tpu.yield
    }) : () -> ()
    %scan3A = arith.constant 0 : i32
    %scan3A_2 = arith.constant 0 : i32
    %scan3A_3 = arith.constant 64 : i32
    %scan3A_4 = arith.addi %scan3A_2, %scan3A_3 : i32
    %scan3A_5 = arith.constant 1 : i32
    scf.for %scan3A_119 = %scan3A_2 to %scan3A_4 step %scan3A_5  : i32 {
      %add3A_120 = arith.constant 0 : i32
      %add3A_121 = arith.addi %add3A_120, %scan3A_119 : i32
      %get3A = arith.index_cast %add3A_121 : i32 to index
      %get3A_122 = memref.load %arg12[%get3A] : memref<256xi32, #tpu.memory_space<smem>>
      %dma_start3A_123 = arith.constant 0 : i32
      %dma_start3A_124 = arith.constant 0 : i32
      %dma_start3A_125 = arith.constant 0 : i32
      %dma_start3A_126 = tpu.memref_slice %arg13[%dma_start3A_123, %dma_start3A_124, %dma_start3A_125] : memref<2x64x2304xf32, #tpu.memory_space<vmem_shared>> -> memref<1x64x2304xf32, #tpu.memory_space<vmem_shared>>
      %dma_start3A_127 = tpu.memref_squeeze %dma_start3A_126 : memref<1x64x2304xf32, #tpu.memory_space<vmem_shared>> -> memref<64x2304xf32, #tpu.memory_space<vmem_shared>>
      %dma_start3A_128 = arith.constant 0 : i32
      %dma_start3A_129 = tpu.memref_slice %dma_start3A_127[%scan3A_119, %dma_start3A_128] : memref<64x2304xf32, #tpu.memory_space<vmem_shared>> -> memref<1x2304xf32, #tpu.memory_space<vmem_shared>>
      %dma_start3A_130 = arith.constant 0 : i32
      %dma_start3A_131 = tpu.memref_slice %arg2[%get3A_122, %dma_start3A_130] : memref<257216x2304xf32, #tpu.memory_space<hbm>> -> memref<1x2304xf32, #tpu.memory_space<hbm>>
      tpu.enqueue_dma source(%dma_start3A_131 : memref<1x2304xf32, #tpu.memory_space<hbm>>) target(%dma_start3A_129 : memref<1x2304xf32, #tpu.memory_space<vmem_shared>>) target_semaphore(%arg14 : memref<!tpu.dma_semaphore, #tpu.memory_space<semaphore_mem>>)
    }
    %scan3A_6 = arith.constant 64 : i32
    %dma_wait3A = arith.constant 0 : i32
    %dma_wait3A_7 = arith.constant 0 : i32
    %dma_wait3A_8 = arith.constant 0 : i32
    %dma_wait3A_9 = tpu.memref_slice %arg13[%dma_wait3A, %dma_wait3A_7, %dma_wait3A_8] : memref<2x64x2304xf32, #tpu.memory_space<vmem_shared>> -> memref<1x64x2304xf32, #tpu.memory_space<vmem_shared>>
    %dma_wait3A_10 = tpu.memref_squeeze %dma_wait3A_9 : memref<1x64x2304xf32, #tpu.memory_space<vmem_shared>> -> memref<64x2304xf32, #tpu.memory_space<vmem_shared>>
    %dma_wait3A_11 = arith.constant 0 : i32
    %dma_wait3A_12 = arith.constant 0 : i32
    %dma_wait3A_13 = tpu.memref_slice %arg2[%dma_wait3A_11, %dma_wait3A_12] : memref<257216x2304xf32, #tpu.memory_space<hbm>> -> memref<64x2304xf32, #tpu.memory_space<hbm>>
    tpu.wait_dma2 semaphore(%arg14 : memref<!tpu.dma_semaphore, #tpu.memory_space<semaphore_mem>>) src(%dma_wait3A_13 : memref<64x2304xf32, #tpu.memory_space<hbm>>) dst(%dma_wait3A_10 : memref<64x2304xf32, #tpu.memory_space<vmem_shared>>)
    %add3A_14 = arith.constant 0 : i32
    %add3A_15 = arith.addi %add3A_1, %add3A_14 : i32
    %dma_start3A = arith.constant 0 : i32
    %dma_start3A_16 = arith.constant 0 : i32
    %dma_start3A_17 = tpu.memref_slice %arg3[%add3A_15, %dma_start3A_16] : memref<8192x2304xf32, #tpu.memory_space<hbm>> -> memref<64x2304xf32, #tpu.memory_space<hbm>>
    %dma_start3A_18 = arith.constant 0 : i32
    %dma_start3A_19 = arith.constant 0 : i32
    %dma_start3A_20 = tpu.memref_slice %arg13[%dma_start3A, %dma_start3A_18, %dma_start3A_19] : memref<2x64x2304xf32, #tpu.memory_space<vmem_shared>> -> memref<1x64x2304xf32, #tpu.memory_space<vmem_shared>>
    %dma_start3A_21 = tpu.memref_squeeze %dma_start3A_20 : memref<1x64x2304xf32, #tpu.memory_space<vmem_shared>> -> memref<64x2304xf32, #tpu.memory_space<vmem_shared>>
    tpu.enqueue_dma source(%dma_start3A_21 : memref<64x2304xf32, #tpu.memory_space<vmem_shared>>) target(%dma_start3A_17 : memref<64x2304xf32, #tpu.memory_space<hbm>>) target_semaphore(%arg15 : memref<!tpu.dma_semaphore, #tpu.memory_space<semaphore_mem>>)
    %scan3A_22 = arith.constant 0 : i32
    %scan3A_23 = arith.constant 0 : i32
    %scan3A_24 = arith.constant 64 : i32
    %scan3A_25 = arith.addi %scan3A_23, %scan3A_24 : i32
    %scan3A_26 = arith.constant 1 : i32
    scf.for %scan3A_119 = %scan3A_23 to %scan3A_25 step %scan3A_26  : i32 {
      %add3A_120 = arith.constant 64 : i32
      %add3A_121 = arith.addi %add3A_120, %scan3A_119 : i32
      %get3A = arith.index_cast %add3A_121 : i32 to index
      %get3A_122 = memref.load %arg12[%get3A] : memref<256xi32, #tpu.memory_space<smem>>
      %dma_start3A_123 = arith.constant 1 : i32
      %dma_start3A_124 = arith.constant 0 : i32
      %dma_start3A_125 = arith.constant 0 : i32
      %dma_start3A_126 = tpu.memref_slice %arg13[%dma_start3A_123, %dma_start3A_124, %dma_start3A_125] : memref<2x64x2304xf32, #tpu.memory_space<vmem_shared>> -> memref<1x64x2304xf32, #tpu.memory_space<vmem_shared>>
      %dma_start3A_127 = tpu.memref_squeeze %dma_start3A_126 : memref<1x64x2304xf32, #tpu.memory_space<vmem_shared>> -> memref<64x2304xf32, #tpu.memory_space<vmem_shared>>
      %dma_start3A_128 = arith.constant 0 : i32
      %dma_start3A_129 = tpu.memref_slice %dma_start3A_127[%scan3A_119, %dma_start3A_128] : memref<64x2304xf32, #tpu.memory_space<vmem_shared>> -> memref<1x2304xf32, #tpu.memory_space<vmem_shared>>
      %dma_start3A_130 = arith.constant 0 : i32
      %dma_start3A_131 = tpu.memref_slice %arg2[%get3A_122, %dma_start3A_130] : memref<257216x2304xf32, #tpu.memory_space<hbm>> -> memref<1x2304xf32, #tpu.memory_space<hbm>>
      tpu.enqueue_dma source(%dma_start3A_131 : memref<1x2304xf32, #tpu.memory_space<hbm>>) target(%dma_start3A_129 : memref<1x2304xf32, #tpu.memory_space<vmem_shared>>) target_semaphore(%arg14 : memref<!tpu.dma_semaphore, #tpu.memory_space<semaphore_mem>>)
    }
    %scan3A_27 = arith.constant 64 : i32
    %dma_wait3A_28 = arith.constant 1 : i32
    %dma_wait3A_29 = arith.constant 0 : i32
    %dma_wait3A_30 = arith.constant 0 : i32
    %dma_wait3A_31 = tpu.memref_slice %arg13[%dma_wait3A_28, %dma_wait3A_29, %dma_wait3A_30] : memref<2x64x2304xf32, #tpu.memory_space<vmem_shared>> -> memref<1x64x2304xf32, #tpu.memory_space<vmem_shared>>
    %dma_wait3A_32 = tpu.memref_squeeze %dma_wait3A_31 : memref<1x64x2304xf32, #tpu.memory_space<vmem_shared>> -> memref<64x2304xf32, #tpu.memory_space<vmem_shared>>
    %dma_wait3A_33 = arith.constant 0 : i32
    %dma_wait3A_34 = arith.constant 0 : i32
    %dma_wait3A_35 = tpu.memref_slice %arg2[%dma_wait3A_33, %dma_wait3A_34] : memref<257216x2304xf32, #tpu.memory_space<hbm>> -> memref<64x2304xf32, #tpu.memory_space<hbm>>
    tpu.wait_dma2 semaphore(%arg14 : memref<!tpu.dma_semaphore, #tpu.memory_space<semaphore_mem>>) src(%dma_wait3A_35 : memref<64x2304xf32, #tpu.memory_space<hbm>>) dst(%dma_wait3A_32 : memref<64x2304xf32, #tpu.memory_space<vmem_shared>>)
    %add3A_36 = arith.constant 64 : i32
    %add3A_37 = arith.addi %add3A_1, %add3A_36 : i32
    %dma_start3A_38 = arith.constant 1 : i32
    %dma_start3A_39 = arith.constant 0 : i32
    %dma_start3A_40 = tpu.memref_slice %arg3[%add3A_37, %dma_start3A_39] : memref<8192x2304xf32, #tpu.memory_space<hbm>> -> memref<64x2304xf32, #tpu.memory_space<hbm>>
    %dma_start3A_41 = arith.constant 0 : i32
    %dma_start3A_42 = arith.constant 0 : i32
    %dma_start3A_43 = tpu.memref_slice %arg13[%dma_start3A_38, %dma_start3A_41, %dma_start3A_42] : memref<2x64x2304xf32, #tpu.memory_space<vmem_shared>> -> memref<1x64x2304xf32, #tpu.memory_space<vmem_shared>>
    %dma_start3A_44 = tpu.memref_squeeze %dma_start3A_43 : memref<1x64x2304xf32, #tpu.memory_space<vmem_shared>> -> memref<64x2304xf32, #tpu.memory_space<vmem_shared>>
    tpu.enqueue_dma source(%dma_start3A_44 : memref<64x2304xf32, #tpu.memory_space<vmem_shared>>) target(%dma_start3A_40 : memref<64x2304xf32, #tpu.memory_space<hbm>>) target_semaphore(%arg16 : memref<!tpu.dma_semaphore, #tpu.memory_space<semaphore_mem>>)
    %dma_wait3A_45 = arith.constant 0 : i32
    %dma_wait3A_46 = arith.constant 0 : i32
    %dma_wait3A_47 = tpu.memref_slice %arg3[%add3A_15, %dma_wait3A_46] : memref<8192x2304xf32, #tpu.memory_space<hbm>> -> memref<64x2304xf32, #tpu.memory_space<hbm>>
    %dma_wait3A_48 = arith.constant 0 : i32
    %dma_wait3A_49 = arith.constant 0 : i32
    %dma_wait3A_50 = tpu.memref_slice %arg13[%dma_wait3A_45, %dma_wait3A_48, %dma_wait3A_49] : memref<2x64x2304xf32, #tpu.memory_space<vmem_shared>> -> memref<1x64x2304xf32, #tpu.memory_space<vmem_shared>>
    %dma_wait3A_51 = tpu.memref_squeeze %dma_wait3A_50 : memref<1x64x2304xf32, #tpu.memory_space<vmem_shared>> -> memref<64x2304xf32, #tpu.memory_space<vmem_shared>>
    tpu.wait_dma2 semaphore(%arg15 : memref<!tpu.dma_semaphore, #tpu.memory_space<semaphore_mem>>) src(%dma_wait3A_51 : memref<64x2304xf32, #tpu.memory_space<vmem_shared>>) dst(%dma_wait3A_47 : memref<64x2304xf32, #tpu.memory_space<hbm>>)
    %scan3A_52 = arith.constant 0 : i32
    %scan3A_53 = arith.constant 0 : i32
    %scan3A_54 = arith.constant 64 : i32
    %scan3A_55 = arith.addi %scan3A_53, %scan3A_54 : i32
    %scan3A_56 = arith.constant 1 : i32
    scf.for %scan3A_119 = %scan3A_53 to %scan3A_55 step %scan3A_56  : i32 {
      %add3A_120 = arith.constant 128 : i32
      %add3A_121 = arith.addi %add3A_120, %scan3A_119 : i32
      %get3A = arith.index_cast %add3A_121 : i32 to index
      %get3A_122 = memref.load %arg12[%get3A] : memref<256xi32, #tpu.memory_space<smem>>
      %dma_start3A_123 = arith.constant 0 : i32
      %dma_start3A_124 = arith.constant 0 : i32
      %dma_start3A_125 = arith.constant 0 : i32
      %dma_start3A_126 = tpu.memref_slice %arg13[%dma_start3A_123, %dma_start3A_124, %dma_start3A_125] : memref<2x64x2304xf32, #tpu.memory_space<vmem_shared>> -> memref<1x64x2304xf32, #tpu.memory_space<vmem_shared>>
      %dma_start3A_127 = tpu.memref_squeeze %dma_start3A_126 : memref<1x64x2304xf32, #tpu.memory_space<vmem_shared>> -> memref<64x2304xf32, #tpu.memory_space<vmem_shared>>
      %dma_start3A_128 = arith.constant 0 : i32
      %dma_start3A_129 = tpu.memref_slice %dma_start3A_127[%scan3A_119, %dma_start3A_128] : memref<64x2304xf32, #tpu.memory_space<vmem_shared>> -> memref<1x2304xf32, #tpu.memory_space<vmem_shared>>
      %dma_start3A_130 = arith.constant 0 : i32
      %dma_start3A_131 = tpu.memref_slice %arg2[%get3A_122, %dma_start3A_130] : memref<257216x2304xf32, #tpu.memory_space<hbm>> -> memref<1x2304xf32, #tpu.memory_space<hbm>>
      tpu.enqueue_dma source(%dma_start3A_131 : memref<1x2304xf32, #tpu.memory_space<hbm>>) target(%dma_start3A_129 : memref<1x2304xf32, #tpu.memory_space<vmem_shared>>) target_semaphore(%arg14 : memref<!tpu.dma_semaphore, #tpu.memory_space<semaphore_mem>>)
    }
    %scan3A_57 = arith.constant 64 : i32
    %dma_wait3A_58 = arith.constant 0 : i32
    %dma_wait3A_59 = arith.constant 0 : i32
    %dma_wait3A_60 = arith.constant 0 : i32
    %dma_wait3A_61 = tpu.memref_slice %arg13[%dma_wait3A_58, %dma_wait3A_59, %dma_wait3A_60] : memref<2x64x2304xf32, #tpu.memory_space<vmem_shared>> -> memref<1x64x2304xf32, #tpu.memory_space<vmem_shared>>
    %dma_wait3A_62 = tpu.memref_squeeze %dma_wait3A_61 : memref<1x64x2304xf32, #tpu.memory_space<vmem_shared>> -> memref<64x2304xf32, #tpu.memory_space<vmem_shared>>
    %dma_wait3A_63 = arith.constant 0 : i32
    %dma_wait3A_64 = arith.constant 0 : i32
    %dma_wait3A_65 = tpu.memref_slice %arg2[%dma_wait3A_63, %dma_wait3A_64] : memref<257216x2304xf32, #tpu.memory_space<hbm>> -> memref<64x2304xf32, #tpu.memory_space<hbm>>
    tpu.wait_dma2 semaphore(%arg14 : memref<!tpu.dma_semaphore, #tpu.memory_space<semaphore_mem>>) src(%dma_wait3A_65 : memref<64x2304xf32, #tpu.memory_space<hbm>>) dst(%dma_wait3A_62 : memref<64x2304xf32, #tpu.memory_space<vmem_shared>>)
    %add3A_66 = arith.constant 128 : i32
    %add3A_67 = arith.addi %add3A_1, %add3A_66 : i32
    %dma_start3A_68 = arith.constant 0 : i32
    %dma_start3A_69 = arith.constant 0 : i32
    %dma_start3A_70 = tpu.memref_slice %arg3[%add3A_67, %dma_start3A_69] : memref<8192x2304xf32, #tpu.memory_space<hbm>> -> memref<64x2304xf32, #tpu.memory_space<hbm>>
    %dma_start3A_71 = arith.constant 0 : i32
    %dma_start3A_72 = arith.constant 0 : i32
    %dma_start3A_73 = tpu.memref_slice %arg13[%dma_start3A_68, %dma_start3A_71, %dma_start3A_72] : memref<2x64x2304xf32, #tpu.memory_space<vmem_shared>> -> memref<1x64x2304xf32, #tpu.memory_space<vmem_shared>>
    %dma_start3A_74 = tpu.memref_squeeze %dma_start3A_73 : memref<1x64x2304xf32, #tpu.memory_space<vmem_shared>> -> memref<64x2304xf32, #tpu.memory_space<vmem_shared>>
    tpu.enqueue_dma source(%dma_start3A_74 : memref<64x2304xf32, #tpu.memory_space<vmem_shared>>) target(%dma_start3A_70 : memref<64x2304xf32, #tpu.memory_space<hbm>>) target_semaphore(%arg15 : memref<!tpu.dma_semaphore, #tpu.memory_space<semaphore_mem>>)
    %dma_wait3A_75 = arith.constant 1 : i32
    %dma_wait3A_76 = arith.constant 0 : i32
    %dma_wait3A_77 = tpu.memref_slice %arg3[%add3A_37, %dma_wait3A_76] : memref<8192x2304xf32, #tpu.memory_space<hbm>> -> memref<64x2304xf32, #tpu.memory_space<hbm>>
    %dma_wait3A_78 = arith.constant 0 : i32
    %dma_wait3A_79 = arith.constant 0 : i32
    %dma_wait3A_80 = tpu.memref_slice %arg13[%dma_wait3A_75, %dma_wait3A_78, %dma_wait3A_79] : memref<2x64x2304xf32, #tpu.memory_space<vmem_shared>> -> memref<1x64x2304xf32, #tpu.memory_space<vmem_shared>>
    %dma_wait3A_81 = tpu.memref_squeeze %dma_wait3A_80 : memref<1x64x2304xf32, #tpu.memory_space<vmem_shared>> -> memref<64x2304xf32, #tpu.memory_space<vmem_shared>>
    tpu.wait_dma2 semaphore(%arg16 : memref<!tpu.dma_semaphore, #tpu.memory_space<semaphore_mem>>) src(%dma_wait3A_81 : memref<64x2304xf32, #tpu.memory_space<vmem_shared>>) dst(%dma_wait3A_77 : memref<64x2304xf32, #tpu.memory_space<hbm>>)
    %scan3A_82 = arith.constant 0 : i32
    %scan3A_83 = arith.constant 0 : i32
    %scan3A_84 = arith.constant 64 : i32
    %scan3A_85 = arith.addi %scan3A_83, %scan3A_84 : i32
    %scan3A_86 = arith.constant 1 : i32
    scf.for %scan3A_119 = %scan3A_83 to %scan3A_85 step %scan3A_86  : i32 {
      %add3A_120 = arith.constant 192 : i32
      %add3A_121 = arith.addi %add3A_120, %scan3A_119 : i32
      %get3A = arith.index_cast %add3A_121 : i32 to index
      %get3A_122 = memref.load %arg12[%get3A] : memref<256xi32, #tpu.memory_space<smem>>
      %dma_start3A_123 = arith.constant 1 : i32
      %dma_start3A_124 = arith.constant 0 : i32
      %dma_start3A_125 = arith.constant 0 : i32
      %dma_start3A_126 = tpu.memref_slice %arg13[%dma_start3A_123, %dma_start3A_124, %dma_start3A_125] : memref<2x64x2304xf32, #tpu.memory_space<vmem_shared>> -> memref<1x64x2304xf32, #tpu.memory_space<vmem_shared>>
      %dma_start3A_127 = tpu.memref_squeeze %dma_start3A_126 : memref<1x64x2304xf32, #tpu.memory_space<vmem_shared>> -> memref<64x2304xf32, #tpu.memory_space<vmem_shared>>
      %dma_start3A_128 = arith.constant 0 : i32
      %dma_start3A_129 = tpu.memref_slice %dma_start3A_127[%scan3A_119, %dma_start3A_128] : memref<64x2304xf32, #tpu.memory_space<vmem_shared>> -> memref<1x2304xf32, #tpu.memory_space<vmem_shared>>
      %dma_start3A_130 = arith.constant 0 : i32
      %dma_start3A_131 = tpu.memref_slice %arg2[%get3A_122, %dma_start3A_130] : memref<257216x2304xf32, #tpu.memory_space<hbm>> -> memref<1x2304xf32, #tpu.memory_space<hbm>>
      tpu.enqueue_dma source(%dma_start3A_131 : memref<1x2304xf32, #tpu.memory_space<hbm>>) target(%dma_start3A_129 : memref<1x2304xf32, #tpu.memory_space<vmem_shared>>) target_semaphore(%arg14 : memref<!tpu.dma_semaphore, #tpu.memory_space<semaphore_mem>>)
    }
    %scan3A_87 = arith.constant 64 : i32
    %dma_wait3A_88 = arith.constant 1 : i32
    %dma_wait3A_89 = arith.constant 0 : i32
    %dma_wait3A_90 = arith.constant 0 : i32
    %dma_wait3A_91 = tpu.memref_slice %arg13[%dma_wait3A_88, %dma_wait3A_89, %dma_wait3A_90] : memref<2x64x2304xf32, #tpu.memory_space<vmem_shared>> -> memref<1x64x2304xf32, #tpu.memory_space<vmem_shared>>
    %dma_wait3A_92 = tpu.memref_squeeze %dma_wait3A_91 : memref<1x64x2304xf32, #tpu.memory_space<vmem_shared>> -> memref<64x2304xf32, #tpu.memory_space<vmem_shared>>
    %dma_wait3A_93 = arith.constant 0 : i32
    %dma_wait3A_94 = arith.constant 0 : i32
    %dma_wait3A_95 = tpu.memref_slice %arg2[%dma_wait3A_93, %dma_wait3A_94] : memref<257216x2304xf32, #tpu.memory_space<hbm>> -> memref<64x2304xf32, #tpu.memory_space<hbm>>
    tpu.wait_dma2 semaphore(%arg14 : memref<!tpu.dma_semaphore, #tpu.memory_space<semaphore_mem>>) src(%dma_wait3A_95 : memref<64x2304xf32, #tpu.memory_space<hbm>>) dst(%dma_wait3A_92 : memref<64x2304xf32, #tpu.memory_space<vmem_shared>>)
    %add3A_96 = arith.constant 192 : i32
    %add3A_97 = arith.addi %add3A_1, %add3A_96 : i32
    %dma_start3A_98 = arith.constant 1 : i32
    %dma_start3A_99 = arith.constant 0 : i32
    %dma_start3A_100 = tpu.memref_slice %arg3[%add3A_97, %dma_start3A_99] : memref<8192x2304xf32, #tpu.memory_space<hbm>> -> memref<64x2304xf32, #tpu.memory_space<hbm>>
    %dma_start3A_101 = arith.constant 0 : i32
    %dma_start3A_102 = arith.constant 0 : i32
    %dma_start3A_103 = tpu.memref_slice %arg13[%dma_start3A_98, %dma_start3A_101, %dma_start3A_102] : memref<2x64x2304xf32, #tpu.memory_space<vmem_shared>> -> memref<1x64x2304xf32, #tpu.memory_space<vmem_shared>>
    %dma_start3A_104 = tpu.memref_squeeze %dma_start3A_103 : memref<1x64x2304xf32, #tpu.memory_space<vmem_shared>> -> memref<64x2304xf32, #tpu.memory_space<vmem_shared>>
    tpu.enqueue_dma source(%dma_start3A_104 : memref<64x2304xf32, #tpu.memory_space<vmem_shared>>) target(%dma_start3A_100 : memref<64x2304xf32, #tpu.memory_space<hbm>>) target_semaphore(%arg16 : memref<!tpu.dma_semaphore, #tpu.memory_space<semaphore_mem>>)
    %dma_wait3A_105 = arith.constant 0 : i32
    %dma_wait3A_106 = arith.constant 0 : i32
    %dma_wait3A_107 = tpu.memref_slice %arg3[%add3A_67, %dma_wait3A_106] : memref<8192x2304xf32, #tpu.memory_space<hbm>> -> memref<64x2304xf32, #tpu.memory_space<hbm>>
    %dma_wait3A_108 = arith.constant 0 : i32
    %dma_wait3A_109 = arith.constant 0 : i32
    %dma_wait3A_110 = tpu.memref_slice %arg13[%dma_wait3A_105, %dma_wait3A_108, %dma_wait3A_109] : memref<2x64x2304xf32, #tpu.memory_space<vmem_shared>> -> memref<1x64x2304xf32, #tpu.memory_space<vmem_shared>>
    %dma_wait3A_111 = tpu.memref_squeeze %dma_wait3A_110 : memref<1x64x2304xf32, #tpu.memory_space<vmem_shared>> -> memref<64x2304xf32, #tpu.memory_space<vmem_shared>>
    tpu.wait_dma2 semaphore(%arg15 : memref<!tpu.dma_semaphore, #tpu.memory_space<semaphore_mem>>) src(%dma_wait3A_111 : memref<64x2304xf32, #tpu.memory_space<vmem_shared>>) dst(%dma_wait3A_107 : memref<64x2304xf32, #tpu.memory_space<hbm>>)
    %dma_wait3A_112 = arith.constant 1 : i32
    %dma_wait3A_113 = arith.constant 0 : i32
    %dma_wait3A_114 = tpu.memref_slice %arg3[%add3A_97, %dma_wait3A_113] : memref<8192x2304xf32, #tpu.memory_space<hbm>> -> memref<64x2304xf32, #tpu.memory_space<hbm>>
    %dma_wait3A_115 = arith.constant 0 : i32
    %dma_wait3A_116 = arith.constant 0 : i32
    %dma_wait3A_117 = tpu.memref_slice %arg13[%dma_wait3A_112, %dma_wait3A_115, %dma_wait3A_116] : memref<2x64x2304xf32, #tpu.memory_space<vmem_shared>> -> memref<1x64x2304xf32, #tpu.memory_space<vmem_shared>>
    %dma_wait3A_118 = tpu.memref_squeeze %dma_wait3A_117 : memref<1x64x2304xf32, #tpu.memory_space<vmem_shared>> -> memref<64x2304xf32, #tpu.memory_space<vmem_shared>>
    tpu.wait_dma2 semaphore(%arg16 : memref<!tpu.dma_semaphore, #tpu.memory_space<semaphore_mem>>) src(%dma_wait3A_118 : memref<64x2304xf32, #tpu.memory_space<vmem_shared>>) dst(%dma_wait3A_114 : memref<64x2304xf32, #tpu.memory_space<hbm>>)
    return
  }
  func.func @tec_fn(%arg0: i32, %arg1: i32, %arg2: memref<8192xi32, #tpu.memory_space<hbm>>, %arg3: memref<257216x2304xf32, #tpu.memory_space<hbm>>, %arg4: memref<8192x2304xf32, #tpu.memory_space<hbm>>, %arg5: memref<240xi32, #tpu.memory_space<vmem>>, %arg6: memref<3x16x2304xf32, #tpu.memory_space<vmem>>, %arg7: memref<!tpu.dma_semaphore, #tpu.memory_space<semaphore_mem>>, %arg8: memref<!tpu.dma_semaphore, #tpu.memory_space<semaphore_mem>>, %arg9: memref<!tpu.dma_semaphore, #tpu.memory_space<semaphore_mem>>, %arg10: memref<!tpu.dma_semaphore, #tpu.memory_space<semaphore_mem>>, %arg11: memref<!tpu.dma_semaphore, #tpu.memory_space<semaphore_mem>>, %arg12: memref<!tpu.dma_semaphore, #tpu.memory_space<semaphore_mem>>, %arg13: memref<256xi32, #tpu.memory_space<smem, sc_scalar_subcore>>, %arg14: memref<2x64x2304xf32, #tpu.memory_space<vmem_shared>>, %arg15: memref<!tpu.dma_semaphore, #tpu.memory_space<semaphore_mem, sc_scalar_subcore>>, %arg16: memref<!tpu.dma_semaphore, #tpu.memory_space<semaphore_mem, sc_scalar_subcore>>, %arg17: memref<!tpu.dma_semaphore, #tpu.memory_space<semaphore_mem, sc_scalar_subcore>>) attributes {dimension_semantics = [#tpu.dimension_semantics<core_parallel>, #tpu.dimension_semantics<subcore_parallel>], iteration_bounds = array<i64: 2, 16>, scalar_prefetch = 0 : i64, scratch_operands = 13 : i64, tpu.core_type = #tpu.core_type<sc_vector_subcore>, window_params = [{transform_indices = #map2}, {transform_indices = #map3}, {transform_indices = #map3}]} {
    %mul3A = arith.constant 2 : i32
    %mul3A_0 = arith.muli %arg1, %mul3A : i32
    %add3A = arith.addi %mul3A_0, %arg0 : i32
    %mul3A_1 = arith.constant 240 : i32
    %mul3A_2 = arith.muli %add3A, %mul3A_1 : i32
    "tpu.region"() ({
      %run_scoped3A = tpu.sem_alloc : memref<!tpu.dma_semaphore, #tpu.memory_space<semaphore_mem>>
      %dma_start3A_721 = tpu.memref_slice %arg2[%mul3A_2] : memref<8192xi32, #tpu.memory_space<hbm>> -> memref<240xi32, #tpu.memory_space<hbm>>
      %dma_start3A_722 = tpu.memref_slice %arg2[%mul3A_2] : memref<8192xi32, #tpu.memory_space<hbm>> -> memref<240xi32, #tpu.memory_space<hbm>>
      tpu.enqueue_dma source(%dma_start3A_722 : memref<240xi32, #tpu.memory_space<hbm>>) target(%arg5 : memref<240xi32, #tpu.memory_space<vmem>>) target_semaphore(%run_scoped3A : memref<!tpu.dma_semaphore, #tpu.memory_space<semaphore_mem>>)
      %dma_wait3A_723 = tpu.memref_slice %arg2[%mul3A_2] : memref<8192xi32, #tpu.memory_space<hbm>> -> memref<240xi32, #tpu.memory_space<hbm>>
      %dma_wait3A_724 = tpu.memref_slice %arg2[%mul3A_2] : memref<8192xi32, #tpu.memory_space<hbm>> -> memref<240xi32, #tpu.memory_space<hbm>>
      tpu.wait_dma2 semaphore(%run_scoped3A : memref<!tpu.dma_semaphore, #tpu.memory_space<semaphore_mem>>) src(%dma_wait3A_724 : memref<240xi32, #tpu.memory_space<hbm>>) dst(%arg5 : memref<240xi32, #tpu.memory_space<vmem>>)
      tpu.yield
    }) : () -> ()
    %dma_start3A = arith.constant 0 : i32
    %dma_start3A_3 = arith.constant 0 : i32
    %dma_start3A_4 = arith.constant 0 : i32
    %dma_start3A_5 = tpu.memref_slice %arg6[%dma_start3A, %dma_start3A_3, %dma_start3A_4] : memref<3x16x2304xf32, #tpu.memory_space<vmem>> -> memref<1x16x2304xf32, #tpu.memory_space<vmem>>
    %dma_start3A_6 = tpu.memref_squeeze %dma_start3A_5 : memref<1x16x2304xf32, #tpu.memory_space<vmem>> -> memref<16x2304xf32, #tpu.memory_space<vmem>>
    %dma_start3A_7 = arith.constant 0 : i32
    %dma_start3A_8 = tpu.memref_slice %arg5[%dma_start3A_7] : memref<240xi32, #tpu.memory_space<vmem>> -> memref<16xi32, #tpu.memory_space<vmem>>
    %dma_start3A_9 = arith.constant 0 : i32
    %dma_start3A_10 = arith.constant 0 : i32
    %dma_start3A_11 = tpu.memref_slice %arg3[%dma_start3A_9, %dma_start3A_10] : memref<257216x2304xf32, #tpu.memory_space<hbm>> -> memref<257216x2304xf32, #tpu.memory_space<hbm>>
    tpu.enqueue_indirect_dma source(%dma_start3A_11 : memref<257216x2304xf32, #tpu.memory_space<hbm>>) target(%dma_start3A_6 : memref<16x2304xf32, #tpu.memory_space<vmem>>) offsets(%dma_start3A_8 : memref<16xi32, #tpu.memory_space<vmem>>) semaphore(%arg7 : memref<!tpu.dma_semaphore, #tpu.memory_space<semaphore_mem>>)
    %dma_start3A_12 = arith.constant 1 : i32
    %dma_start3A_13 = arith.constant 0 : i32
    %dma_start3A_14 = arith.constant 0 : i32
    %dma_start3A_15 = tpu.memref_slice %arg6[%dma_start3A_12, %dma_start3A_13, %dma_start3A_14] : memref<3x16x2304xf32, #tpu.memory_space<vmem>> -> memref<1x16x2304xf32, #tpu.memory_space<vmem>>
    %dma_start3A_16 = tpu.memref_squeeze %dma_start3A_15 : memref<1x16x2304xf32, #tpu.memory_space<vmem>> -> memref<16x2304xf32, #tpu.memory_space<vmem>>
    %dma_start3A_17 = arith.constant 16 : i32
    %dma_start3A_18 = tpu.memref_slice %arg5[%dma_start3A_17] : memref<240xi32, #tpu.memory_space<vmem>> -> memref<16xi32, #tpu.memory_space<vmem>>
    %dma_start3A_19 = arith.constant 0 : i32
    %dma_start3A_20 = arith.constant 0 : i32
    %dma_start3A_21 = tpu.memref_slice %arg3[%dma_start3A_19, %dma_start3A_20] : memref<257216x2304xf32, #tpu.memory_space<hbm>> -> memref<257216x2304xf32, #tpu.memory_space<hbm>>
    tpu.enqueue_indirect_dma source(%dma_start3A_21 : memref<257216x2304xf32, #tpu.memory_space<hbm>>) target(%dma_start3A_16 : memref<16x2304xf32, #tpu.memory_space<vmem>>) offsets(%dma_start3A_18 : memref<16xi32, #tpu.memory_space<vmem>>) semaphore(%arg8 : memref<!tpu.dma_semaphore, #tpu.memory_space<semaphore_mem>>)
    %dma_start3A_22 = arith.constant 2 : i32
    %dma_start3A_23 = arith.constant 0 : i32
    %dma_start3A_24 = arith.constant 0 : i32
    %dma_start3A_25 = tpu.memref_slice %arg6[%dma_start3A_22, %dma_start3A_23, %dma_start3A_24] : memref<3x16x2304xf32, #tpu.memory_space<vmem>> -> memref<1x16x2304xf32, #tpu.memory_space<vmem>>
    %dma_start3A_26 = tpu.memref_squeeze %dma_start3A_25 : memref<1x16x2304xf32, #tpu.memory_space<vmem>> -> memref<16x2304xf32, #tpu.memory_space<vmem>>
    %dma_start3A_27 = arith.constant 32 : i32
    %dma_start3A_28 = tpu.memref_slice %arg5[%dma_start3A_27] : memref<240xi32, #tpu.memory_space<vmem>> -> memref<16xi32, #tpu.memory_space<vmem>>
    %dma_start3A_29 = arith.constant 0 : i32
    %dma_start3A_30 = arith.constant 0 : i32
    %dma_start3A_31 = tpu.memref_slice %arg3[%dma_start3A_29, %dma_start3A_30] : memref<257216x2304xf32, #tpu.memory_space<hbm>> -> memref<257216x2304xf32, #tpu.memory_space<hbm>>
    tpu.enqueue_indirect_dma source(%dma_start3A_31 : memref<257216x2304xf32, #tpu.memory_space<hbm>>) target(%dma_start3A_26 : memref<16x2304xf32, #tpu.memory_space<vmem>>) offsets(%dma_start3A_28 : memref<16xi32, #tpu.memory_space<vmem>>) semaphore(%arg9 : memref<!tpu.dma_semaphore, #tpu.memory_space<semaphore_mem>>)
    %dma_wait3A = arith.constant 0 : i32
    %dma_wait3A_32 = arith.constant 0 : i32
    %dma_wait3A_33 = arith.constant 0 : i32
    %dma_wait3A_34 = tpu.memref_slice %arg6[%dma_wait3A, %dma_wait3A_32, %dma_wait3A_33] : memref<3x16x2304xf32, #tpu.memory_space<vmem>> -> memref<1x16x2304xf32, #tpu.memory_space<vmem>>
    %dma_wait3A_35 = tpu.memref_squeeze %dma_wait3A_34 : memref<1x16x2304xf32, #tpu.memory_space<vmem>> -> memref<16x2304xf32, #tpu.memory_space<vmem>>
    %dma_wait3A_36 = arith.constant 0 : i32
    %dma_wait3A_37 = tpu.memref_slice %arg5[%dma_wait3A_36] : memref<240xi32, #tpu.memory_space<vmem>> -> memref<16xi32, #tpu.memory_space<vmem>>
    %dma_wait3A_38 = arith.constant 0 : i32
    %dma_wait3A_39 = arith.constant 0 : i32
    %dma_wait3A_40 = tpu.memref_slice %arg3[%dma_wait3A_38, %dma_wait3A_39] : memref<257216x2304xf32, #tpu.memory_space<hbm>> -> memref<257216x2304xf32, #tpu.memory_space<hbm>>
    tpu.wait_indirect_dma semaphore(%arg7 : memref<!tpu.dma_semaphore, #tpu.memory_space<semaphore_mem>>) src(%dma_wait3A_40 : memref<257216x2304xf32, #tpu.memory_space<hbm>>) dst(%dma_wait3A_35 : memref<16x2304xf32, #tpu.memory_space<vmem>>)
    %add3A_41 = arith.constant 0 : i32
    %add3A_42 = arith.addi %mul3A_2, %add3A_41 : i32
    %dma_start3A_43 = arith.constant 0 : i32
    %dma_start3A_44 = arith.constant 0 : i32
    %dma_start3A_45 = arith.constant 0 : i32
    %dma_start3A_46 = tpu.memref_slice %arg6[%dma_start3A_43, %dma_start3A_44, %dma_start3A_45] : memref<3x16x2304xf32, #tpu.memory_space<vmem>> -> memref<1x16x2304xf32, #tpu.memory_space<vmem>>
    %dma_start3A_47 = tpu.memref_squeeze %dma_start3A_46 : memref<1x16x2304xf32, #tpu.memory_space<vmem>> -> memref<16x2304xf32, #tpu.memory_space<vmem>>
    %dma_start3A_48 = arith.constant 0 : i32
    %dma_start3A_49 = tpu.memref_slice %arg4[%add3A_42, %dma_start3A_48] : memref<8192x2304xf32, #tpu.memory_space<hbm>> -> memref<16x2304xf32, #tpu.memory_space<hbm>>
    %dma_start3A_50 = arith.constant 0 : i32
    %dma_start3A_51 = tpu.memref_slice %arg4[%add3A_42, %dma_start3A_50] : memref<8192x2304xf32, #tpu.memory_space<hbm>> -> memref<16x2304xf32, #tpu.memory_space<hbm>>
    %dma_start3A_52 = arith.constant 0 : i32
    %dma_start3A_53 = arith.constant 0 : i32
    %dma_start3A_54 = tpu.memref_slice %arg6[%dma_start3A_43, %dma_start3A_52, %dma_start3A_53] : memref<3x16x2304xf32, #tpu.memory_space<vmem>> -> memref<1x16x2304xf32, #tpu.memory_space<vmem>>
    %dma_start3A_55 = tpu.memref_squeeze %dma_start3A_54 : memref<1x16x2304xf32, #tpu.memory_space<vmem>> -> memref<16x2304xf32, #tpu.memory_space<vmem>>
    tpu.enqueue_dma source(%dma_start3A_55 : memref<16x2304xf32, #tpu.memory_space<vmem>>) target(%dma_start3A_51 : memref<16x2304xf32, #tpu.memory_space<hbm>>) target_semaphore(%arg10 : memref<!tpu.dma_semaphore, #tpu.memory_space<semaphore_mem>>)
    %dma_wait3A_56 = arith.constant 0 : i32
    %dma_wait3A_57 = arith.constant 0 : i32
    %dma_wait3A_58 = arith.constant 0 : i32
    %dma_wait3A_59 = tpu.memref_slice %arg6[%dma_wait3A_56, %dma_wait3A_57, %dma_wait3A_58] : memref<3x16x2304xf32, #tpu.memory_space<vmem>> -> memref<1x16x2304xf32, #tpu.memory_space<vmem>>
    %dma_wait3A_60 = tpu.memref_squeeze %dma_wait3A_59 : memref<1x16x2304xf32, #tpu.memory_space<vmem>> -> memref<16x2304xf32, #tpu.memory_space<vmem>>
    %dma_wait3A_61 = arith.constant 0 : i32
    %dma_wait3A_62 = tpu.memref_slice %arg4[%add3A_42, %dma_wait3A_61] : memref<8192x2304xf32, #tpu.memory_space<hbm>> -> memref<16x2304xf32, #tpu.memory_space<hbm>>
    %dma_wait3A_63 = arith.constant 0 : i32
    %dma_wait3A_64 = tpu.memref_slice %arg4[%add3A_42, %dma_wait3A_63] : memref<8192x2304xf32, #tpu.memory_space<hbm>> -> memref<16x2304xf32, #tpu.memory_space<hbm>>
    %dma_wait3A_65 = arith.constant 0 : i32
    %dma_wait3A_66 = arith.constant 0 : i32
    %dma_wait3A_67 = tpu.memref_slice %arg6[%dma_wait3A_56, %dma_wait3A_65, %dma_wait3A_66] : memref<3x16x2304xf32, #tpu.memory_space<vmem>> -> memref<1x16x2304xf32, #tpu.memory_space<vmem>>
    %dma_wait3A_68 = tpu.memref_squeeze %dma_wait3A_67 : memref<1x16x2304xf32, #tpu.memory_space<vmem>> -> memref<16x2304xf32, #tpu.memory_space<vmem>>
    tpu.wait_dma2 semaphore(%arg10 : memref<!tpu.dma_semaphore, #tpu.memory_space<semaphore_mem>>) src(%dma_wait3A_68 : memref<16x2304xf32, #tpu.memory_space<vmem>>) dst(%dma_wait3A_64 : memref<16x2304xf32, #tpu.memory_space<hbm>>)
    %dma_start3A_69 = arith.constant 0 : i32
    %dma_start3A_70 = arith.constant 0 : i32
    %dma_start3A_71 = arith.constant 0 : i32
    %dma_start3A_72 = tpu.memref_slice %arg6[%dma_start3A_69, %dma_start3A_70, %dma_start3A_71] : memref<3x16x2304xf32, #tpu.memory_space<vmem>> -> memref<1x16x2304xf32, #tpu.memory_space<vmem>>
    %dma_start3A_73 = tpu.memref_squeeze %dma_start3A_72 : memref<1x16x2304xf32, #tpu.memory_space<vmem>> -> memref<16x2304xf32, #tpu.memory_space<vmem>>
    %dma_start3A_74 = arith.constant 48 : i32
    %dma_start3A_75 = tpu.memref_slice %arg5[%dma_start3A_74] : memref<240xi32, #tpu.memory_space<vmem>> -> memref<16xi32, #tpu.memory_space<vmem>>
    %dma_start3A_76 = arith.constant 0 : i32
    %dma_start3A_77 = arith.constant 0 : i32
    %dma_start3A_78 = tpu.memref_slice %arg3[%dma_start3A_76, %dma_start3A_77] : memref<257216x2304xf32, #tpu.memory_space<hbm>> -> memref<257216x2304xf32, #tpu.memory_space<hbm>>
    tpu.enqueue_indirect_dma source(%dma_start3A_78 : memref<257216x2304xf32, #tpu.memory_space<hbm>>) target(%dma_start3A_73 : memref<16x2304xf32, #tpu.memory_space<vmem>>) offsets(%dma_start3A_75 : memref<16xi32, #tpu.memory_space<vmem>>) semaphore(%arg7 : memref<!tpu.dma_semaphore, #tpu.memory_space<semaphore_mem>>)
    %dma_wait3A_79 = arith.constant 1 : i32
    %dma_wait3A_80 = arith.constant 0 : i32
    %dma_wait3A_81 = arith.constant 0 : i32
    %dma_wait3A_82 = tpu.memref_slice %arg6[%dma_wait3A_79, %dma_wait3A_80, %dma_wait3A_81] : memref<3x16x2304xf32, #tpu.memory_space<vmem>> -> memref<1x16x2304xf32, #tpu.memory_space<vmem>>
    %dma_wait3A_83 = tpu.memref_squeeze %dma_wait3A_82 : memref<1x16x2304xf32, #tpu.memory_space<vmem>> -> memref<16x2304xf32, #tpu.memory_space<vmem>>
    %dma_wait3A_84 = arith.constant 16 : i32
    %dma_wait3A_85 = tpu.memref_slice %arg5[%dma_wait3A_84] : memref<240xi32, #tpu.memory_space<vmem>> -> memref<16xi32, #tpu.memory_space<vmem>>
    %dma_wait3A_86 = arith.constant 0 : i32
    %dma_wait3A_87 = arith.constant 0 : i32
    %dma_wait3A_88 = tpu.memref_slice %arg3[%dma_wait3A_86, %dma_wait3A_87] : memref<257216x2304xf32, #tpu.memory_space<hbm>> -> memref<257216x2304xf32, #tpu.memory_space<hbm>>
    tpu.wait_indirect_dma semaphore(%arg8 : memref<!tpu.dma_semaphore, #tpu.memory_space<semaphore_mem>>) src(%dma_wait3A_88 : memref<257216x2304xf32, #tpu.memory_space<hbm>>) dst(%dma_wait3A_83 : memref<16x2304xf32, #tpu.memory_space<vmem>>)
    %add3A_89 = arith.constant 16 : i32
    %add3A_90 = arith.addi %mul3A_2, %add3A_89 : i32
    %dma_start3A_91 = arith.constant 1 : i32
    %dma_start3A_92 = arith.constant 0 : i32
    %dma_start3A_93 = arith.constant 0 : i32
    %dma_start3A_94 = tpu.memref_slice %arg6[%dma_start3A_91, %dma_start3A_92, %dma_start3A_93] : memref<3x16x2304xf32, #tpu.memory_space<vmem>> -> memref<1x16x2304xf32, #tpu.memory_space<vmem>>
    %dma_start3A_95 = tpu.memref_squeeze %dma_start3A_94 : memref<1x16x2304xf32, #tpu.memory_space<vmem>> -> memref<16x2304xf32, #tpu.memory_space<vmem>>
    %dma_start3A_96 = arith.constant 0 : i32
    %dma_start3A_97 = tpu.memref_slice %arg4[%add3A_90, %dma_start3A_96] : memref<8192x2304xf32, #tpu.memory_space<hbm>> -> memref<16x2304xf32, #tpu.memory_space<hbm>>
    %dma_start3A_98 = arith.constant 0 : i32
    %dma_start3A_99 = tpu.memref_slice %arg4[%add3A_90, %dma_start3A_98] : memref<8192x2304xf32, #tpu.memory_space<hbm>> -> memref<16x2304xf32, #tpu.memory_space<hbm>>
    %dma_start3A_100 = arith.constant 0 : i32
    %dma_start3A_101 = arith.constant 0 : i32
    %dma_start3A_102 = tpu.memref_slice %arg6[%dma_start3A_91, %dma_start3A_100, %dma_start3A_101] : memref<3x16x2304xf32, #tpu.memory_space<vmem>> -> memref<1x16x2304xf32, #tpu.memory_space<vmem>>
    %dma_start3A_103 = tpu.memref_squeeze %dma_start3A_102 : memref<1x16x2304xf32, #tpu.memory_space<vmem>> -> memref<16x2304xf32, #tpu.memory_space<vmem>>
    tpu.enqueue_dma source(%dma_start3A_103 : memref<16x2304xf32, #tpu.memory_space<vmem>>) target(%dma_start3A_99 : memref<16x2304xf32, #tpu.memory_space<hbm>>) target_semaphore(%arg11 : memref<!tpu.dma_semaphore, #tpu.memory_space<semaphore_mem>>)
    %dma_wait3A_104 = arith.constant 1 : i32
    %dma_wait3A_105 = arith.constant 0 : i32
    %dma_wait3A_106 = arith.constant 0 : i32
    %dma_wait3A_107 = tpu.memref_slice %arg6[%dma_wait3A_104, %dma_wait3A_105, %dma_wait3A_106] : memref<3x16x2304xf32, #tpu.memory_space<vmem>> -> memref<1x16x2304xf32, #tpu.memory_space<vmem>>
    %dma_wait3A_108 = tpu.memref_squeeze %dma_wait3A_107 : memref<1x16x2304xf32, #tpu.memory_space<vmem>> -> memref<16x2304xf32, #tpu.memory_space<vmem>>
    %dma_wait3A_109 = arith.constant 0 : i32
    %dma_wait3A_110 = tpu.memref_slice %arg4[%add3A_90, %dma_wait3A_109] : memref<8192x2304xf32, #tpu.memory_space<hbm>> -> memref<16x2304xf32, #tpu.memory_space<hbm>>
    %dma_wait3A_111 = arith.constant 0 : i32
    %dma_wait3A_112 = tpu.memref_slice %arg4[%add3A_90, %dma_wait3A_111] : memref<8192x2304xf32, #tpu.memory_space<hbm>> -> memref<16x2304xf32, #tpu.memory_space<hbm>>
    %dma_wait3A_113 = arith.constant 0 : i32
    %dma_wait3A_114 = arith.constant 0 : i32
    %dma_wait3A_115 = tpu.memref_slice %arg6[%dma_wait3A_104, %dma_wait3A_113, %dma_wait3A_114] : memref<3x16x2304xf32, #tpu.memory_space<vmem>> -> memref<1x16x2304xf32, #tpu.memory_space<vmem>>
    %dma_wait3A_116 = tpu.memref_squeeze %dma_wait3A_115 : memref<1x16x2304xf32, #tpu.memory_space<vmem>> -> memref<16x2304xf32, #tpu.memory_space<vmem>>
    tpu.wait_dma2 semaphore(%arg11 : memref<!tpu.dma_semaphore, #tpu.memory_space<semaphore_mem>>) src(%dma_wait3A_116 : memref<16x2304xf32, #tpu.memory_space<vmem>>) dst(%dma_wait3A_112 : memref<16x2304xf32, #tpu.memory_space<hbm>>)
    %dma_start3A_117 = arith.constant 1 : i32
    %dma_start3A_118 = arith.constant 0 : i32
    %dma_start3A_119 = arith.constant 0 : i32
    %dma_start3A_120 = tpu.memref_slice %arg6[%dma_start3A_117, %dma_start3A_118, %dma_start3A_119] : memref<3x16x2304xf32, #tpu.memory_space<vmem>> -> memref<1x16x2304xf32, #tpu.memory_space<vmem>>
    %dma_start3A_121 = tpu.memref_squeeze %dma_start3A_120 : memref<1x16x2304xf32, #tpu.memory_space<vmem>> -> memref<16x2304xf32, #tpu.memory_space<vmem>>
    %dma_start3A_122 = arith.constant 64 : i32
    %dma_start3A_123 = tpu.memref_slice %arg5[%dma_start3A_122] : memref<240xi32, #tpu.memory_space<vmem>> -> memref<16xi32, #tpu.memory_space<vmem>>
    %dma_start3A_124 = arith.constant 0 : i32
    %dma_start3A_125 = arith.constant 0 : i32
    %dma_start3A_126 = tpu.memref_slice %arg3[%dma_start3A_124, %dma_start3A_125] : memref<257216x2304xf32, #tpu.memory_space<hbm>> -> memref<257216x2304xf32, #tpu.memory_space<hbm>>
    tpu.enqueue_indirect_dma source(%dma_start3A_126 : memref<257216x2304xf32, #tpu.memory_space<hbm>>) target(%dma_start3A_121 : memref<16x2304xf32, #tpu.memory_space<vmem>>) offsets(%dma_start3A_123 : memref<16xi32, #tpu.memory_space<vmem>>) semaphore(%arg8 : memref<!tpu.dma_semaphore, #tpu.memory_space<semaphore_mem>>)
    %dma_wait3A_127 = arith.constant 2 : i32
    %dma_wait3A_128 = arith.constant 0 : i32
    %dma_wait3A_129 = arith.constant 0 : i32
    %dma_wait3A_130 = tpu.memref_slice %arg6[%dma_wait3A_127, %dma_wait3A_128, %dma_wait3A_129] : memref<3x16x2304xf32, #tpu.memory_space<vmem>> -> memref<1x16x2304xf32, #tpu.memory_space<vmem>>
    %dma_wait3A_131 = tpu.memref_squeeze %dma_wait3A_130 : memref<1x16x2304xf32, #tpu.memory_space<vmem>> -> memref<16x2304xf32, #tpu.memory_space<vmem>>
    %dma_wait3A_132 = arith.constant 32 : i32
    %dma_wait3A_133 = tpu.memref_slice %arg5[%dma_wait3A_132] : memref<240xi32, #tpu.memory_space<vmem>> -> memref<16xi32, #tpu.memory_space<vmem>>
    %dma_wait3A_134 = arith.constant 0 : i32
    %dma_wait3A_135 = arith.constant 0 : i32
    %dma_wait3A_136 = tpu.memref_slice %arg3[%dma_wait3A_134, %dma_wait3A_135] : memref<257216x2304xf32, #tpu.memory_space<hbm>> -> memref<257216x2304xf32, #tpu.memory_space<hbm>>
    tpu.wait_indirect_dma semaphore(%arg9 : memref<!tpu.dma_semaphore, #tpu.memory_space<semaphore_mem>>) src(%dma_wait3A_136 : memref<257216x2304xf32, #tpu.memory_space<hbm>>) dst(%dma_wait3A_131 : memref<16x2304xf32, #tpu.memory_space<vmem>>)
    %add3A_137 = arith.constant 32 : i32
    %add3A_138 = arith.addi %mul3A_2, %add3A_137 : i32
    %dma_start3A_139 = arith.constant 2 : i32
    %dma_start3A_140 = arith.constant 0 : i32
    %dma_start3A_141 = arith.constant 0 : i32
    %dma_start3A_142 = tpu.memref_slice %arg6[%dma_start3A_139, %dma_start3A_140, %dma_start3A_141] : memref<3x16x2304xf32, #tpu.memory_space<vmem>> -> memref<1x16x2304xf32, #tpu.memory_space<vmem>>
    %dma_start3A_143 = tpu.memref_squeeze %dma_start3A_142 : memref<1x16x2304xf32, #tpu.memory_space<vmem>> -> memref<16x2304xf32, #tpu.memory_space<vmem>>
    %dma_start3A_144 = arith.constant 0 : i32
    %dma_start3A_145 = tpu.memref_slice %arg4[%add3A_138, %dma_start3A_144] : memref<8192x2304xf32, #tpu.memory_space<hbm>> -> memref<16x2304xf32, #tpu.memory_space<hbm>>
    %dma_start3A_146 = arith.constant 0 : i32
    %dma_start3A_147 = tpu.memref_slice %arg4[%add3A_138, %dma_start3A_146] : memref<8192x2304xf32, #tpu.memory_space<hbm>> -> memref<16x2304xf32, #tpu.memory_space<hbm>>
    %dma_start3A_148 = arith.constant 0 : i32
    %dma_start3A_149 = arith.constant 0 : i32
    %dma_start3A_150 = tpu.memref_slice %arg6[%dma_start3A_139, %dma_start3A_148, %dma_start3A_149] : memref<3x16x2304xf32, #tpu.memory_space<vmem>> -> memref<1x16x2304xf32, #tpu.memory_space<vmem>>
    %dma_start3A_151 = tpu.memref_squeeze %dma_start3A_150 : memref<1x16x2304xf32, #tpu.memory_space<vmem>> -> memref<16x2304xf32, #tpu.memory_space<vmem>>
    tpu.enqueue_dma source(%dma_start3A_151 : memref<16x2304xf32, #tpu.memory_space<vmem>>) target(%dma_start3A_147 : memref<16x2304xf32, #tpu.memory_space<hbm>>) target_semaphore(%arg12 : memref<!tpu.dma_semaphore, #tpu.memory_space<semaphore_mem>>)
    %dma_wait3A_152 = arith.constant 2 : i32
    %dma_wait3A_153 = arith.constant 0 : i32
    %dma_wait3A_154 = arith.constant 0 : i32
    %dma_wait3A_155 = tpu.memref_slice %arg6[%dma_wait3A_152, %dma_wait3A_153, %dma_wait3A_154] : memref<3x16x2304xf32, #tpu.memory_space<vmem>> -> memref<1x16x2304xf32, #tpu.memory_space<vmem>>
    %dma_wait3A_156 = tpu.memref_squeeze %dma_wait3A_155 : memref<1x16x2304xf32, #tpu.memory_space<vmem>> -> memref<16x2304xf32, #tpu.memory_space<vmem>>
    %dma_wait3A_157 = arith.constant 0 : i32
    %dma_wait3A_158 = tpu.memref_slice %arg4[%add3A_138, %dma_wait3A_157] : memref<8192x2304xf32, #tpu.memory_space<hbm>> -> memref<16x2304xf32, #tpu.memory_space<hbm>>
    %dma_wait3A_159 = arith.constant 0 : i32
    %dma_wait3A_160 = tpu.memref_slice %arg4[%add3A_138, %dma_wait3A_159] : memref<8192x2304xf32, #tpu.memory_space<hbm>> -> memref<16x2304xf32, #tpu.memory_space<hbm>>
    %dma_wait3A_161 = arith.constant 0 : i32
    %dma_wait3A_162 = arith.constant 0 : i32
    %dma_wait3A_163 = tpu.memref_slice %arg6[%dma_wait3A_152, %dma_wait3A_161, %dma_wait3A_162] : memref<3x16x2304xf32, #tpu.memory_space<vmem>> -> memref<1x16x2304xf32, #tpu.memory_space<vmem>>
    %dma_wait3A_164 = tpu.memref_squeeze %dma_wait3A_163 : memref<1x16x2304xf32, #tpu.memory_space<vmem>> -> memref<16x2304xf32, #tpu.memory_space<vmem>>
    tpu.wait_dma2 semaphore(%arg12 : memref<!tpu.dma_semaphore, #tpu.memory_space<semaphore_mem>>) src(%dma_wait3A_164 : memref<16x2304xf32, #tpu.memory_space<vmem>>) dst(%dma_wait3A_160 : memref<16x2304xf32, #tpu.memory_space<hbm>>)
    %dma_start3A_165 = arith.constant 2 : i32
    %dma_start3A_166 = arith.constant 0 : i32
    %dma_start3A_167 = arith.constant 0 : i32
    %dma_start3A_168 = tpu.memref_slice %arg6[%dma_start3A_165, %dma_start3A_166, %dma_start3A_167] : memref<3x16x2304xf32, #tpu.memory_space<vmem>> -> memref<1x16x2304xf32, #tpu.memory_space<vmem>>
    %dma_start3A_169 = tpu.memref_squeeze %dma_start3A_168 : memref<1x16x2304xf32, #tpu.memory_space<vmem>> -> memref<16x2304xf32, #tpu.memory_space<vmem>>
    %dma_start3A_170 = arith.constant 80 : i32
    %dma_start3A_171 = tpu.memref_slice %arg5[%dma_start3A_170] : memref<240xi32, #tpu.memory_space<vmem>> -> memref<16xi32, #tpu.memory_space<vmem>>
    %dma_start3A_172 = arith.constant 0 : i32
    %dma_start3A_173 = arith.constant 0 : i32
    %dma_start3A_174 = tpu.memref_slice %arg3[%dma_start3A_172, %dma_start3A_173] : memref<257216x2304xf32, #tpu.memory_space<hbm>> -> memref<257216x2304xf32, #tpu.memory_space<hbm>>
    tpu.enqueue_indirect_dma source(%dma_start3A_174 : memref<257216x2304xf32, #tpu.memory_space<hbm>>) target(%dma_start3A_169 : memref<16x2304xf32, #tpu.memory_space<vmem>>) offsets(%dma_start3A_171 : memref<16xi32, #tpu.memory_space<vmem>>) semaphore(%arg9 : memref<!tpu.dma_semaphore, #tpu.memory_space<semaphore_mem>>)
    %dma_wait3A_175 = arith.constant 0 : i32
    %dma_wait3A_176 = arith.constant 0 : i32
    %dma_wait3A_177 = arith.constant 0 : i32
    %dma_wait3A_178 = tpu.memref_slice %arg6[%dma_wait3A_175, %dma_wait3A_176, %dma_wait3A_177] : memref<3x16x2304xf32, #tpu.memory_space<vmem>> -> memref<1x16x2304xf32, #tpu.memory_space<vmem>>
    %dma_wait3A_179 = tpu.memref_squeeze %dma_wait3A_178 : memref<1x16x2304xf32, #tpu.memory_space<vmem>> -> memref<16x2304xf32, #tpu.memory_space<vmem>>
    %dma_wait3A_180 = arith.constant 48 : i32
    %dma_wait3A_181 = tpu.memref_slice %arg5[%dma_wait3A_180] : memref<240xi32, #tpu.memory_space<vmem>> -> memref<16xi32, #tpu.memory_space<vmem>>
    %dma_wait3A_182 = arith.constant 0 : i32
    %dma_wait3A_183 = arith.constant 0 : i32
    %dma_wait3A_184 = tpu.memref_slice %arg3[%dma_wait3A_182, %dma_wait3A_183] : memref<257216x2304xf32, #tpu.memory_space<hbm>> -> memref<257216x2304xf32, #tpu.memory_space<hbm>>
    tpu.wait_indirect_dma semaphore(%arg7 : memref<!tpu.dma_semaphore, #tpu.memory_space<semaphore_mem>>) src(%dma_wait3A_184 : memref<257216x2304xf32, #tpu.memory_space<hbm>>) dst(%dma_wait3A_179 : memref<16x2304xf32, #tpu.memory_space<vmem>>)
    %add3A_185 = arith.constant 48 : i32
    %add3A_186 = arith.addi %mul3A_2, %add3A_185 : i32
    %dma_start3A_187 = arith.constant 0 : i32
    %dma_start3A_188 = arith.constant 0 : i32
    %dma_start3A_189 = arith.constant 0 : i32
    %dma_start3A_190 = tpu.memref_slice %arg6[%dma_start3A_187, %dma_start3A_188, %dma_start3A_189] : memref<3x16x2304xf32, #tpu.memory_space<vmem>> -> memref<1x16x2304xf32, #tpu.memory_space<vmem>>
    %dma_start3A_191 = tpu.memref_squeeze %dma_start3A_190 : memref<1x16x2304xf32, #tpu.memory_space<vmem>> -> memref<16x2304xf32, #tpu.memory_space<vmem>>
    %dma_start3A_192 = arith.constant 0 : i32
    %dma_start3A_193 = tpu.memref_slice %arg4[%add3A_186, %dma_start3A_192] : memref<8192x2304xf32, #tpu.memory_space<hbm>> -> memref<16x2304xf32, #tpu.memory_space<hbm>>
    %dma_start3A_194 = arith.constant 0 : i32
    %dma_start3A_195 = tpu.memref_slice %arg4[%add3A_186, %dma_start3A_194] : memref<8192x2304xf32, #tpu.memory_space<hbm>> -> memref<16x2304xf32, #tpu.memory_space<hbm>>
    %dma_start3A_196 = arith.constant 0 : i32
    %dma_start3A_197 = arith.constant 0 : i32
    %dma_start3A_198 = tpu.memref_slice %arg6[%dma_start3A_187, %dma_start3A_196, %dma_start3A_197] : memref<3x16x2304xf32, #tpu.memory_space<vmem>> -> memref<1x16x2304xf32, #tpu.memory_space<vmem>>
    %dma_start3A_199 = tpu.memref_squeeze %dma_start3A_198 : memref<1x16x2304xf32, #tpu.memory_space<vmem>> -> memref<16x2304xf32, #tpu.memory_space<vmem>>
    tpu.enqueue_dma source(%dma_start3A_199 : memref<16x2304xf32, #tpu.memory_space<vmem>>) target(%dma_start3A_195 : memref<16x2304xf32, #tpu.memory_space<hbm>>) target_semaphore(%arg10 : memref<!tpu.dma_semaphore, #tpu.memory_space<semaphore_mem>>)
    %dma_wait3A_200 = arith.constant 0 : i32
    %dma_wait3A_201 = arith.constant 0 : i32
    %dma_wait3A_202 = arith.constant 0 : i32
    %dma_wait3A_203 = tpu.memref_slice %arg6[%dma_wait3A_200, %dma_wait3A_201, %dma_wait3A_202] : memref<3x16x2304xf32, #tpu.memory_space<vmem>> -> memref<1x16x2304xf32, #tpu.memory_space<vmem>>
    %dma_wait3A_204 = tpu.memref_squeeze %dma_wait3A_203 : memref<1x16x2304xf32, #tpu.memory_space<vmem>> -> memref<16x2304xf32, #tpu.memory_space<vmem>>
    %dma_wait3A_205 = arith.constant 0 : i32
    %dma_wait3A_206 = tpu.memref_slice %arg4[%add3A_186, %dma_wait3A_205] : memref<8192x2304xf32, #tpu.memory_space<hbm>> -> memref<16x2304xf32, #tpu.memory_space<hbm>>
    %dma_wait3A_207 = arith.constant 0 : i32
    %dma_wait3A_208 = tpu.memref_slice %arg4[%add3A_186, %dma_wait3A_207] : memref<8192x2304xf32, #tpu.memory_space<hbm>> -> memref<16x2304xf32, #tpu.memory_space<hbm>>
    %dma_wait3A_209 = arith.constant 0 : i32
    %dma_wait3A_210 = arith.constant 0 : i32
    %dma_wait3A_211 = tpu.memref_slice %arg6[%dma_wait3A_200, %dma_wait3A_209, %dma_wait3A_210] : memref<3x16x2304xf32, #tpu.memory_space<vmem>> -> memref<1x16x2304xf32, #tpu.memory_space<vmem>>
    %dma_wait3A_212 = tpu.memref_squeeze %dma_wait3A_211 : memref<1x16x2304xf32, #tpu.memory_space<vmem>> -> memref<16x2304xf32, #tpu.memory_space<vmem>>
    tpu.wait_dma2 semaphore(%arg10 : memref<!tpu.dma_semaphore, #tpu.memory_space<semaphore_mem>>) src(%dma_wait3A_212 : memref<16x2304xf32, #tpu.memory_space<vmem>>) dst(%dma_wait3A_208 : memref<16x2304xf32, #tpu.memory_space<hbm>>)
    %dma_start3A_213 = arith.constant 0 : i32
    %dma_start3A_214 = arith.constant 0 : i32
    %dma_start3A_215 = arith.constant 0 : i32
    %dma_start3A_216 = tpu.memref_slice %arg6[%dma_start3A_213, %dma_start3A_214, %dma_start3A_215] : memref<3x16x2304xf32, #tpu.memory_space<vmem>> -> memref<1x16x2304xf32, #tpu.memory_space<vmem>>
    %dma_start3A_217 = tpu.memref_squeeze %dma_start3A_216 : memref<1x16x2304xf32, #tpu.memory_space<vmem>> -> memref<16x2304xf32, #tpu.memory_space<vmem>>
    %dma_start3A_218 = arith.constant 96 : i32
    %dma_start3A_219 = tpu.memref_slice %arg5[%dma_start3A_218] : memref<240xi32, #tpu.memory_space<vmem>> -> memref<16xi32, #tpu.memory_space<vmem>>
    %dma_start3A_220 = arith.constant 0 : i32
    %dma_start3A_221 = arith.constant 0 : i32
    %dma_start3A_222 = tpu.memref_slice %arg3[%dma_start3A_220, %dma_start3A_221] : memref<257216x2304xf32, #tpu.memory_space<hbm>> -> memref<257216x2304xf32, #tpu.memory_space<hbm>>
    tpu.enqueue_indirect_dma source(%dma_start3A_222 : memref<257216x2304xf32, #tpu.memory_space<hbm>>) target(%dma_start3A_217 : memref<16x2304xf32, #tpu.memory_space<vmem>>) offsets(%dma_start3A_219 : memref<16xi32, #tpu.memory_space<vmem>>) semaphore(%arg7 : memref<!tpu.dma_semaphore, #tpu.memory_space<semaphore_mem>>)
    %dma_wait3A_223 = arith.constant 1 : i32
    %dma_wait3A_224 = arith.constant 0 : i32
    %dma_wait3A_225 = arith.constant 0 : i32
    %dma_wait3A_226 = tpu.memref_slice %arg6[%dma_wait3A_223, %dma_wait3A_224, %dma_wait3A_225] : memref<3x16x2304xf32, #tpu.memory_space<vmem>> -> memref<1x16x2304xf32, #tpu.memory_space<vmem>>
    %dma_wait3A_227 = tpu.memref_squeeze %dma_wait3A_226 : memref<1x16x2304xf32, #tpu.memory_space<vmem>> -> memref<16x2304xf32, #tpu.memory_space<vmem>>
    %dma_wait3A_228 = arith.constant 64 : i32
    %dma_wait3A_229 = tpu.memref_slice %arg5[%dma_wait3A_228] : memref<240xi32, #tpu.memory_space<vmem>> -> memref<16xi32, #tpu.memory_space<vmem>>
    %dma_wait3A_230 = arith.constant 0 : i32
    %dma_wait3A_231 = arith.constant 0 : i32
    %dma_wait3A_232 = tpu.memref_slice %arg3[%dma_wait3A_230, %dma_wait3A_231] : memref<257216x2304xf32, #tpu.memory_space<hbm>> -> memref<257216x2304xf32, #tpu.memory_space<hbm>>
    tpu.wait_indirect_dma semaphore(%arg8 : memref<!tpu.dma_semaphore, #tpu.memory_space<semaphore_mem>>) src(%dma_wait3A_232 : memref<257216x2304xf32, #tpu.memory_space<hbm>>) dst(%dma_wait3A_227 : memref<16x2304xf32, #tpu.memory_space<vmem>>)
    %add3A_233 = arith.constant 64 : i32
    %add3A_234 = arith.addi %mul3A_2, %add3A_233 : i32
    %dma_start3A_235 = arith.constant 1 : i32
    %dma_start3A_236 = arith.constant 0 : i32
    %dma_start3A_237 = arith.constant 0 : i32
    %dma_start3A_238 = tpu.memref_slice %arg6[%dma_start3A_235, %dma_start3A_236, %dma_start3A_237] : memref<3x16x2304xf32, #tpu.memory_space<vmem>> -> memref<1x16x2304xf32, #tpu.memory_space<vmem>>
    %dma_start3A_239 = tpu.memref_squeeze %dma_start3A_238 : memref<1x16x2304xf32, #tpu.memory_space<vmem>> -> memref<16x2304xf32, #tpu.memory_space<vmem>>
    %dma_start3A_240 = arith.constant 0 : i32
    %dma_start3A_241 = tpu.memref_slice %arg4[%add3A_234, %dma_start3A_240] : memref<8192x2304xf32, #tpu.memory_space<hbm>> -> memref<16x2304xf32, #tpu.memory_space<hbm>>
    %dma_start3A_242 = arith.constant 0 : i32
    %dma_start3A_243 = tpu.memref_slice %arg4[%add3A_234, %dma_start3A_242] : memref<8192x2304xf32, #tpu.memory_space<hbm>> -> memref<16x2304xf32, #tpu.memory_space<hbm>>
    %dma_start3A_244 = arith.constant 0 : i32
    %dma_start3A_245 = arith.constant 0 : i32
    %dma_start3A_246 = tpu.memref_slice %arg6[%dma_start3A_235, %dma_start3A_244, %dma_start3A_245] : memref<3x16x2304xf32, #tpu.memory_space<vmem>> -> memref<1x16x2304xf32, #tpu.memory_space<vmem>>
    %dma_start3A_247 = tpu.memref_squeeze %dma_start3A_246 : memref<1x16x2304xf32, #tpu.memory_space<vmem>> -> memref<16x2304xf32, #tpu.memory_space<vmem>>
    tpu.enqueue_dma source(%dma_start3A_247 : memref<16x2304xf32, #tpu.memory_space<vmem>>) target(%dma_start3A_243 : memref<16x2304xf32, #tpu.memory_space<hbm>>) target_semaphore(%arg11 : memref<!tpu.dma_semaphore, #tpu.memory_space<semaphore_mem>>)
    %dma_wait3A_248 = arith.constant 1 : i32
    %dma_wait3A_249 = arith.constant 0 : i32
    %dma_wait3A_250 = arith.constant 0 : i32
    %dma_wait3A_251 = tpu.memref_slice %arg6[%dma_wait3A_248, %dma_wait3A_249, %dma_wait3A_250] : memref<3x16x2304xf32, #tpu.memory_space<vmem>> -> memref<1x16x2304xf32, #tpu.memory_space<vmem>>
    %dma_wait3A_252 = tpu.memref_squeeze %dma_wait3A_251 : memref<1x16x2304xf32, #tpu.memory_space<vmem>> -> memref<16x2304xf32, #tpu.memory_space<vmem>>
    %dma_wait3A_253 = arith.constant 0 : i32
    %dma_wait3A_254 = tpu.memref_slice %arg4[%add3A_234, %dma_wait3A_253] : memref<8192x2304xf32, #tpu.memory_space<hbm>> -> memref<16x2304xf32, #tpu.memory_space<hbm>>
    %dma_wait3A_255 = arith.constant 0 : i32
    %dma_wait3A_256 = tpu.memref_slice %arg4[%add3A_234, %dma_wait3A_255] : memref<8192x2304xf32, #tpu.memory_space<hbm>> -> memref<16x2304xf32, #tpu.memory_space<hbm>>
    %dma_wait3A_257 = arith.constant 0 : i32
    %dma_wait3A_258 = arith.constant 0 : i32
    %dma_wait3A_259 = tpu.memref_slice %arg6[%dma_wait3A_248, %dma_wait3A_257, %dma_wait3A_258] : memref<3x16x2304xf32, #tpu.memory_space<vmem>> -> memref<1x16x2304xf32, #tpu.memory_space<vmem>>
    %dma_wait3A_260 = tpu.memref_squeeze %dma_wait3A_259 : memref<1x16x2304xf32, #tpu.memory_space<vmem>> -> memref<16x2304xf32, #tpu.memory_space<vmem>>
    tpu.wait_dma2 semaphore(%arg11 : memref<!tpu.dma_semaphore, #tpu.memory_space<semaphore_mem>>) src(%dma_wait3A_260 : memref<16x2304xf32, #tpu.memory_space<vmem>>) dst(%dma_wait3A_256 : memref<16x2304xf32, #tpu.memory_space<hbm>>)
    %dma_start3A_261 = arith.constant 1 : i32
    %dma_start3A_262 = arith.constant 0 : i32
    %dma_start3A_263 = arith.constant 0 : i32
    %dma_start3A_264 = tpu.memref_slice %arg6[%dma_start3A_261, %dma_start3A_262, %dma_start3A_263] : memref<3x16x2304xf32, #tpu.memory_space<vmem>> -> memref<1x16x2304xf32, #tpu.memory_space<vmem>>
    %dma_start3A_265 = tpu.memref_squeeze %dma_start3A_264 : memref<1x16x2304xf32, #tpu.memory_space<vmem>> -> memref<16x2304xf32, #tpu.memory_space<vmem>>
    %dma_start3A_266 = arith.constant 112 : i32
    %dma_start3A_267 = tpu.memref_slice %arg5[%dma_start3A_266] : memref<240xi32, #tpu.memory_space<vmem>> -> memref<16xi32, #tpu.memory_space<vmem>>
    %dma_start3A_268 = arith.constant 0 : i32
    %dma_start3A_269 = arith.constant 0 : i32
    %dma_start3A_270 = tpu.memref_slice %arg3[%dma_start3A_268, %dma_start3A_269] : memref<257216x2304xf32, #tpu.memory_space<hbm>> -> memref<257216x2304xf32, #tpu.memory_space<hbm>>
    tpu.enqueue_indirect_dma source(%dma_start3A_270 : memref<257216x2304xf32, #tpu.memory_space<hbm>>) target(%dma_start3A_265 : memref<16x2304xf32, #tpu.memory_space<vmem>>) offsets(%dma_start3A_267 : memref<16xi32, #tpu.memory_space<vmem>>) semaphore(%arg8 : memref<!tpu.dma_semaphore, #tpu.memory_space<semaphore_mem>>)
    %dma_wait3A_271 = arith.constant 2 : i32
    %dma_wait3A_272 = arith.constant 0 : i32
    %dma_wait3A_273 = arith.constant 0 : i32
    %dma_wait3A_274 = tpu.memref_slice %arg6[%dma_wait3A_271, %dma_wait3A_272, %dma_wait3A_273] : memref<3x16x2304xf32, #tpu.memory_space<vmem>> -> memref<1x16x2304xf32, #tpu.memory_space<vmem>>
    %dma_wait3A_275 = tpu.memref_squeeze %dma_wait3A_274 : memref<1x16x2304xf32, #tpu.memory_space<vmem>> -> memref<16x2304xf32, #tpu.memory_space<vmem>>
    %dma_wait3A_276 = arith.constant 80 : i32
    %dma_wait3A_277 = tpu.memref_slice %arg5[%dma_wait3A_276] : memref<240xi32, #tpu.memory_space<vmem>> -> memref<16xi32, #tpu.memory_space<vmem>>
    %dma_wait3A_278 = arith.constant 0 : i32
    %dma_wait3A_279 = arith.constant 0 : i32
    %dma_wait3A_280 = tpu.memref_slice %arg3[%dma_wait3A_278, %dma_wait3A_279] : memref<257216x2304xf32, #tpu.memory_space<hbm>> -> memref<257216x2304xf32, #tpu.memory_space<hbm>>
    tpu.wait_indirect_dma semaphore(%arg9 : memref<!tpu.dma_semaphore, #tpu.memory_space<semaphore_mem>>) src(%dma_wait3A_280 : memref<257216x2304xf32, #tpu.memory_space<hbm>>) dst(%dma_wait3A_275 : memref<16x2304xf32, #tpu.memory_space<vmem>>)
    %add3A_281 = arith.constant 80 : i32
    %add3A_282 = arith.addi %mul3A_2, %add3A_281 : i32
    %dma_start3A_283 = arith.constant 2 : i32
    %dma_start3A_284 = arith.constant 0 : i32
    %dma_start3A_285 = arith.constant 0 : i32
    %dma_start3A_286 = tpu.memref_slice %arg6[%dma_start3A_283, %dma_start3A_284, %dma_start3A_285] : memref<3x16x2304xf32, #tpu.memory_space<vmem>> -> memref<1x16x2304xf32, #tpu.memory_space<vmem>>
    %dma_start3A_287 = tpu.memref_squeeze %dma_start3A_286 : memref<1x16x2304xf32, #tpu.memory_space<vmem>> -> memref<16x2304xf32, #tpu.memory_space<vmem>>
    %dma_start3A_288 = arith.constant 0 : i32
    %dma_start3A_289 = tpu.memref_slice %arg4[%add3A_282, %dma_start3A_288] : memref<8192x2304xf32, #tpu.memory_space<hbm>> -> memref<16x2304xf32, #tpu.memory_space<hbm>>
    %dma_start3A_290 = arith.constant 0 : i32
    %dma_start3A_291 = tpu.memref_slice %arg4[%add3A_282, %dma_start3A_290] : memref<8192x2304xf32, #tpu.memory_space<hbm>> -> memref<16x2304xf32, #tpu.memory_space<hbm>>
    %dma_start3A_292 = arith.constant 0 : i32
    %dma_start3A_293 = arith.constant 0 : i32
    %dma_start3A_294 = tpu.memref_slice %arg6[%dma_start3A_283, %dma_start3A_292, %dma_start3A_293] : memref<3x16x2304xf32, #tpu.memory_space<vmem>> -> memref<1x16x2304xf32, #tpu.memory_space<vmem>>
    %dma_start3A_295 = tpu.memref_squeeze %dma_start3A_294 : memref<1x16x2304xf32, #tpu.memory_space<vmem>> -> memref<16x2304xf32, #tpu.memory_space<vmem>>
    tpu.enqueue_dma source(%dma_start3A_295 : memref<16x2304xf32, #tpu.memory_space<vmem>>) target(%dma_start3A_291 : memref<16x2304xf32, #tpu.memory_space<hbm>>) target_semaphore(%arg12 : memref<!tpu.dma_semaphore, #tpu.memory_space<semaphore_mem>>)
    %dma_wait3A_296 = arith.constant 2 : i32
    %dma_wait3A_297 = arith.constant 0 : i32
    %dma_wait3A_298 = arith.constant 0 : i32
    %dma_wait3A_299 = tpu.memref_slice %arg6[%dma_wait3A_296, %dma_wait3A_297, %dma_wait3A_298] : memref<3x16x2304xf32, #tpu.memory_space<vmem>> -> memref<1x16x2304xf32, #tpu.memory_space<vmem>>
    %dma_wait3A_300 = tpu.memref_squeeze %dma_wait3A_299 : memref<1x16x2304xf32, #tpu.memory_space<vmem>> -> memref<16x2304xf32, #tpu.memory_space<vmem>>
    %dma_wait3A_301 = arith.constant 0 : i32
    %dma_wait3A_302 = tpu.memref_slice %arg4[%add3A_282, %dma_wait3A_301] : memref<8192x2304xf32, #tpu.memory_space<hbm>> -> memref<16x2304xf32, #tpu.memory_space<hbm>>
    %dma_wait3A_303 = arith.constant 0 : i32
    %dma_wait3A_304 = tpu.memref_slice %arg4[%add3A_282, %dma_wait3A_303] : memref<8192x2304xf32, #tpu.memory_space<hbm>> -> memref<16x2304xf32, #tpu.memory_space<hbm>>
    %dma_wait3A_305 = arith.constant 0 : i32
    %dma_wait3A_306 = arith.constant 0 : i32
    %dma_wait3A_307 = tpu.memref_slice %arg6[%dma_wait3A_296, %dma_wait3A_305, %dma_wait3A_306] : memref<3x16x2304xf32, #tpu.memory_space<vmem>> -> memref<1x16x2304xf32, #tpu.memory_space<vmem>>
    %dma_wait3A_308 = tpu.memref_squeeze %dma_wait3A_307 : memref<1x16x2304xf32, #tpu.memory_space<vmem>> -> memref<16x2304xf32, #tpu.memory_space<vmem>>
    tpu.wait_dma2 semaphore(%arg12 : memref<!tpu.dma_semaphore, #tpu.memory_space<semaphore_mem>>) src(%dma_wait3A_308 : memref<16x2304xf32, #tpu.memory_space<vmem>>) dst(%dma_wait3A_304 : memref<16x2304xf32, #tpu.memory_space<hbm>>)
    %dma_start3A_309 = arith.constant 2 : i32
    %dma_start3A_310 = arith.constant 0 : i32
    %dma_start3A_311 = arith.constant 0 : i32
    %dma_start3A_312 = tpu.memref_slice %arg6[%dma_start3A_309, %dma_start3A_310, %dma_start3A_311] : memref<3x16x2304xf32, #tpu.memory_space<vmem>> -> memref<1x16x2304xf32, #tpu.memory_space<vmem>>
    %dma_start3A_313 = tpu.memref_squeeze %dma_start3A_312 : memref<1x16x2304xf32, #tpu.memory_space<vmem>> -> memref<16x2304xf32, #tpu.memory_space<vmem>>
    %dma_start3A_314 = arith.constant 128 : i32
    %dma_start3A_315 = tpu.memref_slice %arg5[%dma_start3A_314] : memref<240xi32, #tpu.memory_space<vmem>> -> memref<16xi32, #tpu.memory_space<vmem>>
    %dma_start3A_316 = arith.constant 0 : i32
    %dma_start3A_317 = arith.constant 0 : i32
    %dma_start3A_318 = tpu.memref_slice %arg3[%dma_start3A_316, %dma_start3A_317] : memref<257216x2304xf32, #tpu.memory_space<hbm>> -> memref<257216x2304xf32, #tpu.memory_space<hbm>>
    tpu.enqueue_indirect_dma source(%dma_start3A_318 : memref<257216x2304xf32, #tpu.memory_space<hbm>>) target(%dma_start3A_313 : memref<16x2304xf32, #tpu.memory_space<vmem>>) offsets(%dma_start3A_315 : memref<16xi32, #tpu.memory_space<vmem>>) semaphore(%arg9 : memref<!tpu.dma_semaphore, #tpu.memory_space<semaphore_mem>>)
    %dma_wait3A_319 = arith.constant 0 : i32
    %dma_wait3A_320 = arith.constant 0 : i32
    %dma_wait3A_321 = arith.constant 0 : i32
    %dma_wait3A_322 = tpu.memref_slice %arg6[%dma_wait3A_319, %dma_wait3A_320, %dma_wait3A_321] : memref<3x16x2304xf32, #tpu.memory_space<vmem>> -> memref<1x16x2304xf32, #tpu.memory_space<vmem>>
    %dma_wait3A_323 = tpu.memref_squeeze %dma_wait3A_322 : memref<1x16x2304xf32, #tpu.memory_space<vmem>> -> memref<16x2304xf32, #tpu.memory_space<vmem>>
    %dma_wait3A_324 = arith.constant 96 : i32
    %dma_wait3A_325 = tpu.memref_slice %arg5[%dma_wait3A_324] : memref<240xi32, #tpu.memory_space<vmem>> -> memref<16xi32, #tpu.memory_space<vmem>>
    %dma_wait3A_326 = arith.constant 0 : i32
    %dma_wait3A_327 = arith.constant 0 : i32
    %dma_wait3A_328 = tpu.memref_slice %arg3[%dma_wait3A_326, %dma_wait3A_327] : memref<257216x2304xf32, #tpu.memory_space<hbm>> -> memref<257216x2304xf32, #tpu.memory_space<hbm>>
    tpu.wait_indirect_dma semaphore(%arg7 : memref<!tpu.dma_semaphore, #tpu.memory_space<semaphore_mem>>) src(%dma_wait3A_328 : memref<257216x2304xf32, #tpu.memory_space<hbm>>) dst(%dma_wait3A_323 : memref<16x2304xf32, #tpu.memory_space<vmem>>)
    %add3A_329 = arith.constant 96 : i32
    %add3A_330 = arith.addi %mul3A_2, %add3A_329 : i32
    %dma_start3A_331 = arith.constant 0 : i32
    %dma_start3A_332 = arith.constant 0 : i32
    %dma_start3A_333 = arith.constant 0 : i32
    %dma_start3A_334 = tpu.memref_slice %arg6[%dma_start3A_331, %dma_start3A_332, %dma_start3A_333] : memref<3x16x2304xf32, #tpu.memory_space<vmem>> -> memref<1x16x2304xf32, #tpu.memory_space<vmem>>
    %dma_start3A_335 = tpu.memref_squeeze %dma_start3A_334 : memref<1x16x2304xf32, #tpu.memory_space<vmem>> -> memref<16x2304xf32, #tpu.memory_space<vmem>>
    %dma_start3A_336 = arith.constant 0 : i32
    %dma_start3A_337 = tpu.memref_slice %arg4[%add3A_330, %dma_start3A_336] : memref<8192x2304xf32, #tpu.memory_space<hbm>> -> memref<16x2304xf32, #tpu.memory_space<hbm>>
    %dma_start3A_338 = arith.constant 0 : i32
    %dma_start3A_339 = tpu.memref_slice %arg4[%add3A_330, %dma_start3A_338] : memref<8192x2304xf32, #tpu.memory_space<hbm>> -> memref<16x2304xf32, #tpu.memory_space<hbm>>
    %dma_start3A_340 = arith.constant 0 : i32
    %dma_start3A_341 = arith.constant 0 : i32
    %dma_start3A_342 = tpu.memref_slice %arg6[%dma_start3A_331, %dma_start3A_340, %dma_start3A_341] : memref<3x16x2304xf32, #tpu.memory_space<vmem>> -> memref<1x16x2304xf32, #tpu.memory_space<vmem>>
    %dma_start3A_343 = tpu.memref_squeeze %dma_start3A_342 : memref<1x16x2304xf32, #tpu.memory_space<vmem>> -> memref<16x2304xf32, #tpu.memory_space<vmem>>
    tpu.enqueue_dma source(%dma_start3A_343 : memref<16x2304xf32, #tpu.memory_space<vmem>>) target(%dma_start3A_339 : memref<16x2304xf32, #tpu.memory_space<hbm>>) target_semaphore(%arg10 : memref<!tpu.dma_semaphore, #tpu.memory_space<semaphore_mem>>)
    %dma_wait3A_344 = arith.constant 0 : i32
    %dma_wait3A_345 = arith.constant 0 : i32
    %dma_wait3A_346 = arith.constant 0 : i32
    %dma_wait3A_347 = tpu.memref_slice %arg6[%dma_wait3A_344, %dma_wait3A_345, %dma_wait3A_346] : memref<3x16x2304xf32, #tpu.memory_space<vmem>> -> memref<1x16x2304xf32, #tpu.memory_space<vmem>>
    %dma_wait3A_348 = tpu.memref_squeeze %dma_wait3A_347 : memref<1x16x2304xf32, #tpu.memory_space<vmem>> -> memref<16x2304xf32, #tpu.memory_space<vmem>>
    %dma_wait3A_349 = arith.constant 0 : i32
    %dma_wait3A_350 = tpu.memref_slice %arg4[%add3A_330, %dma_wait3A_349] : memref<8192x2304xf32, #tpu.memory_space<hbm>> -> memref<16x2304xf32, #tpu.memory_space<hbm>>
    %dma_wait3A_351 = arith.constant 0 : i32
    %dma_wait3A_352 = tpu.memref_slice %arg4[%add3A_330, %dma_wait3A_351] : memref<8192x2304xf32, #tpu.memory_space<hbm>> -> memref<16x2304xf32, #tpu.memory_space<hbm>>
    %dma_wait3A_353 = arith.constant 0 : i32
    %dma_wait3A_354 = arith.constant 0 : i32
    %dma_wait3A_355 = tpu.memref_slice %arg6[%dma_wait3A_344, %dma_wait3A_353, %dma_wait3A_354] : memref<3x16x2304xf32, #tpu.memory_space<vmem>> -> memref<1x16x2304xf32, #tpu.memory_space<vmem>>
    %dma_wait3A_356 = tpu.memref_squeeze %dma_wait3A_355 : memref<1x16x2304xf32, #tpu.memory_space<vmem>> -> memref<16x2304xf32, #tpu.memory_space<vmem>>
    tpu.wait_dma2 semaphore(%arg10 : memref<!tpu.dma_semaphore, #tpu.memory_space<semaphore_mem>>) src(%dma_wait3A_356 : memref<16x2304xf32, #tpu.memory_space<vmem>>) dst(%dma_wait3A_352 : memref<16x2304xf32, #tpu.memory_space<hbm>>)
    %dma_start3A_357 = arith.constant 0 : i32
    %dma_start3A_358 = arith.constant 0 : i32
    %dma_start3A_359 = arith.constant 0 : i32
    %dma_start3A_360 = tpu.memref_slice %arg6[%dma_start3A_357, %dma_start3A_358, %dma_start3A_359] : memref<3x16x2304xf32, #tpu.memory_space<vmem>> -> memref<1x16x2304xf32, #tpu.memory_space<vmem>>
    %dma_start3A_361 = tpu.memref_squeeze %dma_start3A_360 : memref<1x16x2304xf32, #tpu.memory_space<vmem>> -> memref<16x2304xf32, #tpu.memory_space<vmem>>
    %dma_start3A_362 = arith.constant 144 : i32
    %dma_start3A_363 = tpu.memref_slice %arg5[%dma_start3A_362] : memref<240xi32, #tpu.memory_space<vmem>> -> memref<16xi32, #tpu.memory_space<vmem>>
    %dma_start3A_364 = arith.constant 0 : i32
    %dma_start3A_365 = arith.constant 0 : i32
    %dma_start3A_366 = tpu.memref_slice %arg3[%dma_start3A_364, %dma_start3A_365] : memref<257216x2304xf32, #tpu.memory_space<hbm>> -> memref<257216x2304xf32, #tpu.memory_space<hbm>>
    tpu.enqueue_indirect_dma source(%dma_start3A_366 : memref<257216x2304xf32, #tpu.memory_space<hbm>>) target(%dma_start3A_361 : memref<16x2304xf32, #tpu.memory_space<vmem>>) offsets(%dma_start3A_363 : memref<16xi32, #tpu.memory_space<vmem>>) semaphore(%arg7 : memref<!tpu.dma_semaphore, #tpu.memory_space<semaphore_mem>>)
    %dma_wait3A_367 = arith.constant 1 : i32
    %dma_wait3A_368 = arith.constant 0 : i32
    %dma_wait3A_369 = arith.constant 0 : i32
    %dma_wait3A_370 = tpu.memref_slice %arg6[%dma_wait3A_367, %dma_wait3A_368, %dma_wait3A_369] : memref<3x16x2304xf32, #tpu.memory_space<vmem>> -> memref<1x16x2304xf32, #tpu.memory_space<vmem>>
    %dma_wait3A_371 = tpu.memref_squeeze %dma_wait3A_370 : memref<1x16x2304xf32, #tpu.memory_space<vmem>> -> memref<16x2304xf32, #tpu.memory_space<vmem>>
    %dma_wait3A_372 = arith.constant 112 : i32
    %dma_wait3A_373 = tpu.memref_slice %arg5[%dma_wait3A_372] : memref<240xi32, #tpu.memory_space<vmem>> -> memref<16xi32, #tpu.memory_space<vmem>>
    %dma_wait3A_374 = arith.constant 0 : i32
    %dma_wait3A_375 = arith.constant 0 : i32
    %dma_wait3A_376 = tpu.memref_slice %arg3[%dma_wait3A_374, %dma_wait3A_375] : memref<257216x2304xf32, #tpu.memory_space<hbm>> -> memref<257216x2304xf32, #tpu.memory_space<hbm>>
    tpu.wait_indirect_dma semaphore(%arg8 : memref<!tpu.dma_semaphore, #tpu.memory_space<semaphore_mem>>) src(%dma_wait3A_376 : memref<257216x2304xf32, #tpu.memory_space<hbm>>) dst(%dma_wait3A_371 : memref<16x2304xf32, #tpu.memory_space<vmem>>)
    %add3A_377 = arith.constant 112 : i32
    %add3A_378 = arith.addi %mul3A_2, %add3A_377 : i32
    %dma_start3A_379 = arith.constant 1 : i32
    %dma_start3A_380 = arith.constant 0 : i32
    %dma_start3A_381 = arith.constant 0 : i32
    %dma_start3A_382 = tpu.memref_slice %arg6[%dma_start3A_379, %dma_start3A_380, %dma_start3A_381] : memref<3x16x2304xf32, #tpu.memory_space<vmem>> -> memref<1x16x2304xf32, #tpu.memory_space<vmem>>
    %dma_start3A_383 = tpu.memref_squeeze %dma_start3A_382 : memref<1x16x2304xf32, #tpu.memory_space<vmem>> -> memref<16x2304xf32, #tpu.memory_space<vmem>>
    %dma_start3A_384 = arith.constant 0 : i32
    %dma_start3A_385 = tpu.memref_slice %arg4[%add3A_378, %dma_start3A_384] : memref<8192x2304xf32, #tpu.memory_space<hbm>> -> memref<16x2304xf32, #tpu.memory_space<hbm>>
    %dma_start3A_386 = arith.constant 0 : i32
    %dma_start3A_387 = tpu.memref_slice %arg4[%add3A_378, %dma_start3A_386] : memref<8192x2304xf32, #tpu.memory_space<hbm>> -> memref<16x2304xf32, #tpu.memory_space<hbm>>
    %dma_start3A_388 = arith.constant 0 : i32
    %dma_start3A_389 = arith.constant 0 : i32
    %dma_start3A_390 = tpu.memref_slice %arg6[%dma_start3A_379, %dma_start3A_388, %dma_start3A_389] : memref<3x16x2304xf32, #tpu.memory_space<vmem>> -> memref<1x16x2304xf32, #tpu.memory_space<vmem>>
    %dma_start3A_391 = tpu.memref_squeeze %dma_start3A_390 : memref<1x16x2304xf32, #tpu.memory_space<vmem>> -> memref<16x2304xf32, #tpu.memory_space<vmem>>
    tpu.enqueue_dma source(%dma_start3A_391 : memref<16x2304xf32, #tpu.memory_space<vmem>>) target(%dma_start3A_387 : memref<16x2304xf32, #tpu.memory_space<hbm>>) target_semaphore(%arg11 : memref<!tpu.dma_semaphore, #tpu.memory_space<semaphore_mem>>)
    %dma_wait3A_392 = arith.constant 1 : i32
    %dma_wait3A_393 = arith.constant 0 : i32
    %dma_wait3A_394 = arith.constant 0 : i32
    %dma_wait3A_395 = tpu.memref_slice %arg6[%dma_wait3A_392, %dma_wait3A_393, %dma_wait3A_394] : memref<3x16x2304xf32, #tpu.memory_space<vmem>> -> memref<1x16x2304xf32, #tpu.memory_space<vmem>>
    %dma_wait3A_396 = tpu.memref_squeeze %dma_wait3A_395 : memref<1x16x2304xf32, #tpu.memory_space<vmem>> -> memref<16x2304xf32, #tpu.memory_space<vmem>>
    %dma_wait3A_397 = arith.constant 0 : i32
    %dma_wait3A_398 = tpu.memref_slice %arg4[%add3A_378, %dma_wait3A_397] : memref<8192x2304xf32, #tpu.memory_space<hbm>> -> memref<16x2304xf32, #tpu.memory_space<hbm>>
    %dma_wait3A_399 = arith.constant 0 : i32
    %dma_wait3A_400 = tpu.memref_slice %arg4[%add3A_378, %dma_wait3A_399] : memref<8192x2304xf32, #tpu.memory_space<hbm>> -> memref<16x2304xf32, #tpu.memory_space<hbm>>
    %dma_wait3A_401 = arith.constant 0 : i32
    %dma_wait3A_402 = arith.constant 0 : i32
    %dma_wait3A_403 = tpu.memref_slice %arg6[%dma_wait3A_392, %dma_wait3A_401, %dma_wait3A_402] : memref<3x16x2304xf32, #tpu.memory_space<vmem>> -> memref<1x16x2304xf32, #tpu.memory_space<vmem>>
    %dma_wait3A_404 = tpu.memref_squeeze %dma_wait3A_403 : memref<1x16x2304xf32, #tpu.memory_space<vmem>> -> memref<16x2304xf32, #tpu.memory_space<vmem>>
    tpu.wait_dma2 semaphore(%arg11 : memref<!tpu.dma_semaphore, #tpu.memory_space<semaphore_mem>>) src(%dma_wait3A_404 : memref<16x2304xf32, #tpu.memory_space<vmem>>) dst(%dma_wait3A_400 : memref<16x2304xf32, #tpu.memory_space<hbm>>)
    %dma_start3A_405 = arith.constant 1 : i32
    %dma_start3A_406 = arith.constant 0 : i32
    %dma_start3A_407 = arith.constant 0 : i32
    %dma_start3A_408 = tpu.memref_slice %arg6[%dma_start3A_405, %dma_start3A_406, %dma_start3A_407] : memref<3x16x2304xf32, #tpu.memory_space<vmem>> -> memref<1x16x2304xf32, #tpu.memory_space<vmem>>
    %dma_start3A_409 = tpu.memref_squeeze %dma_start3A_408 : memref<1x16x2304xf32, #tpu.memory_space<vmem>> -> memref<16x2304xf32, #tpu.memory_space<vmem>>
    %dma_start3A_410 = arith.constant 160 : i32
    %dma_start3A_411 = tpu.memref_slice %arg5[%dma_start3A_410] : memref<240xi32, #tpu.memory_space<vmem>> -> memref<16xi32, #tpu.memory_space<vmem>>
    %dma_start3A_412 = arith.constant 0 : i32
    %dma_start3A_413 = arith.constant 0 : i32
    %dma_start3A_414 = tpu.memref_slice %arg3[%dma_start3A_412, %dma_start3A_413] : memref<257216x2304xf32, #tpu.memory_space<hbm>> -> memref<257216x2304xf32, #tpu.memory_space<hbm>>
    tpu.enqueue_indirect_dma source(%dma_start3A_414 : memref<257216x2304xf32, #tpu.memory_space<hbm>>) target(%dma_start3A_409 : memref<16x2304xf32, #tpu.memory_space<vmem>>) offsets(%dma_start3A_411 : memref<16xi32, #tpu.memory_space<vmem>>) semaphore(%arg8 : memref<!tpu.dma_semaphore, #tpu.memory_space<semaphore_mem>>)
    %dma_wait3A_415 = arith.constant 2 : i32
    %dma_wait3A_416 = arith.constant 0 : i32
    %dma_wait3A_417 = arith.constant 0 : i32
    %dma_wait3A_418 = tpu.memref_slice %arg6[%dma_wait3A_415, %dma_wait3A_416, %dma_wait3A_417] : memref<3x16x2304xf32, #tpu.memory_space<vmem>> -> memref<1x16x2304xf32, #tpu.memory_space<vmem>>
    %dma_wait3A_419 = tpu.memref_squeeze %dma_wait3A_418 : memref<1x16x2304xf32, #tpu.memory_space<vmem>> -> memref<16x2304xf32, #tpu.memory_space<vmem>>
    %dma_wait3A_420 = arith.constant 128 : i32
    %dma_wait3A_421 = tpu.memref_slice %arg5[%dma_wait3A_420] : memref<240xi32, #tpu.memory_space<vmem>> -> memref<16xi32, #tpu.memory_space<vmem>>
    %dma_wait3A_422 = arith.constant 0 : i32
    %dma_wait3A_423 = arith.constant 0 : i32
    %dma_wait3A_424 = tpu.memref_slice %arg3[%dma_wait3A_422, %dma_wait3A_423] : memref<257216x2304xf32, #tpu.memory_space<hbm>> -> memref<257216x2304xf32, #tpu.memory_space<hbm>>
    tpu.wait_indirect_dma semaphore(%arg9 : memref<!tpu.dma_semaphore, #tpu.memory_space<semaphore_mem>>) src(%dma_wait3A_424 : memref<257216x2304xf32, #tpu.memory_space<hbm>>) dst(%dma_wait3A_419 : memref<16x2304xf32, #tpu.memory_space<vmem>>)
    %add3A_425 = arith.constant 128 : i32
    %add3A_426 = arith.addi %mul3A_2, %add3A_425 : i32
    %dma_start3A_427 = arith.constant 2 : i32
    %dma_start3A_428 = arith.constant 0 : i32
    %dma_start3A_429 = arith.constant 0 : i32
    %dma_start3A_430 = tpu.memref_slice %arg6[%dma_start3A_427, %dma_start3A_428, %dma_start3A_429] : memref<3x16x2304xf32, #tpu.memory_space<vmem>> -> memref<1x16x2304xf32, #tpu.memory_space<vmem>>
    %dma_start3A_431 = tpu.memref_squeeze %dma_start3A_430 : memref<1x16x2304xf32, #tpu.memory_space<vmem>> -> memref<16x2304xf32, #tpu.memory_space<vmem>>
    %dma_start3A_432 = arith.constant 0 : i32
    %dma_start3A_433 = tpu.memref_slice %arg4[%add3A_426, %dma_start3A_432] : memref<8192x2304xf32, #tpu.memory_space<hbm>> -> memref<16x2304xf32, #tpu.memory_space<hbm>>
    %dma_start3A_434 = arith.constant 0 : i32
    %dma_start3A_435 = tpu.memref_slice %arg4[%add3A_426, %dma_start3A_434] : memref<8192x2304xf32, #tpu.memory_space<hbm>> -> memref<16x2304xf32, #tpu.memory_space<hbm>>
    %dma_start3A_436 = arith.constant 0 : i32
    %dma_start3A_437 = arith.constant 0 : i32
    %dma_start3A_438 = tpu.memref_slice %arg6[%dma_start3A_427, %dma_start3A_436, %dma_start3A_437] : memref<3x16x2304xf32, #tpu.memory_space<vmem>> -> memref<1x16x2304xf32, #tpu.memory_space<vmem>>
    %dma_start3A_439 = tpu.memref_squeeze %dma_start3A_438 : memref<1x16x2304xf32, #tpu.memory_space<vmem>> -> memref<16x2304xf32, #tpu.memory_space<vmem>>
    tpu.enqueue_dma source(%dma_start3A_439 : memref<16x2304xf32, #tpu.memory_space<vmem>>) target(%dma_start3A_435 : memref<16x2304xf32, #tpu.memory_space<hbm>>) target_semaphore(%arg12 : memref<!tpu.dma_semaphore, #tpu.memory_space<semaphore_mem>>)
    %dma_wait3A_440 = arith.constant 2 : i32
    %dma_wait3A_441 = arith.constant 0 : i32
    %dma_wait3A_442 = arith.constant 0 : i32
    %dma_wait3A_443 = tpu.memref_slice %arg6[%dma_wait3A_440, %dma_wait3A_441, %dma_wait3A_442] : memref<3x16x2304xf32, #tpu.memory_space<vmem>> -> memref<1x16x2304xf32, #tpu.memory_space<vmem>>
    %dma_wait3A_444 = tpu.memref_squeeze %dma_wait3A_443 : memref<1x16x2304xf32, #tpu.memory_space<vmem>> -> memref<16x2304xf32, #tpu.memory_space<vmem>>
    %dma_wait3A_445 = arith.constant 0 : i32
    %dma_wait3A_446 = tpu.memref_slice %arg4[%add3A_426, %dma_wait3A_445] : memref<8192x2304xf32, #tpu.memory_space<hbm>> -> memref<16x2304xf32, #tpu.memory_space<hbm>>
    %dma_wait3A_447 = arith.constant 0 : i32
    %dma_wait3A_448 = tpu.memref_slice %arg4[%add3A_426, %dma_wait3A_447] : memref<8192x2304xf32, #tpu.memory_space<hbm>> -> memref<16x2304xf32, #tpu.memory_space<hbm>>
    %dma_wait3A_449 = arith.constant 0 : i32
    %dma_wait3A_450 = arith.constant 0 : i32
    %dma_wait3A_451 = tpu.memref_slice %arg6[%dma_wait3A_440, %dma_wait3A_449, %dma_wait3A_450] : memref<3x16x2304xf32, #tpu.memory_space<vmem>> -> memref<1x16x2304xf32, #tpu.memory_space<vmem>>
    %dma_wait3A_452 = tpu.memref_squeeze %dma_wait3A_451 : memref<1x16x2304xf32, #tpu.memory_space<vmem>> -> memref<16x2304xf32, #tpu.memory_space<vmem>>
    tpu.wait_dma2 semaphore(%arg12 : memref<!tpu.dma_semaphore, #tpu.memory_space<semaphore_mem>>) src(%dma_wait3A_452 : memref<16x2304xf32, #tpu.memory_space<vmem>>) dst(%dma_wait3A_448 : memref<16x2304xf32, #tpu.memory_space<hbm>>)
    %dma_start3A_453 = arith.constant 2 : i32
    %dma_start3A_454 = arith.constant 0 : i32
    %dma_start3A_455 = arith.constant 0 : i32
    %dma_start3A_456 = tpu.memref_slice %arg6[%dma_start3A_453, %dma_start3A_454, %dma_start3A_455] : memref<3x16x2304xf32, #tpu.memory_space<vmem>> -> memref<1x16x2304xf32, #tpu.memory_space<vmem>>
    %dma_start3A_457 = tpu.memref_squeeze %dma_start3A_456 : memref<1x16x2304xf32, #tpu.memory_space<vmem>> -> memref<16x2304xf32, #tpu.memory_space<vmem>>
    %dma_start3A_458 = arith.constant 176 : i32
    %dma_start3A_459 = tpu.memref_slice %arg5[%dma_start3A_458] : memref<240xi32, #tpu.memory_space<vmem>> -> memref<16xi32, #tpu.memory_space<vmem>>
    %dma_start3A_460 = arith.constant 0 : i32
    %dma_start3A_461 = arith.constant 0 : i32
    %dma_start3A_462 = tpu.memref_slice %arg3[%dma_start3A_460, %dma_start3A_461] : memref<257216x2304xf32, #tpu.memory_space<hbm>> -> memref<257216x2304xf32, #tpu.memory_space<hbm>>
    tpu.enqueue_indirect_dma source(%dma_start3A_462 : memref<257216x2304xf32, #tpu.memory_space<hbm>>) target(%dma_start3A_457 : memref<16x2304xf32, #tpu.memory_space<vmem>>) offsets(%dma_start3A_459 : memref<16xi32, #tpu.memory_space<vmem>>) semaphore(%arg9 : memref<!tpu.dma_semaphore, #tpu.memory_space<semaphore_mem>>)
    %dma_wait3A_463 = arith.constant 0 : i32
    %dma_wait3A_464 = arith.constant 0 : i32
    %dma_wait3A_465 = arith.constant 0 : i32
    %dma_wait3A_466 = tpu.memref_slice %arg6[%dma_wait3A_463, %dma_wait3A_464, %dma_wait3A_465] : memref<3x16x2304xf32, #tpu.memory_space<vmem>> -> memref<1x16x2304xf32, #tpu.memory_space<vmem>>
    %dma_wait3A_467 = tpu.memref_squeeze %dma_wait3A_466 : memref<1x16x2304xf32, #tpu.memory_space<vmem>> -> memref<16x2304xf32, #tpu.memory_space<vmem>>
    %dma_wait3A_468 = arith.constant 144 : i32
    %dma_wait3A_469 = tpu.memref_slice %arg5[%dma_wait3A_468] : memref<240xi32, #tpu.memory_space<vmem>> -> memref<16xi32, #tpu.memory_space<vmem>>
    %dma_wait3A_470 = arith.constant 0 : i32
    %dma_wait3A_471 = arith.constant 0 : i32
    %dma_wait3A_472 = tpu.memref_slice %arg3[%dma_wait3A_470, %dma_wait3A_471] : memref<257216x2304xf32, #tpu.memory_space<hbm>> -> memref<257216x2304xf32, #tpu.memory_space<hbm>>
    tpu.wait_indirect_dma semaphore(%arg7 : memref<!tpu.dma_semaphore, #tpu.memory_space<semaphore_mem>>) src(%dma_wait3A_472 : memref<257216x2304xf32, #tpu.memory_space<hbm>>) dst(%dma_wait3A_467 : memref<16x2304xf32, #tpu.memory_space<vmem>>)
    %add3A_473 = arith.constant 144 : i32
    %add3A_474 = arith.addi %mul3A_2, %add3A_473 : i32
    %dma_start3A_475 = arith.constant 0 : i32
    %dma_start3A_476 = arith.constant 0 : i32
    %dma_start3A_477 = arith.constant 0 : i32
    %dma_start3A_478 = tpu.memref_slice %arg6[%dma_start3A_475, %dma_start3A_476, %dma_start3A_477] : memref<3x16x2304xf32, #tpu.memory_space<vmem>> -> memref<1x16x2304xf32, #tpu.memory_space<vmem>>
    %dma_start3A_479 = tpu.memref_squeeze %dma_start3A_478 : memref<1x16x2304xf32, #tpu.memory_space<vmem>> -> memref<16x2304xf32, #tpu.memory_space<vmem>>
    %dma_start3A_480 = arith.constant 0 : i32
    %dma_start3A_481 = tpu.memref_slice %arg4[%add3A_474, %dma_start3A_480] : memref<8192x2304xf32, #tpu.memory_space<hbm>> -> memref<16x2304xf32, #tpu.memory_space<hbm>>
    %dma_start3A_482 = arith.constant 0 : i32
    %dma_start3A_483 = tpu.memref_slice %arg4[%add3A_474, %dma_start3A_482] : memref<8192x2304xf32, #tpu.memory_space<hbm>> -> memref<16x2304xf32, #tpu.memory_space<hbm>>
    %dma_start3A_484 = arith.constant 0 : i32
    %dma_start3A_485 = arith.constant 0 : i32
    %dma_start3A_486 = tpu.memref_slice %arg6[%dma_start3A_475, %dma_start3A_484, %dma_start3A_485] : memref<3x16x2304xf32, #tpu.memory_space<vmem>> -> memref<1x16x2304xf32, #tpu.memory_space<vmem>>
    %dma_start3A_487 = tpu.memref_squeeze %dma_start3A_486 : memref<1x16x2304xf32, #tpu.memory_space<vmem>> -> memref<16x2304xf32, #tpu.memory_space<vmem>>
    tpu.enqueue_dma source(%dma_start3A_487 : memref<16x2304xf32, #tpu.memory_space<vmem>>) target(%dma_start3A_483 : memref<16x2304xf32, #tpu.memory_space<hbm>>) target_semaphore(%arg10 : memref<!tpu.dma_semaphore, #tpu.memory_space<semaphore_mem>>)
    %dma_wait3A_488 = arith.constant 0 : i32
    %dma_wait3A_489 = arith.constant 0 : i32
    %dma_wait3A_490 = arith.constant 0 : i32
    %dma_wait3A_491 = tpu.memref_slice %arg6[%dma_wait3A_488, %dma_wait3A_489, %dma_wait3A_490] : memref<3x16x2304xf32, #tpu.memory_space<vmem>> -> memref<1x16x2304xf32, #tpu.memory_space<vmem>>
    %dma_wait3A_492 = tpu.memref_squeeze %dma_wait3A_491 : memref<1x16x2304xf32, #tpu.memory_space<vmem>> -> memref<16x2304xf32, #tpu.memory_space<vmem>>
    %dma_wait3A_493 = arith.constant 0 : i32
    %dma_wait3A_494 = tpu.memref_slice %arg4[%add3A_474, %dma_wait3A_493] : memref<8192x2304xf32, #tpu.memory_space<hbm>> -> memref<16x2304xf32, #tpu.memory_space<hbm>>
    %dma_wait3A_495 = arith.constant 0 : i32
    %dma_wait3A_496 = tpu.memref_slice %arg4[%add3A_474, %dma_wait3A_495] : memref<8192x2304xf32, #tpu.memory_space<hbm>> -> memref<16x2304xf32, #tpu.memory_space<hbm>>
    %dma_wait3A_497 = arith.constant 0 : i32
    %dma_wait3A_498 = arith.constant 0 : i32
    %dma_wait3A_499 = tpu.memref_slice %arg6[%dma_wait3A_488, %dma_wait3A_497, %dma_wait3A_498] : memref<3x16x2304xf32, #tpu.memory_space<vmem>> -> memref<1x16x2304xf32, #tpu.memory_space<vmem>>
    %dma_wait3A_500 = tpu.memref_squeeze %dma_wait3A_499 : memref<1x16x2304xf32, #tpu.memory_space<vmem>> -> memref<16x2304xf32, #tpu.memory_space<vmem>>
    tpu.wait_dma2 semaphore(%arg10 : memref<!tpu.dma_semaphore, #tpu.memory_space<semaphore_mem>>) src(%dma_wait3A_500 : memref<16x2304xf32, #tpu.memory_space<vmem>>) dst(%dma_wait3A_496 : memref<16x2304xf32, #tpu.memory_space<hbm>>)
    %dma_start3A_501 = arith.constant 0 : i32
    %dma_start3A_502 = arith.constant 0 : i32
    %dma_start3A_503 = arith.constant 0 : i32
    %dma_start3A_504 = tpu.memref_slice %arg6[%dma_start3A_501, %dma_start3A_502, %dma_start3A_503] : memref<3x16x2304xf32, #tpu.memory_space<vmem>> -> memref<1x16x2304xf32, #tpu.memory_space<vmem>>
    %dma_start3A_505 = tpu.memref_squeeze %dma_start3A_504 : memref<1x16x2304xf32, #tpu.memory_space<vmem>> -> memref<16x2304xf32, #tpu.memory_space<vmem>>
    %dma_start3A_506 = arith.constant 192 : i32
    %dma_start3A_507 = tpu.memref_slice %arg5[%dma_start3A_506] : memref<240xi32, #tpu.memory_space<vmem>> -> memref<16xi32, #tpu.memory_space<vmem>>
    %dma_start3A_508 = arith.constant 0 : i32
    %dma_start3A_509 = arith.constant 0 : i32
    %dma_start3A_510 = tpu.memref_slice %arg3[%dma_start3A_508, %dma_start3A_509] : memref<257216x2304xf32, #tpu.memory_space<hbm>> -> memref<257216x2304xf32, #tpu.memory_space<hbm>>
    tpu.enqueue_indirect_dma source(%dma_start3A_510 : memref<257216x2304xf32, #tpu.memory_space<hbm>>) target(%dma_start3A_505 : memref<16x2304xf32, #tpu.memory_space<vmem>>) offsets(%dma_start3A_507 : memref<16xi32, #tpu.memory_space<vmem>>) semaphore(%arg7 : memref<!tpu.dma_semaphore, #tpu.memory_space<semaphore_mem>>)
    %dma_wait3A_511 = arith.constant 1 : i32
    %dma_wait3A_512 = arith.constant 0 : i32
    %dma_wait3A_513 = arith.constant 0 : i32
    %dma_wait3A_514 = tpu.memref_slice %arg6[%dma_wait3A_511, %dma_wait3A_512, %dma_wait3A_513] : memref<3x16x2304xf32, #tpu.memory_space<vmem>> -> memref<1x16x2304xf32, #tpu.memory_space<vmem>>
    %dma_wait3A_515 = tpu.memref_squeeze %dma_wait3A_514 : memref<1x16x2304xf32, #tpu.memory_space<vmem>> -> memref<16x2304xf32, #tpu.memory_space<vmem>>
    %dma_wait3A_516 = arith.constant 160 : i32
    %dma_wait3A_517 = tpu.memref_slice %arg5[%dma_wait3A_516] : memref<240xi32, #tpu.memory_space<vmem>> -> memref<16xi32, #tpu.memory_space<vmem>>
    %dma_wait3A_518 = arith.constant 0 : i32
    %dma_wait3A_519 = arith.constant 0 : i32
    %dma_wait3A_520 = tpu.memref_slice %arg3[%dma_wait3A_518, %dma_wait3A_519] : memref<257216x2304xf32, #tpu.memory_space<hbm>> -> memref<257216x2304xf32, #tpu.memory_space<hbm>>
    tpu.wait_indirect_dma semaphore(%arg8 : memref<!tpu.dma_semaphore, #tpu.memory_space<semaphore_mem>>) src(%dma_wait3A_520 : memref<257216x2304xf32, #tpu.memory_space<hbm>>) dst(%dma_wait3A_515 : memref<16x2304xf32, #tpu.memory_space<vmem>>)
    %add3A_521 = arith.constant 160 : i32
    %add3A_522 = arith.addi %mul3A_2, %add3A_521 : i32
    %dma_start3A_523 = arith.constant 1 : i32
    %dma_start3A_524 = arith.constant 0 : i32
    %dma_start3A_525 = arith.constant 0 : i32
    %dma_start3A_526 = tpu.memref_slice %arg6[%dma_start3A_523, %dma_start3A_524, %dma_start3A_525] : memref<3x16x2304xf32, #tpu.memory_space<vmem>> -> memref<1x16x2304xf32, #tpu.memory_space<vmem>>
    %dma_start3A_527 = tpu.memref_squeeze %dma_start3A_526 : memref<1x16x2304xf32, #tpu.memory_space<vmem>> -> memref<16x2304xf32, #tpu.memory_space<vmem>>
    %dma_start3A_528 = arith.constant 0 : i32
    %dma_start3A_529 = tpu.memref_slice %arg4[%add3A_522, %dma_start3A_528] : memref<8192x2304xf32, #tpu.memory_space<hbm>> -> memref<16x2304xf32, #tpu.memory_space<hbm>>
    %dma_start3A_530 = arith.constant 0 : i32
    %dma_start3A_531 = tpu.memref_slice %arg4[%add3A_522, %dma_start3A_530] : memref<8192x2304xf32, #tpu.memory_space<hbm>> -> memref<16x2304xf32, #tpu.memory_space<hbm>>
    %dma_start3A_532 = arith.constant 0 : i32
    %dma_start3A_533 = arith.constant 0 : i32
    %dma_start3A_534 = tpu.memref_slice %arg6[%dma_start3A_523, %dma_start3A_532, %dma_start3A_533] : memref<3x16x2304xf32, #tpu.memory_space<vmem>> -> memref<1x16x2304xf32, #tpu.memory_space<vmem>>
    %dma_start3A_535 = tpu.memref_squeeze %dma_start3A_534 : memref<1x16x2304xf32, #tpu.memory_space<vmem>> -> memref<16x2304xf32, #tpu.memory_space<vmem>>
    tpu.enqueue_dma source(%dma_start3A_535 : memref<16x2304xf32, #tpu.memory_space<vmem>>) target(%dma_start3A_531 : memref<16x2304xf32, #tpu.memory_space<hbm>>) target_semaphore(%arg11 : memref<!tpu.dma_semaphore, #tpu.memory_space<semaphore_mem>>)
    %dma_wait3A_536 = arith.constant 1 : i32
    %dma_wait3A_537 = arith.constant 0 : i32
    %dma_wait3A_538 = arith.constant 0 : i32
    %dma_wait3A_539 = tpu.memref_slice %arg6[%dma_wait3A_536, %dma_wait3A_537, %dma_wait3A_538] : memref<3x16x2304xf32, #tpu.memory_space<vmem>> -> memref<1x16x2304xf32, #tpu.memory_space<vmem>>
    %dma_wait3A_540 = tpu.memref_squeeze %dma_wait3A_539 : memref<1x16x2304xf32, #tpu.memory_space<vmem>> -> memref<16x2304xf32, #tpu.memory_space<vmem>>
    %dma_wait3A_541 = arith.constant 0 : i32
    %dma_wait3A_542 = tpu.memref_slice %arg4[%add3A_522, %dma_wait3A_541] : memref<8192x2304xf32, #tpu.memory_space<hbm>> -> memref<16x2304xf32, #tpu.memory_space<hbm>>
    %dma_wait3A_543 = arith.constant 0 : i32
    %dma_wait3A_544 = tpu.memref_slice %arg4[%add3A_522, %dma_wait3A_543] : memref<8192x2304xf32, #tpu.memory_space<hbm>> -> memref<16x2304xf32, #tpu.memory_space<hbm>>
    %dma_wait3A_545 = arith.constant 0 : i32
    %dma_wait3A_546 = arith.constant 0 : i32
    %dma_wait3A_547 = tpu.memref_slice %arg6[%dma_wait3A_536, %dma_wait3A_545, %dma_wait3A_546] : memref<3x16x2304xf32, #tpu.memory_space<vmem>> -> memref<1x16x2304xf32, #tpu.memory_space<vmem>>
    %dma_wait3A_548 = tpu.memref_squeeze %dma_wait3A_547 : memref<1x16x2304xf32, #tpu.memory_space<vmem>> -> memref<16x2304xf32, #tpu.memory_space<vmem>>
    tpu.wait_dma2 semaphore(%arg11 : memref<!tpu.dma_semaphore, #tpu.memory_space<semaphore_mem>>) src(%dma_wait3A_548 : memref<16x2304xf32, #tpu.memory_space<vmem>>) dst(%dma_wait3A_544 : memref<16x2304xf32, #tpu.memory_space<hbm>>)
    %dma_start3A_549 = arith.constant 1 : i32
    %dma_start3A_550 = arith.constant 0 : i32
    %dma_start3A_551 = arith.constant 0 : i32
    %dma_start3A_552 = tpu.memref_slice %arg6[%dma_start3A_549, %dma_start3A_550, %dma_start3A_551] : memref<3x16x2304xf32, #tpu.memory_space<vmem>> -> memref<1x16x2304xf32, #tpu.memory_space<vmem>>
    %dma_start3A_553 = tpu.memref_squeeze %dma_start3A_552 : memref<1x16x2304xf32, #tpu.memory_space<vmem>> -> memref<16x2304xf32, #tpu.memory_space<vmem>>
    %dma_start3A_554 = arith.constant 208 : i32
    %dma_start3A_555 = tpu.memref_slice %arg5[%dma_start3A_554] : memref<240xi32, #tpu.memory_space<vmem>> -> memref<16xi32, #tpu.memory_space<vmem>>
    %dma_start3A_556 = arith.constant 0 : i32
    %dma_start3A_557 = arith.constant 0 : i32
    %dma_start3A_558 = tpu.memref_slice %arg3[%dma_start3A_556, %dma_start3A_557] : memref<257216x2304xf32, #tpu.memory_space<hbm>> -> memref<257216x2304xf32, #tpu.memory_space<hbm>>
    tpu.enqueue_indirect_dma source(%dma_start3A_558 : memref<257216x2304xf32, #tpu.memory_space<hbm>>) target(%dma_start3A_553 : memref<16x2304xf32, #tpu.memory_space<vmem>>) offsets(%dma_start3A_555 : memref<16xi32, #tpu.memory_space<vmem>>) semaphore(%arg8 : memref<!tpu.dma_semaphore, #tpu.memory_space<semaphore_mem>>)
    %dma_wait3A_559 = arith.constant 2 : i32
    %dma_wait3A_560 = arith.constant 0 : i32
    %dma_wait3A_561 = arith.constant 0 : i32
    %dma_wait3A_562 = tpu.memref_slice %arg6[%dma_wait3A_559, %dma_wait3A_560, %dma_wait3A_561] : memref<3x16x2304xf32, #tpu.memory_space<vmem>> -> memref<1x16x2304xf32, #tpu.memory_space<vmem>>
    %dma_wait3A_563 = tpu.memref_squeeze %dma_wait3A_562 : memref<1x16x2304xf32, #tpu.memory_space<vmem>> -> memref<16x2304xf32, #tpu.memory_space<vmem>>
    %dma_wait3A_564 = arith.constant 176 : i32
    %dma_wait3A_565 = tpu.memref_slice %arg5[%dma_wait3A_564] : memref<240xi32, #tpu.memory_space<vmem>> -> memref<16xi32, #tpu.memory_space<vmem>>
    %dma_wait3A_566 = arith.constant 0 : i32
    %dma_wait3A_567 = arith.constant 0 : i32
    %dma_wait3A_568 = tpu.memref_slice %arg3[%dma_wait3A_566, %dma_wait3A_567] : memref<257216x2304xf32, #tpu.memory_space<hbm>> -> memref<257216x2304xf32, #tpu.memory_space<hbm>>
    tpu.wait_indirect_dma semaphore(%arg9 : memref<!tpu.dma_semaphore, #tpu.memory_space<semaphore_mem>>) src(%dma_wait3A_568 : memref<257216x2304xf32, #tpu.memory_space<hbm>>) dst(%dma_wait3A_563 : memref<16x2304xf32, #tpu.memory_space<vmem>>)
    %add3A_569 = arith.constant 176 : i32
    %add3A_570 = arith.addi %mul3A_2, %add3A_569 : i32
    %dma_start3A_571 = arith.constant 2 : i32
    %dma_start3A_572 = arith.constant 0 : i32
    %dma_start3A_573 = arith.constant 0 : i32
    %dma_start3A_574 = tpu.memref_slice %arg6[%dma_start3A_571, %dma_start3A_572, %dma_start3A_573] : memref<3x16x2304xf32, #tpu.memory_space<vmem>> -> memref<1x16x2304xf32, #tpu.memory_space<vmem>>
    %dma_start3A_575 = tpu.memref_squeeze %dma_start3A_574 : memref<1x16x2304xf32, #tpu.memory_space<vmem>> -> memref<16x2304xf32, #tpu.memory_space<vmem>>
    %dma_start3A_576 = arith.constant 0 : i32
    %dma_start3A_577 = tpu.memref_slice %arg4[%add3A_570, %dma_start3A_576] : memref<8192x2304xf32, #tpu.memory_space<hbm>> -> memref<16x2304xf32, #tpu.memory_space<hbm>>
    %dma_start3A_578 = arith.constant 0 : i32
    %dma_start3A_579 = tpu.memref_slice %arg4[%add3A_570, %dma_start3A_578] : memref<8192x2304xf32, #tpu.memory_space<hbm>> -> memref<16x2304xf32, #tpu.memory_space<hbm>>
    %dma_start3A_580 = arith.constant 0 : i32
    %dma_start3A_581 = arith.constant 0 : i32
    %dma_start3A_582 = tpu.memref_slice %arg6[%dma_start3A_571, %dma_start3A_580, %dma_start3A_581] : memref<3x16x2304xf32, #tpu.memory_space<vmem>> -> memref<1x16x2304xf32, #tpu.memory_space<vmem>>
    %dma_start3A_583 = tpu.memref_squeeze %dma_start3A_582 : memref<1x16x2304xf32, #tpu.memory_space<vmem>> -> memref<16x2304xf32, #tpu.memory_space<vmem>>
    tpu.enqueue_dma source(%dma_start3A_583 : memref<16x2304xf32, #tpu.memory_space<vmem>>) target(%dma_start3A_579 : memref<16x2304xf32, #tpu.memory_space<hbm>>) target_semaphore(%arg12 : memref<!tpu.dma_semaphore, #tpu.memory_space<semaphore_mem>>)
    %dma_wait3A_584 = arith.constant 2 : i32
    %dma_wait3A_585 = arith.constant 0 : i32
    %dma_wait3A_586 = arith.constant 0 : i32
    %dma_wait3A_587 = tpu.memref_slice %arg6[%dma_wait3A_584, %dma_wait3A_585, %dma_wait3A_586] : memref<3x16x2304xf32, #tpu.memory_space<vmem>> -> memref<1x16x2304xf32, #tpu.memory_space<vmem>>
    %dma_wait3A_588 = tpu.memref_squeeze %dma_wait3A_587 : memref<1x16x2304xf32, #tpu.memory_space<vmem>> -> memref<16x2304xf32, #tpu.memory_space<vmem>>
    %dma_wait3A_589 = arith.constant 0 : i32
    %dma_wait3A_590 = tpu.memref_slice %arg4[%add3A_570, %dma_wait3A_589] : memref<8192x2304xf32, #tpu.memory_space<hbm>> -> memref<16x2304xf32, #tpu.memory_space<hbm>>
    %dma_wait3A_591 = arith.constant 0 : i32
    %dma_wait3A_592 = tpu.memref_slice %arg4[%add3A_570, %dma_wait3A_591] : memref<8192x2304xf32, #tpu.memory_space<hbm>> -> memref<16x2304xf32, #tpu.memory_space<hbm>>
    %dma_wait3A_593 = arith.constant 0 : i32
    %dma_wait3A_594 = arith.constant 0 : i32
    %dma_wait3A_595 = tpu.memref_slice %arg6[%dma_wait3A_584, %dma_wait3A_593, %dma_wait3A_594] : memref<3x16x2304xf32, #tpu.memory_space<vmem>> -> memref<1x16x2304xf32, #tpu.memory_space<vmem>>
    %dma_wait3A_596 = tpu.memref_squeeze %dma_wait3A_595 : memref<1x16x2304xf32, #tpu.memory_space<vmem>> -> memref<16x2304xf32, #tpu.memory_space<vmem>>
    tpu.wait_dma2 semaphore(%arg12 : memref<!tpu.dma_semaphore, #tpu.memory_space<semaphore_mem>>) src(%dma_wait3A_596 : memref<16x2304xf32, #tpu.memory_space<vmem>>) dst(%dma_wait3A_592 : memref<16x2304xf32, #tpu.memory_space<hbm>>)
    %dma_start3A_597 = arith.constant 2 : i32
    %dma_start3A_598 = arith.constant 0 : i32
    %dma_start3A_599 = arith.constant 0 : i32
    %dma_start3A_600 = tpu.memref_slice %arg6[%dma_start3A_597, %dma_start3A_598, %dma_start3A_599] : memref<3x16x2304xf32, #tpu.memory_space<vmem>> -> memref<1x16x2304xf32, #tpu.memory_space<vmem>>
    %dma_start3A_601 = tpu.memref_squeeze %dma_start3A_600 : memref<1x16x2304xf32, #tpu.memory_space<vmem>> -> memref<16x2304xf32, #tpu.memory_space<vmem>>
    %dma_start3A_602 = arith.constant 224 : i32
    %dma_start3A_603 = tpu.memref_slice %arg5[%dma_start3A_602] : memref<240xi32, #tpu.memory_space<vmem>> -> memref<16xi32, #tpu.memory_space<vmem>>
    %dma_start3A_604 = arith.constant 0 : i32
    %dma_start3A_605 = arith.constant 0 : i32
    %dma_start3A_606 = tpu.memref_slice %arg3[%dma_start3A_604, %dma_start3A_605] : memref<257216x2304xf32, #tpu.memory_space<hbm>> -> memref<257216x2304xf32, #tpu.memory_space<hbm>>
    tpu.enqueue_indirect_dma source(%dma_start3A_606 : memref<257216x2304xf32, #tpu.memory_space<hbm>>) target(%dma_start3A_601 : memref<16x2304xf32, #tpu.memory_space<vmem>>) offsets(%dma_start3A_603 : memref<16xi32, #tpu.memory_space<vmem>>) semaphore(%arg9 : memref<!tpu.dma_semaphore, #tpu.memory_space<semaphore_mem>>)
    %dma_wait3A_607 = arith.constant 0 : i32
    %dma_wait3A_608 = arith.constant 0 : i32
    %dma_wait3A_609 = arith.constant 0 : i32
    %dma_wait3A_610 = tpu.memref_slice %arg6[%dma_wait3A_607, %dma_wait3A_608, %dma_wait3A_609] : memref<3x16x2304xf32, #tpu.memory_space<vmem>> -> memref<1x16x2304xf32, #tpu.memory_space<vmem>>
    %dma_wait3A_611 = tpu.memref_squeeze %dma_wait3A_610 : memref<1x16x2304xf32, #tpu.memory_space<vmem>> -> memref<16x2304xf32, #tpu.memory_space<vmem>>
    %dma_wait3A_612 = arith.constant 192 : i32
    %dma_wait3A_613 = tpu.memref_slice %arg5[%dma_wait3A_612] : memref<240xi32, #tpu.memory_space<vmem>> -> memref<16xi32, #tpu.memory_space<vmem>>
    %dma_wait3A_614 = arith.constant 0 : i32
    %dma_wait3A_615 = arith.constant 0 : i32
    %dma_wait3A_616 = tpu.memref_slice %arg3[%dma_wait3A_614, %dma_wait3A_615] : memref<257216x2304xf32, #tpu.memory_space<hbm>> -> memref<257216x2304xf32, #tpu.memory_space<hbm>>
    tpu.wait_indirect_dma semaphore(%arg7 : memref<!tpu.dma_semaphore, #tpu.memory_space<semaphore_mem>>) src(%dma_wait3A_616 : memref<257216x2304xf32, #tpu.memory_space<hbm>>) dst(%dma_wait3A_611 : memref<16x2304xf32, #tpu.memory_space<vmem>>)
    %add3A_617 = arith.constant 192 : i32
    %add3A_618 = arith.addi %mul3A_2, %add3A_617 : i32
    %dma_start3A_619 = arith.constant 0 : i32
    %dma_start3A_620 = arith.constant 0 : i32
    %dma_start3A_621 = arith.constant 0 : i32
    %dma_start3A_622 = tpu.memref_slice %arg6[%dma_start3A_619, %dma_start3A_620, %dma_start3A_621] : memref<3x16x2304xf32, #tpu.memory_space<vmem>> -> memref<1x16x2304xf32, #tpu.memory_space<vmem>>
    %dma_start3A_623 = tpu.memref_squeeze %dma_start3A_622 : memref<1x16x2304xf32, #tpu.memory_space<vmem>> -> memref<16x2304xf32, #tpu.memory_space<vmem>>
    %dma_start3A_624 = arith.constant 0 : i32
    %dma_start3A_625 = tpu.memref_slice %arg4[%add3A_618, %dma_start3A_624] : memref<8192x2304xf32, #tpu.memory_space<hbm>> -> memref<16x2304xf32, #tpu.memory_space<hbm>>
    %dma_start3A_626 = arith.constant 0 : i32
    %dma_start3A_627 = tpu.memref_slice %arg4[%add3A_618, %dma_start3A_626] : memref<8192x2304xf32, #tpu.memory_space<hbm>> -> memref<16x2304xf32, #tpu.memory_space<hbm>>
    %dma_start3A_628 = arith.constant 0 : i32
    %dma_start3A_629 = arith.constant 0 : i32
    %dma_start3A_630 = tpu.memref_slice %arg6[%dma_start3A_619, %dma_start3A_628, %dma_start3A_629] : memref<3x16x2304xf32, #tpu.memory_space<vmem>> -> memref<1x16x2304xf32, #tpu.memory_space<vmem>>
    %dma_start3A_631 = tpu.memref_squeeze %dma_start3A_630 : memref<1x16x2304xf32, #tpu.memory_space<vmem>> -> memref<16x2304xf32, #tpu.memory_space<vmem>>
    tpu.enqueue_dma source(%dma_start3A_631 : memref<16x2304xf32, #tpu.memory_space<vmem>>) target(%dma_start3A_627 : memref<16x2304xf32, #tpu.memory_space<hbm>>) target_semaphore(%arg10 : memref<!tpu.dma_semaphore, #tpu.memory_space<semaphore_mem>>)
    %dma_wait3A_632 = arith.constant 1 : i32
    %dma_wait3A_633 = arith.constant 0 : i32
    %dma_wait3A_634 = arith.constant 0 : i32
    %dma_wait3A_635 = tpu.memref_slice %arg6[%dma_wait3A_632, %dma_wait3A_633, %dma_wait3A_634] : memref<3x16x2304xf32, #tpu.memory_space<vmem>> -> memref<1x16x2304xf32, #tpu.memory_space<vmem>>
    %dma_wait3A_636 = tpu.memref_squeeze %dma_wait3A_635 : memref<1x16x2304xf32, #tpu.memory_space<vmem>> -> memref<16x2304xf32, #tpu.memory_space<vmem>>
    %dma_wait3A_637 = arith.constant 208 : i32
    %dma_wait3A_638 = tpu.memref_slice %arg5[%dma_wait3A_637] : memref<240xi32, #tpu.memory_space<vmem>> -> memref<16xi32, #tpu.memory_space<vmem>>
    %dma_wait3A_639 = arith.constant 0 : i32
    %dma_wait3A_640 = arith.constant 0 : i32
    %dma_wait3A_641 = tpu.memref_slice %arg3[%dma_wait3A_639, %dma_wait3A_640] : memref<257216x2304xf32, #tpu.memory_space<hbm>> -> memref<257216x2304xf32, #tpu.memory_space<hbm>>
    tpu.wait_indirect_dma semaphore(%arg8 : memref<!tpu.dma_semaphore, #tpu.memory_space<semaphore_mem>>) src(%dma_wait3A_641 : memref<257216x2304xf32, #tpu.memory_space<hbm>>) dst(%dma_wait3A_636 : memref<16x2304xf32, #tpu.memory_space<vmem>>)
    %add3A_642 = arith.constant 208 : i32
    %add3A_643 = arith.addi %mul3A_2, %add3A_642 : i32
    %dma_start3A_644 = arith.constant 1 : i32
    %dma_start3A_645 = arith.constant 0 : i32
    %dma_start3A_646 = arith.constant 0 : i32
    %dma_start3A_647 = tpu.memref_slice %arg6[%dma_start3A_644, %dma_start3A_645, %dma_start3A_646] : memref<3x16x2304xf32, #tpu.memory_space<vmem>> -> memref<1x16x2304xf32, #tpu.memory_space<vmem>>
    %dma_start3A_648 = tpu.memref_squeeze %dma_start3A_647 : memref<1x16x2304xf32, #tpu.memory_space<vmem>> -> memref<16x2304xf32, #tpu.memory_space<vmem>>
    %dma_start3A_649 = arith.constant 0 : i32
    %dma_start3A_650 = tpu.memref_slice %arg4[%add3A_643, %dma_start3A_649] : memref<8192x2304xf32, #tpu.memory_space<hbm>> -> memref<16x2304xf32, #tpu.memory_space<hbm>>
    %dma_start3A_651 = arith.constant 0 : i32
    %dma_start3A_652 = tpu.memref_slice %arg4[%add3A_643, %dma_start3A_651] : memref<8192x2304xf32, #tpu.memory_space<hbm>> -> memref<16x2304xf32, #tpu.memory_space<hbm>>
    %dma_start3A_653 = arith.constant 0 : i32
    %dma_start3A_654 = arith.constant 0 : i32
    %dma_start3A_655 = tpu.memref_slice %arg6[%dma_start3A_644, %dma_start3A_653, %dma_start3A_654] : memref<3x16x2304xf32, #tpu.memory_space<vmem>> -> memref<1x16x2304xf32, #tpu.memory_space<vmem>>
    %dma_start3A_656 = tpu.memref_squeeze %dma_start3A_655 : memref<1x16x2304xf32, #tpu.memory_space<vmem>> -> memref<16x2304xf32, #tpu.memory_space<vmem>>
    tpu.enqueue_dma source(%dma_start3A_656 : memref<16x2304xf32, #tpu.memory_space<vmem>>) target(%dma_start3A_652 : memref<16x2304xf32, #tpu.memory_space<hbm>>) target_semaphore(%arg11 : memref<!tpu.dma_semaphore, #tpu.memory_space<semaphore_mem>>)
    %dma_wait3A_657 = arith.constant 2 : i32
    %dma_wait3A_658 = arith.constant 0 : i32
    %dma_wait3A_659 = arith.constant 0 : i32
    %dma_wait3A_660 = tpu.memref_slice %arg6[%dma_wait3A_657, %dma_wait3A_658, %dma_wait3A_659] : memref<3x16x2304xf32, #tpu.memory_space<vmem>> -> memref<1x16x2304xf32, #tpu.memory_space<vmem>>
    %dma_wait3A_661 = tpu.memref_squeeze %dma_wait3A_660 : memref<1x16x2304xf32, #tpu.memory_space<vmem>> -> memref<16x2304xf32, #tpu.memory_space<vmem>>
    %dma_wait3A_662 = arith.constant 224 : i32
    %dma_wait3A_663 = tpu.memref_slice %arg5[%dma_wait3A_662] : memref<240xi32, #tpu.memory_space<vmem>> -> memref<16xi32, #tpu.memory_space<vmem>>
    %dma_wait3A_664 = arith.constant 0 : i32
    %dma_wait3A_665 = arith.constant 0 : i32
    %dma_wait3A_666 = tpu.memref_slice %arg3[%dma_wait3A_664, %dma_wait3A_665] : memref<257216x2304xf32, #tpu.memory_space<hbm>> -> memref<257216x2304xf32, #tpu.memory_space<hbm>>
    tpu.wait_indirect_dma semaphore(%arg9 : memref<!tpu.dma_semaphore, #tpu.memory_space<semaphore_mem>>) src(%dma_wait3A_666 : memref<257216x2304xf32, #tpu.memory_space<hbm>>) dst(%dma_wait3A_661 : memref<16x2304xf32, #tpu.memory_space<vmem>>)
    %add3A_667 = arith.constant 224 : i32
    %add3A_668 = arith.addi %mul3A_2, %add3A_667 : i32
    %dma_start3A_669 = arith.constant 2 : i32
    %dma_start3A_670 = arith.constant 0 : i32
    %dma_start3A_671 = arith.constant 0 : i32
    %dma_start3A_672 = tpu.memref_slice %arg6[%dma_start3A_669, %dma_start3A_670, %dma_start3A_671] : memref<3x16x2304xf32, #tpu.memory_space<vmem>> -> memref<1x16x2304xf32, #tpu.memory_space<vmem>>
    %dma_start3A_673 = tpu.memref_squeeze %dma_start3A_672 : memref<1x16x2304xf32, #tpu.memory_space<vmem>> -> memref<16x2304xf32, #tpu.memory_space<vmem>>
    %dma_start3A_674 = arith.constant 0 : i32
    %dma_start3A_675 = tpu.memref_slice %arg4[%add3A_668, %dma_start3A_674] : memref<8192x2304xf32, #tpu.memory_space<hbm>> -> memref<16x2304xf32, #tpu.memory_space<hbm>>
    %dma_start3A_676 = arith.constant 0 : i32
    %dma_start3A_677 = tpu.memref_slice %arg4[%add3A_668, %dma_start3A_676] : memref<8192x2304xf32, #tpu.memory_space<hbm>> -> memref<16x2304xf32, #tpu.memory_space<hbm>>
    %dma_start3A_678 = arith.constant 0 : i32
    %dma_start3A_679 = arith.constant 0 : i32
    %dma_start3A_680 = tpu.memref_slice %arg6[%dma_start3A_669, %dma_start3A_678, %dma_start3A_679] : memref<3x16x2304xf32, #tpu.memory_space<vmem>> -> memref<1x16x2304xf32, #tpu.memory_space<vmem>>
    %dma_start3A_681 = tpu.memref_squeeze %dma_start3A_680 : memref<1x16x2304xf32, #tpu.memory_space<vmem>> -> memref<16x2304xf32, #tpu.memory_space<vmem>>
    tpu.enqueue_dma source(%dma_start3A_681 : memref<16x2304xf32, #tpu.memory_space<vmem>>) target(%dma_start3A_677 : memref<16x2304xf32, #tpu.memory_space<hbm>>) target_semaphore(%arg12 : memref<!tpu.dma_semaphore, #tpu.memory_space<semaphore_mem>>)
    %dma_wait3A_682 = arith.constant 0 : i32
    %dma_wait3A_683 = arith.constant 0 : i32
    %dma_wait3A_684 = arith.constant 0 : i32
    %dma_wait3A_685 = tpu.memref_slice %arg6[%dma_wait3A_682, %dma_wait3A_683, %dma_wait3A_684] : memref<3x16x2304xf32, #tpu.memory_space<vmem>> -> memref<1x16x2304xf32, #tpu.memory_space<vmem>>
    %dma_wait3A_686 = tpu.memref_squeeze %dma_wait3A_685 : memref<1x16x2304xf32, #tpu.memory_space<vmem>> -> memref<16x2304xf32, #tpu.memory_space<vmem>>
    %dma_wait3A_687 = arith.constant 0 : i32
    %dma_wait3A_688 = tpu.memref_slice %arg4[%add3A_618, %dma_wait3A_687] : memref<8192x2304xf32, #tpu.memory_space<hbm>> -> memref<16x2304xf32, #tpu.memory_space<hbm>>
    %dma_wait3A_689 = arith.constant 0 : i32
    %dma_wait3A_690 = tpu.memref_slice %arg4[%add3A_618, %dma_wait3A_689] : memref<8192x2304xf32, #tpu.memory_space<hbm>> -> memref<16x2304xf32, #tpu.memory_space<hbm>>
    %dma_wait3A_691 = arith.constant 0 : i32
    %dma_wait3A_692 = arith.constant 0 : i32
    %dma_wait3A_693 = tpu.memref_slice %arg6[%dma_wait3A_682, %dma_wait3A_691, %dma_wait3A_692] : memref<3x16x2304xf32, #tpu.memory_space<vmem>> -> memref<1x16x2304xf32, #tpu.memory_space<vmem>>
    %dma_wait3A_694 = tpu.memref_squeeze %dma_wait3A_693 : memref<1x16x2304xf32, #tpu.memory_space<vmem>> -> memref<16x2304xf32, #tpu.memory_space<vmem>>
    tpu.wait_dma2 semaphore(%arg10 : memref<!tpu.dma_semaphore, #tpu.memory_space<semaphore_mem>>) src(%dma_wait3A_694 : memref<16x2304xf32, #tpu.memory_space<vmem>>) dst(%dma_wait3A_690 : memref<16x2304xf32, #tpu.memory_space<hbm>>)
    %dma_wait3A_695 = arith.constant 1 : i32
    %dma_wait3A_696 = arith.constant 0 : i32
    %dma_wait3A_697 = arith.constant 0 : i32
    %dma_wait3A_698 = tpu.memref_slice %arg6[%dma_wait3A_695, %dma_wait3A_696, %dma_wait3A_697] : memref<3x16x2304xf32, #tpu.memory_space<vmem>> -> memref<1x16x2304xf32, #tpu.memory_space<vmem>>
    %dma_wait3A_699 = tpu.memref_squeeze %dma_wait3A_698 : memref<1x16x2304xf32, #tpu.memory_space<vmem>> -> memref<16x2304xf32, #tpu.memory_space<vmem>>
    %dma_wait3A_700 = arith.constant 0 : i32
    %dma_wait3A_701 = tpu.memref_slice %arg4[%add3A_643, %dma_wait3A_700] : memref<8192x2304xf32, #tpu.memory_space<hbm>> -> memref<16x2304xf32, #tpu.memory_space<hbm>>
    %dma_wait3A_702 = arith.constant 0 : i32
    %dma_wait3A_703 = tpu.memref_slice %arg4[%add3A_643, %dma_wait3A_702] : memref<8192x2304xf32, #tpu.memory_space<hbm>> -> memref<16x2304xf32, #tpu.memory_space<hbm>>
    %dma_wait3A_704 = arith.constant 0 : i32
    %dma_wait3A_705 = arith.constant 0 : i32
    %dma_wait3A_706 = tpu.memref_slice %arg6[%dma_wait3A_695, %dma_wait3A_704, %dma_wait3A_705] : memref<3x16x2304xf32, #tpu.memory_space<vmem>> -> memref<1x16x2304xf32, #tpu.memory_space<vmem>>
    %dma_wait3A_707 = tpu.memref_squeeze %dma_wait3A_706 : memref<1x16x2304xf32, #tpu.memory_space<vmem>> -> memref<16x2304xf32, #tpu.memory_space<vmem>>
    tpu.wait_dma2 semaphore(%arg11 : memref<!tpu.dma_semaphore, #tpu.memory_space<semaphore_mem>>) src(%dma_wait3A_707 : memref<16x2304xf32, #tpu.memory_space<vmem>>) dst(%dma_wait3A_703 : memref<16x2304xf32, #tpu.memory_space<hbm>>)
    %dma_wait3A_708 = arith.constant 2 : i32
    %dma_wait3A_709 = arith.constant 0 : i32
    %dma_wait3A_710 = arith.constant 0 : i32
    %dma_wait3A_711 = tpu.memref_slice %arg6[%dma_wait3A_708, %dma_wait3A_709, %dma_wait3A_710] : memref<3x16x2304xf32, #tpu.memory_space<vmem>> -> memref<1x16x2304xf32, #tpu.memory_space<vmem>>
    %dma_wait3A_712 = tpu.memref_squeeze %dma_wait3A_711 : memref<1x16x2304xf32, #tpu.memory_space<vmem>> -> memref<16x2304xf32, #tpu.memory_space<vmem>>
    %dma_wait3A_713 = arith.constant 0 : i32
    %dma_wait3A_714 = tpu.memref_slice %arg4[%add3A_668, %dma_wait3A_713] : memref<8192x2304xf32, #tpu.memory_space<hbm>> -> memref<16x2304xf32, #tpu.memory_space<hbm>>
    %dma_wait3A_715 = arith.constant 0 : i32
    %dma_wait3A_716 = tpu.memref_slice %arg4[%add3A_668, %dma_wait3A_715] : memref<8192x2304xf32, #tpu.memory_space<hbm>> -> memref<16x2304xf32, #tpu.memory_space<hbm>>
    %dma_wait3A_717 = arith.constant 0 : i32
    %dma_wait3A_718 = arith.constant 0 : i32
    %dma_wait3A_719 = tpu.memref_slice %arg6[%dma_wait3A_708, %dma_wait3A_717, %dma_wait3A_718] : memref<3x16x2304xf32, #tpu.memory_space<vmem>> -> memref<1x16x2304xf32, #tpu.memory_space<vmem>>
    %dma_wait3A_720 = tpu.memref_squeeze %dma_wait3A_719 : memref<1x16x2304xf32, #tpu.memory_space<vmem>> -> memref<16x2304xf32, #tpu.memory_space<vmem>>
    tpu.wait_dma2 semaphore(%arg12 : memref<!tpu.dma_semaphore, #tpu.memory_space<semaphore_mem>>) src(%dma_wait3A_720 : memref<16x2304xf32, #tpu.memory_space<vmem>>) dst(%dma_wait3A_716 : memref<16x2304xf32, #tpu.memory_space<hbm>>)
    return
  }
}

</mosaic_0001>

<sc_bundles>
// kernel: kernel.3.cloned.1.call-start
scs
__scs_entry_jumppad:
0x0: {  	(pc) =	sbr.rel $0x88, $3  }
0x1: {  	(tag) =	ssettag $0x0;
	lr =	simm.s32 $0x1  }
0x2: {  	[smem:$0x3F9F] =	sst lr;
	_ =	strace $0xD0000000  }
0x3: {  	_ = 	snop  }
0x4: {  	_ = 	snop  }
0x5: {  	_ = 	snop  }
0x6: {  	_ = 	snop  }
0x7: {  	_ = 	snop  }
__scs_overlays_trampoline_lowered:
0x8: {  	[smem:$0x3FAE] =	sst s0  }
0x9: {  	[smem:$0x3FAF] =	sst s1  }
0xa: {  	[smem:$0x3FB0] =	sst s2  }
0xb: {  	[smem:$0x3FB1] =	sst s3  }
0xc: {  	[smem:$0x3FB2] =	sst s4  }
0xd: {  	[smem:$0x3FB3] =	sst s5  }
0xe: {  	[smem:$0x3FB4] =	sst s6  }
0xf: {  	[smem:$0x3FB5] =	sst s7  }
0x10: {  	[smem:$0x3FB6] =	sst s8  }
0x11: {  	[smem:$0x3FB7] =	sst s9;
	s0 =	simm.s32 @!p0 $0x0  }
0x12: {  	s1 =	sld [smem:$0x3F9D];
	s0 =	simm.s32 @p0 $0x1  }
0x13: {  	[smem:$0x3FB8] =	sst s0;
	s0 =	simm.s32 @!p1 $0x0  }
0x14: {  	s2 =	sld [smem:$0x3F9C];
	s0 =	simm.s32 @p1 $0x1  }
0x15: {  	[smem:$0x3FB9] =	sst s0;
	s0 =	simm.s32 @!p2 $0x0  }
0x16: {  	s3 =	sld [smem:$0x3FDB];
	s0 =	simm.s32 @p2 $0x1  }
0x17: {  	s4 =	simm.s32 $0x1BF5;
	[smem:$0x3FBB] =	sst s0  }
0x18: {  	s0 =	sld [smem:$0x3F9E];
	_ =	swait.ge [sflag:s4], $0x0  }
0x19: {  	s7 =	sld [smem:$0x3F9F]  }
0x1a: {  	s8 =	sadd.s32 $0xFFFFE003, lr  }
0x1b: {  	s9 =	sadd.s32 $0xFFFFFEF7, lr;
	s5 =	simm.s32 $0xFFFFFFFF;
	p2 =	slt.u32 s8, $0xFFFFF086  }
0x1c: {  	p1 =	slt.u32 s9, $0xF7A;
	s5 =	simm.s32 @!p2 $0x0  }
0x1d: {  	s5 =	simm.s32 @p1 $0x1;
	p0 =	seq.s32 s7, s2  }
0x1e: {  	s7 =	smul.u32 @!p0 $0xF7A, s2;
	p2 =	seq.s32 @!p0 s5, $0x0  }
0x1f: {  	s9 =	smul.u32 $0xF7A, s1;
	s8 =	simm.s32 @!p0 $0x1BF5;
	p2 =	por !p2, p0  }
0x20: {  	[sflag:s8] =	ssyncset.s32 @!p0 $0xFFFFF086;
	s6 =	sadd.s32 @!p0 s3, s7;
	s7 =	simm.s32 @!p0 $0x108  }
0x21: {  	s3 =	sadd.s32 s3, s9;
	s6 =	sadd.s32 @!p0 $0x88, s6;
	s7 =	simm.s32 @p2 $0x1082  }
0x22: {  	[simem:s7], [sflag:s8] =	dma.local @!p0 [hbm:s6], $0xF7A  }
0x23: {  	s9 =	sor.u32 $0xD0000000, s2;
	s6 =	simm.s32 $0x108;
	_ =	swait.ge @!p0 [sflag:s8], $0x0  }
0x24: {  	s3 =	sadd.s32 $0x88, s3;
	s6 =	simm.s32 @!p1 $0x1082;
	[sflag:s4] =	ssyncset.s32 $0xFFFFF086  }
0x25: {  	[simem:s6], [sflag:s4] =	dma.local [hbm:s3], $0xF7A  }
0x26: {  	[smem:$0x3F9F] =	sst s1;
	(tag) =	ssettag s2;
	_ =	strace s9  }
0x27: {  	s1 =	sld [smem:$0x3FAF]  }
0x28: {  	s2 =	sld [smem:$0x3FB0]  }
0x29: {  	s4 =	sld [smem:$0x3FB2]  }
0x2a: {  	p0 =	seq.s32 s5, $0x0;
	s5 =	sld [smem:$0x3FB3]  }
0x2b: {  	s6 =	sld [smem:$0x3FB4]  }
0x2c: {  	s7 =	sld [smem:$0x3FB5]  }
0x2d: {  	s3 =	simm.s32 $0x108;
	s8 =	sld [smem:$0x3FB6]  }
0x2e: {  	s3 =	simm.s32 @!p0 $0x1082;
	s9 =	sld [smem:$0x3FB7]  }
0x2f: {  	lr =	sadd.s32 s0, s3;
	s0 =	sld [smem:$0x3FAE]  }
0x30: {  	s3 =	sld [smem:$0x3FB1]  }
0x31: {  	[smem:$0x3FBA] =	sst s10  }
0x32: {  	s10 =	sld [smem:$0x3FB8];
	_ =	sdelay $0x3  }
0x33: {  	p0 =	seq.s32 s10, $0x1;
	s10 =	sld [smem:$0x3FBA];
	_ =	sdelay $0x3  }
0x34: {  	[smem:$0x3FBA] =	sst s10  }
0x35: {  	s10 =	sld [smem:$0x3FB9];
	_ =	sdelay $0x3  }
0x36: {  	p1 =	seq.s32 s10, $0x1;
	s10 =	sld [smem:$0x3FBA];
	_ =	sdelay $0x3  }
0x37: {  	[smem:$0x3FBA] =	sst s10  }
0x38: {  	s10 =	sld [smem:$0x3FBB]  }
0x39: {  	_ = 	snop;
	(pc) =	sbr.ind lr, $3  }
0x3a: {  	_ = 	snop  }
0x3b: {  	_ = 	snop  }
0x3c: {  	p2 =	seq.s32 s10, $0x1;
	s10 =	sld [smem:$0x3FBA]  }
0x3d: {  	_ =	shalt  }
0x3e: {  	_ =	shalt  }
0x3f: {  	_ =	shalt  }
0x40: {  	_ =	shalt  }
0x41: {  	_ =	shalt  }
0x42: {  	_ =	shalt  }
0x43: {  	_ =	shalt  }
0x44: {  	_ =	shalt  }
0x45: {  	_ =	shalt  }
0x46: {  	_ =	shalt  }
0x47: {  	_ =	shalt  }
0x48: {  	_ =	shalt  }
0x49: {  	_ =	shalt  }
0x4a: {  	_ =	shalt  }
0x4b: {  	_ =	shalt  }
0x4c: {  	_ =	shalt  }
0x4d: {  	_ =	shalt  }
0x4e: {  	_ =	shalt  }
0x4f: {  	_ =	shalt  }
0x50: {  	_ =	shalt  }
0x51: {  	_ =	shalt  }
0x52: {  	_ =	shalt  }
0x53: {  	_ =	shalt  }
0x54: {  	_ =	shalt  }
0x55: {  	_ =	shalt  }
0x56: {  	_ =	shalt  }
0x57: {  	_ =	shalt  }
0x58: {  	_ =	shalt  }
0x59: {  	_ =	shalt  }
0x5a: {  	_ =	shalt  }
0x5b: {  	_ =	shalt  }
0x5c: {  	_ =	shalt  }
0x5d: {  	_ =	shalt  }
0x5e: {  	_ =	shalt  }
0x5f: {  	_ =	shalt  }
0x60: {  	_ =	shalt  }
0x61: {  	_ =	shalt  }
0x62: {  	_ =	shalt  }
0x63: {  	_ =	shalt  }
0x64: {  	_ =	shalt  }
0x65: {  	_ =	shalt  }
0x66: {  	_ =	shalt  }
0x67: {  	_ =	shalt  }
0x68: {  	_ =	shalt  }
0x69: {  	_ =	shalt  }
0x6a: {  	_ =	shalt  }
0x6b: {  	_ =	shalt  }
0x6c: {  	_ =	shalt  }
0x6d: {  	_ =	shalt  }
0x6e: {  	_ =	shalt  }
0x6f: {  	_ =	shalt  }
0x70: {  	_ =	shalt  }
0x71: {  	_ =	shalt  }
0x72: {  	_ =	shalt  }
0x73: {  	_ =	shalt  }
0x74: {  	_ =	shalt  }
0x75: {  	_ =	shalt  }
0x76: {  	_ =	shalt  }
0x77: {  	_ =	shalt  }
0x78: {  	_ =	shalt  }
0x79: {  	_ =	shalt  }
0x7a: {  	_ =	shalt  }
0x7b: {  	_ =	shalt  }
0x7c: {  	_ =	shalt  }
0x7d: {  	_ =	shalt  }
0x7e: {  	_ =	shalt  }
0x7f: {  	_ =	shalt  }
0x80: {  	_ =	shalt  }
0x81: {  	_ =	shalt  }
0x82: {  	_ =	shalt  }
0x83: {  	_ =	shalt  }
0x84: {  	_ =	shalt  }
0x85: {  	_ =	shalt  }
0x86: {  	_ =	shalt  }
0x87: {  	_ =	shalt  }
.Lfunc_end0:
.L_simem_size_0:
called_computation_lowered:
.L_overlay_start_0:
0x88: {  	s2 =	sld [smem:$0x3FD9]  }
0x89: {  	s3 =	sld [smem:$0x3FFE];
	_ =	sdelay $0x1  }
0x8a: {  	s1 =	srdreg.scid  }
0x8b: {  	s0 =	sand.u32 $0x1, s1  }
0x8c: {  	s14 =	sshll.u32 s0, $0xA;
	s2 =	sadd.s32 s3, s2  }
0x8d: {  	s2 =	sadd.s32 s2, s14  }
0x8e: {  	s5 =	simm.s32 $0x0;
	[smem:$0x3FC6] =	sst s2  }
0x8f: {  	[smem:$0xF] =	sst s5  }
0x90: {  	s2 =	sld [smem:$0x3FC8]  }
0x91: {  	s4 =	sld [smem:$0x3FD0];
	(tm) =	ssettm $0x1  }
0x92: {  	s15 =	sld [smem:$0x3FFB];
	_ =	sdelay $0x3  }
0x93: {  	_ =	strace s15  }
0x94: {  	s3 =	sld [smem:$0x3FFC];
	_ =	sdelay $0x3  }
0x95: {  	_ =	strace s3  }
0x96: {  	s3 =	sld [smem:$0x3FFD];
	_ =	sdelay $0x3  }
0x97: {  	_ =	strace s3  }
0x98: {  	_ =	strace $0x8FFFFFFF  }
0x99: {  	s16 =	sld [smem:$0x3FDB];
	_ =	sdelay $0x2  }
0x9a: {  	s6 =	simm.s32 $_scs_section_size;
	s7 =	simm.s32 $_tile_overlayer_lowered  }
0x9b: {  	s17 =	simm.s32 $_size__tile_overlayer_lowered;
	s7 =	sshll.u32 s7, $0x1;
	s3 =	sadd.s32 s6, s16  }
0x9c: {  	s8 =	simm.s32 $0x1BFF;
	s6 =	sshll.u32 s17, $0x1;
	s7 =	sadd.s32 s7, s3  }
0x9d: {  	[timem:s5], [sflag:s8] =	dma.local [hbm:s7], s6  }
0x9e: {  	_ =	swait.ge [sflag:s8], s6  }
0x9f: {  	s6 =	ssub.s32 $0x0, s6;
	[sflag:s8] =	ssyncset.done $0x0  }
0xa0: {  	[sflag:s8] =	ssyncadd.s32 s6;
	_ =	sdelay $0x1  }
0xa1: {  	s18 =	simm.s32 $0x1B8B  }
0xa2: {  	_ =	swait.ge [sflag:s18], $0x1  }
0xa3: {  	[sflag:s18] =	ssyncset.done $0x0  }
0xa4: {  	s20 =	simm.s32 $0x1B8E;
	s19 =	sld [smem:$0x3FFE];
	[sflag:s18] =	ssyncadd.s32 $0xFFFFFFFF  }
0xa5: {  	s21 =	simm.s32 $execute0_lowered;
	[smem:$0x3FD2] =	sst s20  }
0xa6: {  	s6 =	sshll.u32 s21, $0x1;
	_ =	strace $0x80000046;
	[dreg:$0x1] =	wrdreg $0xFFFFFFFF  }
0xa7: {  	s22 =	simm.s32 $_size_execute0_lowered;
	s3 =	sadd.s32 s3, s6;
	[dreg:$0x0] =	wrdreg $0x0  }
0xa8: {  	s6 =	sshll.u32 s22, $0x1;
	[dreg:$0x2] =	wrdreg s3  }
0xa9: {  	[dreg:$0x3] =	wrdreg s6  }
0xaa: {  	[dreg:$0x4] =	wrdreg $0xC0  }
0xab: {  	_ =	task [dreg:s5], $0x5FFFF  }
0xac: {  	[dreg:$0x1] =	wrdreg $0xFFFFFFFF  }
0xad: {  	[dreg:$0x0] =	wrdreg $0x60  }
0xae: {  	[dreg:$0x2] =	wrdreg s19  }
0xaf: {  	s23 =	sshll.u32 s0, $0x5;
	[dreg:$0x3] =	wrdreg s2  }
0xb0: {  	s6 =	sor.u32 $0x3C0, s23;
	[dreg:$0x4] =	wrdreg s4  }
0xb1: {  	s24 =	simm.s32 $0xD;
	s3 =	sadd.s32 s6, s19;
	[dreg:$0x5] =	wrdreg $0x9  }
0xb2: {  	s25 =	simm.s32 $0x10;
	s3 =	sadd.s32 $0x400, s3;
	_ =	task.clear_ibuf [dreg:s5], $0x6FFFF  }
0xb3: {  	[smem:s25], [sflag:s24] =	dma.local [hbm:s3], $0x20  }
0xb4: {  	_ =	swait.ge [sflag:s24], $0x20  }
0xb5: {  	[sflag:s24] =	ssyncset.done $0x0  }
0xb6: {  	[sflag:s24] =	ssyncadd.s32 $0xFFFFFFE0  }
0xb7: {  	s26 =	sld [smem:$0x10];
	_ =	sdelay $0x2  }
0xb8: {  	s28 =	simm.s32 $0x0  }
0xb9: {  	s7 =	smul.u32 $0x12000, s28;
	s29 =	sshrl.u32 s26, $0x3  }
0xba: {  	s11 =	simm.s32 $0x2;
	s3 =	sshll.u32 s26, $0x7;
	s8 =	smul.u32 $0x4800, s29  }
0xbb: {  	s10 =	sand.u32 $0x380, s5;
	s7 =	sshra.s32 s7, $0x2;
	s9 =	sand.u32 $0x380, s3  }
0xbc: {  	s30 =	sor.u32 s10, s7;
	s7 =	simm.s32 $0x1;
	s8 =	sor.u32 s9, s8  }
0xbd: {  	s3 =	simm.s32 $0xA;
	s9 =	sadd.s32 $0x1B1000, s30;
	s31 =	sshrl.u32 s8, $0x3  }
0xbe: {  	s8 =	simm.s32 $0x80;
	s9 =	sshrl.u32 s9, $0x3;
	s10 =	sadd.s32 s2, s31  }
0xbf: {  	[spmem:s9@s8], [sflag:s3] =	dma.strided [hbm:s10@s8], $0x120, s7, $0x10   }
0xc0: {  	s9 =	simm.s32 $0x1;
	s10 =	simm.s32 $0x11;
	s12 =	sld [smem:$0x11]  }
.LBB1_1:
0xc1: {  	p0 =	sne.s32 s11, $0x3F;
	_ =	sdelay $0x1  }
0xc2: {  	s13 =	sshrl.u32 s9, $0x3;
	s9 =	smov.u32 s11  }
0xc3: {  	s13 =	smul.u32 $0x12000, s13;
	s14 =	sshrl.u32 s12, $0x3  }
0xc4: {  	s5 =	sadd.s32 $0x80, s5;
	s12 =	sshll.u32 s12, $0x7;
	s14 =	smul.u32 $0x4800, s14  }
0xc5: {  	s15 =	sand.u32 $0x380, s5;
	s13 =	sshra.s32 s13, $0x2;
	s12 =	sand.u32 $0x380, s12  }
0xc6: {  	s13 =	sor.u32 s15, s13;
	s12 =	sor.u32 s12, s14  }
.Ltmp0:
0xc7: {  	s13 =	sadd.s32 $0x1B1000, s13;
	s12 =	sshrl.u32 s12, $0x3;
	(pc) =	sbr.rel @p0 .LBB1_1-.Ltmp0, $3  }
0xc8: {  	s10 =	sadd.s32 $0x1, s10;
	s13 =	sshrl.u32 s13, $0x3;
	s12 =	sadd.s32 s2, s12  }
0xc9: {  	[spmem:s13@s8], [sflag:s3] =	dma.strided [hbm:s12@s8], $0x120, s7, $0x10   }
0xca: {  	s11 =	sadd.s32 $0x1, s11;
	s12 =	sld [smem:s10+$0x0]  }
0xcb: {  	_ =	sdelay $0x1  }
0xcc: {  	s9 =	sshrl.u32 s9, $0x3  }
0xcd: {  	s9 =	smul.u32 $0x12000, s9;
	s10 =	sshrl.u32 s12, $0x3  }
0xce: {  	s5 =	sadd.s32 $0x80, s5;
	s11 =	sshll.u32 s12, $0x7;
	s10 =	smul.u32 $0x4800, s10  }
0xcf: {  	s5 =	sand.u32 $0x380, s5;
	s9 =	sshra.s32 s9, $0x2;
	s11 =	sand.u32 $0x380, s11  }
0xd0: {  	s5 =	sor.u32 s5, s9;
	s10 =	sor.u32 s11, s10  }
0xd1: {  	s5 =	sadd.s32 $0x1B1000, s5;
	s22 =	sshrl.u32 s10, $0x3  }
0xd2: {  	s23 =	simm.s32 $0xA;
	s5 =	sshrl.u32 s5, $0x3;
	s9 =	sadd.s32 s2, s22  }
0xd3: {  	[spmem:s5@s8], [sflag:s3] =	dma.strided [hbm:s9@s8], $0x120, s7, $0x10   }
0xd4: {  	s6 =	smul.u32 $0x900, s6;
	_ =	swait.ge [sflag:s23], $0x4800  }
0xd5: {  	s25 =	simm.s32 $0x36200;
	[sflag:s23] =	ssyncset.done $0x0  }
0xd6: {  	s24 =	sadd.s32 s6, s4;
	s6 =	simm.s32 $0xB;
	[sflag:s23] =	ssyncadd.s32 $0xFFFFB800  }
0xd7: {  	[hbm:s24], [sflag:s6] =	dma.local [spmem:s25], $0x4800  }
0xd8: {  	s5 =	sld [smem:$0x50]  }
0xd9: {  	s26 =	simm.s32 $0x0  }
0xda: {  	s29 =	smul.u32 $0x12000, s26;
	_ =	sdelay $0x1  }
0xdb: {  	s7 =	simm.s32 $0x0;
	s9 =	sshra.s32 s29, $0x2;
	s28 =	sshrl.u32 s5, $0x3  }
0xdc: {  	s30 =	sand.u32 $0x380, s7;
	s5 =	sshll.u32 s5, $0x7;
	s8 =	smul.u32 $0x4800, s28  }
0xdd: {  	s9 =	sor.u32 s30, s9;
	s5 =	sand.u32 $0x380, s5  }
0xde: {  	s9 =	sadd.s32 $0x1D5000, s9;
	s8 =	sor.u32 s5, s8  }
0xdf: {  	s11 =	simm.s32 $0x2;
	s9 =	sshrl.u32 s9, $0x3;
	s31 =	sshrl.u32 s8, $0x3  }
0xe0: {  	s5 =	simm.s32 $0x1;
	s8 =	simm.s32 $0x80;
	s10 =	sadd.s32 s2, s31  }
0xe1: {  	[spmem:s9@s8], [sflag:s3] =	dma.strided [hbm:s10@s8], $0x120, s5, $0x10   }
0xe2: {  	s9 =	simm.s32 $0x1;
	s10 =	simm.s32 $0x51;
	s12 =	sld [smem:$0x51]  }
.LBB1_3:
0xe3: {  	p0 =	sne.s32 s11, $0x3F;
	_ =	sdelay $0x1  }
0xe4: {  	s13 =	sshrl.u32 s9, $0x3;
	s9 =	smov.u32 s11  }
0xe5: {  	s13 =	smul.u32 $0x12000, s13;
	s14 =	sshrl.u32 s12, $0x3  }
0xe6: {  	s7 =	sadd.s32 $0x80, s7;
	s12 =	sshll.u32 s12, $0x7;
	s14 =	smul.u32 $0x4800, s14  }
0xe7: {  	s15 =	sand.u32 $0x380, s7;
	s13 =	sshra.s32 s13, $0x2;
	s12 =	sand.u32 $0x380, s12  }
0xe8: {  	s13 =	sor.u32 s15, s13;
	s12 =	sor.u32 s12, s14  }
.Ltmp1:
0xe9: {  	s13 =	sadd.s32 $0x1D5000, s13;
	s12 =	sshrl.u32 s12, $0x3;
	(pc) =	sbr.rel @p0 .LBB1_3-.Ltmp1, $3  }
0xea: {  	s10 =	sadd.s32 $0x1, s10;
	s13 =	sshrl.u32 s13, $0x3;
	s12 =	sadd.s32 s2, s12  }
0xeb: {  	[spmem:s13@s8], [sflag:s3] =	dma.strided [hbm:s12@s8], $0x120, s5, $0x10   }
0xec: {  	s11 =	sadd.s32 $0x1, s11;
	s12 =	sld [smem:s10+$0x0]  }
0xed: {  	_ =	sdelay $0x1  }
0xee: {  	s9 =	sshrl.u32 s9, $0x3  }
0xef: {  	s9 =	smul.u32 $0x12000, s9;
	s10 =	sshrl.u32 s12, $0x3  }
0xf0: {  	s7 =	sadd.s32 $0x80, s7;
	s11 =	sshll.u32 s12, $0x7;
	s10 =	smul.u32 $0x4800, s10  }
0xf1: {  	s7 =	sand.u32 $0x380, s7;
	s9 =	sshra.s32 s9, $0x2;
	s11 =	sand.u32 $0x380, s11  }
0xf2: {  	s7 =	sor.u32 s7, s9;
	s10 =	sor.u32 s11, s10  }
0xf3: {  	s7 =	sadd.s32 $0x1D5000, s7;
	s20 =	sshrl.u32 s10, $0x3  }
0xf4: {  	s21 =	simm.s32 $0xA;
	s7 =	sshrl.u32 s7, $0x3;
	s9 =	sadd.s32 s2, s20  }
0xf5: {  	[spmem:s7@s8], [sflag:s3] =	dma.strided [hbm:s9@s8], $0x120, s5, $0x10   }
0xf6: {  	s22 =	smul.u32 $0x12000, s0;
	_ =	swait.ge [sflag:s21], $0x4800  }
0xf7: {  	[sflag:s21] =	ssyncset.done $0x0  }
0xf8: {  	s24 =	simm.s32 $0x3AA00;
	s23 =	sadd.s32 s22, s4;
	[sflag:s21] =	ssyncadd.s32 $0xFFFFB800  }
0xf9: {  	s25 =	simm.s32 $0xB;
	s7 =	sadd.s32 $0x220800, s23;
	s5 =	simm.s32 $0xC  }
0xfa: {  	[hbm:s7], [sflag:s5] =	dma.local [spmem:s24], $0x4800  }
0xfb: {  	_ =	swait.ge [sflag:s25], $0x4800  }
0xfc: {  	[sflag:s25] =	ssyncset.done $0x0  }
0xfd: {  	[sflag:s25] =	ssyncadd.s32 $0xFFFFB800  }
0xfe: {  	s7 =	sld [smem:$0x90]  }
0xff: {  	s26 =	simm.s32 $0x0  }
0x100: {  	s29 =	smul.u32 $0x12000, s26;
	_ =	sdelay $0x1  }
0x101: {  	s10 =	sshra.s32 s29, $0x2;
	s8 =	simm.s32 $0x0;
	s28 =	sshrl.u32 s7, $0x3  }
0x102: {  	s30 =	sand.u32 $0x380, s8;
	s7 =	sshll.u32 s7, $0x7;
	s9 =	smul.u32 $0x4800, s28  }
0x103: {  	s10 =	sor.u32 s30, s10;
	s7 =	sand.u32 $0x380, s7  }
0x104: {  	s10 =	sadd.s32 $0x1B1000, s10;
	s9 =	sor.u32 s7, s9  }
0x105: {  	s12 =	simm.s32 $0x2;
	s10 =	sshrl.u32 s10, $0x3;
	s31 =	sshrl.u32 s9, $0x3  }
0x106: {  	s7 =	simm.s32 $0x1;
	s9 =	simm.s32 $0x80;
	s11 =	sadd.s32 s2, s31  }
0x107: {  	[spmem:s10@s9], [sflag:s3] =	dma.strided [hbm:s11@s9], $0x120, s7, $0x10   }
0x108: {  	s10 =	simm.s32 $0x1;
	s11 =	simm.s32 $0x91;
	s13 =	sld [smem:$0x91]  }
.LBB1_5:
0x109: {  	p0 =	sne.s32 s12, $0x3F;
	_ =	sdelay $0x1  }
0x10a: {  	s14 =	sshrl.u32 s10, $0x3;
	s10 =	smov.u32 s12  }
0x10b: {  	s14 =	smul.u32 $0x12000, s14;
	s15 =	sshrl.u32 s13, $0x3  }
0x10c: {  	s8 =	sadd.s32 $0x80, s8;
	s13 =	sshll.u32 s13, $0x7;
	s15 =	smul.u32 $0x4800, s15  }
0x10d: {  	s16 =	sand.u32 $0x380, s8;
	s14 =	sshra.s32 s14, $0x2;
	s13 =	sand.u32 $0x380, s13  }
0x10e: {  	s14 =	sor.u32 s16, s14;
	s13 =	sor.u32 s13, s15  }
.Ltmp2:
0x10f: {  	s14 =	sadd.s32 $0x1B1000, s14;
	s13 =	sshrl.u32 s13, $0x3;
	(pc) =	sbr.rel @p0 .LBB1_5-.Ltmp2, $3  }
0x110: {  	s11 =	sadd.s32 $0x1, s11;
	s14 =	sshrl.u32 s14, $0x3;
	s13 =	sadd.s32 s2, s13  }
0x111: {  	[spmem:s14@s9], [sflag:s3] =	dma.strided [hbm:s13@s9], $0x120, s7, $0x10   }
0x112: {  	s12 =	sadd.s32 $0x1, s12;
	s13 =	sld [smem:s11+$0x0]  }
0x113: {  	_ =	sdelay $0x1  }
0x114: {  	s10 =	sshrl.u32 s10, $0x3  }
0x115: {  	s10 =	smul.u32 $0x12000, s10;
	s11 =	sshrl.u32 s13, $0x3  }
0x116: {  	s8 =	sadd.s32 $0x80, s8;
	s12 =	sshll.u32 s13, $0x7;
	s11 =	smul.u32 $0x4800, s11  }
0x117: {  	s8 =	sand.u32 $0x380, s8;
	s10 =	sshra.s32 s10, $0x2;
	s12 =	sand.u32 $0x380, s12  }
0x118: {  	s8 =	sor.u32 s8, s10;
	s11 =	sor.u32 s12, s11  }
0x119: {  	s22 =	smul.u32 $0x90000, s0;
	s8 =	sadd.s32 $0x1B1000, s8;
	s21 =	sshrl.u32 s11, $0x3  }
0x11a: {  	s23 =	simm.s32 $0xA;
	s8 =	sshrl.u32 s8, $0x3;
	s10 =	sadd.s32 s2, s21  }
0x11b: {  	[spmem:s8@s9], [sflag:s3] =	dma.strided [hbm:s10@s9], $0x120, s7, $0x10   }
0x11c: {  	_ =	swait.ge [sflag:s23], $0x4800  }
0x11d: {  	s7 =	sshrl.u32 s22, $0x3;
	[sflag:s23] =	ssyncset.done $0x0  }
0x11e: {  	s4 =	sadd.s32 s4, s7;
	[sflag:s23] =	ssyncadd.s32 $0xFFFFB800  }
0x11f: {  	s24 =	simm.s32 $0x36200;
	s25 =	simm.s32 $0xC;
	s7 =	sadd.s32 $0x225000, s4  }
0x120: {  	[hbm:s7], [sflag:s6] =	dma.local [spmem:s24], $0x4800  }
0x121: {  	_ =	swait.ge [sflag:s25], $0x4800  }
0x122: {  	[sflag:s25] =	ssyncset.done $0x0  }
0x123: {  	[sflag:s25] =	ssyncadd.s32 $0xFFFFB800  }
0x124: {  	s6 =	sld [smem:$0xD0]  }
0x125: {  	s26 =	simm.s32 $0x0  }
0x126: {  	s29 =	smul.u32 $0x12000, s26;
	_ =	sdelay $0x1  }
0x127: {  	s9 =	sshra.s32 s29, $0x2;
	s7 =	simm.s32 $0x0;
	s28 =	sshrl.u32 s6, $0x3  }
0x128: {  	s30 =	sand.u32 $0x380, s7;
	s6 =	sshll.u32 s6, $0x7;
	s8 =	smul.u32 $0x4800, s28  }
0x129: {  	s9 =	sor.u32 s30, s9;
	s6 =	sand.u32 $0x380, s6  }
0x12a: {  	s9 =	sadd.s32 $0x1D5000, s9;
	s8 =	sor.u32 s6, s8  }
0x12b: {  	s11 =	simm.s32 $0x2;
	s9 =	sshrl.u32 s9, $0x3;
	s31 =	sshrl.u32 s8, $0x3  }
0x12c: {  	s6 =	simm.s32 $0x1;
	s8 =	simm.s32 $0x80;
	s10 =	sadd.s32 s2, s31  }
0x12d: {  	[spmem:s9@s8], [sflag:s3] =	dma.strided [hbm:s10@s8], $0x120, s6, $0x10   }
0x12e: {  	s9 =	simm.s32 $0x1;
	s10 =	simm.s32 $0xD1;
	s12 =	sld [smem:$0xD1]  }
.LBB1_7:
0x12f: {  	p0 =	sne.s32 s11, $0x3F;
	_ =	sdelay $0x1  }
0x130: {  	s13 =	sshrl.u32 s9, $0x3;
	s9 =	smov.u32 s11  }
0x131: {  	s13 =	smul.u32 $0x12000, s13;
	s14 =	sshrl.u32 s12, $0x3  }
0x132: {  	s7 =	sadd.s32 $0x80, s7;
	s12 =	sshll.u32 s12, $0x7;
	s14 =	smul.u32 $0x4800, s14  }
0x133: {  	s15 =	sand.u32 $0x380, s7;
	s13 =	sshra.s32 s13, $0x2;
	s12 =	sand.u32 $0x380, s12  }
0x134: {  	s13 =	sor.u32 s15, s13;
	s12 =	sor.u32 s12, s14  }
.Ltmp3:
0x135: {  	s13 =	sadd.s32 $0x1D5000, s13;
	s12 =	sshrl.u32 s12, $0x3;
	(pc) =	sbr.rel @p0 .LBB1_7-.Ltmp3, $3  }
0x136: {  	s10 =	sadd.s32 $0x1, s10;
	s13 =	sshrl.u32 s13, $0x3;
	s12 =	sadd.s32 s2, s12  }
0x137: {  	[spmem:s13@s8], [sflag:s3] =	dma.strided [hbm:s12@s8], $0x120, s6, $0x10   }
0x138: {  	s11 =	sadd.s32 $0x1, s11;
	s12 =	sld [smem:s10+$0x0]  }
0x139: {  	_ =	sdelay $0x1  }
0x13a: {  	s9 =	sshrl.u32 s9, $0x3  }
0x13b: {  	s9 =	smul.u32 $0x12000, s9;
	s10 =	sshrl.u32 s12, $0x3  }
0x13c: {  	s7 =	sadd.s32 $0x80, s7;
	s11 =	sshll.u32 s12, $0x7;
	s10 =	smul.u32 $0x4800, s10  }
0x13d: {  	s7 =	sand.u32 $0x380, s7;
	s9 =	sshra.s32 s9, $0x2;
	s11 =	sand.u32 $0x380, s11  }
0x13e: {  	s7 =	sor.u32 s7, s9;
	s10 =	sor.u32 s11, s10  }
0x13f: {  	s7 =	sadd.s32 $0x1D5000, s7;
	s20 =	sshrl.u32 s10, $0x3  }
0x140: {  	s21 =	simm.s32 $0xA;
	s7 =	sshrl.u32 s7, $0x3;
	s2 =	sadd.s32 s2, s20  }
0x141: {  	[spmem:s7@s8], [sflag:s3] =	dma.strided [hbm:s2@s8], $0x120, s6, $0x10   }
0x142: {  	_ =	swait.ge [sflag:s21], $0x4800  }
0x143: {  	[sflag:s21] =	ssyncset.done $0x0  }
0x144: {  	[sflag:s21] =	ssyncadd.s32 $0xFFFFB800  }
0x145: {  	s22 =	sadd.s32 $0x229800, s4;
	s23 =	simm.s32 $0x3AA00;
	s24 =	simm.s32 $0xB  }
0x146: {  	[hbm:s22], [sflag:s5] =	dma.local [spmem:s23], $0x4800  }
0x147: {  	_ =	swait.ge [sflag:s24], $0x4800  }
0x148: {  	[sflag:s24] =	ssyncset.done $0x0  }
0x149: {  	[sflag:s24] =	ssyncadd.s32 $0xFFFFB800;
	_ =	sdelay $0x1  }
0x14a: {  	s25 =	simm.s32 $0xC  }
0x14b: {  	_ =	swait.ge [sflag:s25], $0x4800  }
0x14c: {  	[sflag:s25] =	ssyncset.done $0x0  }
0x14d: {  	[sflag:s25] =	ssyncadd.s32 $0xFFFFB800  }
0x14e: {  	_ =	strace $0x90000046  }
0x14f: {  	s26 =	simm.s32 $0x9;
	_ =	strace $0x80000048  }
0x150: {  	_ =	swait.ge [sflag:s26], $0x1  }
0x151: {  	[sflag:s26] =	ssyncadd.s32 $0xFFFFFFFF  }
0x152: {  	_ =	strace $0x90000048  }
0x153: {  	_ =	sfence  }
0x154: {  	s28 =	sld [smem:$0x0];
	_ =	sdelay $0x2  }
0x155: {  	s29 =	sshll.u32 s1, $0xD;
	s30 =	sshrl.u32 s1, $0x2  }
0x156: {  	s3 =	sand.u32 $0x4000, s29;
	s1 =	sadd.s32 s30, s28  }
0x157: {  	s0 =	sor.u32 s3, s0;
	s1 =	sshll.u32 s1, $0x11  }
0x158: {  	s0 =	sor.u32 s1, s0  }
0x159: {  	s0 =	sadd.s32 $0x8F2B, s0  }
0x15a: {  	[sflag:s0] =	ssyncadd.remote.s32 $0x1  }
0x15b: {  	_ =	sfence.sel $0xFFFF  }
0x15c: {  	[dreg:$0x0] =	wrdreg $0xFFFFFFFF;
	(pc) =	sbr.abs _section_cstart, $3  }
0x15d: {  	s31 =	simm.s32 $0x0;
	[dreg:$0x1] =	wrdreg $0xFFFFFFFF  }
0x15e: {  	_ =	task.clear_ibuf [dreg:s31], $0x2FFFF;
	_ =	strace $0x9FFFFFFF  }
0x15f: {  	(tm) =	ssettm $0x7FFFFFFF  }
tec
execute0_lowered:
.L_overlay_start_1:
0x0: {  	(tag) =	ssettag $0x1  }
0x1: {  	s0 =	srdreg.scid;
	s1 =	stileid.u32  }
0x2: {  	s0 =	sand.u32 $0x1, s0;
	s1 =	sshll.u32 s1, $0x1  }
0x3: {  	s1 =	sor.u32 s0, s1  }
0x4: {  	s4 =	rddreg [dreg:$0x0];
	s1 =	smul.u32 $0xF0, s1  }
0x5: {  	s2 =	rddreg [dreg:$0x1]  }
0x6: {  	s5 =	rddreg [dreg:$0x2];
	s1 =	sshrl.u32 s1, $0x3  }
0x7: {  	s3 =	simm.s32 $0x0;
	s6 =	smul.u32 $0x900, s1;
	s1 =	sadd.s32 s1, s4  }
0x8: {  	[smem:$0x7FF] =	sst s3;
	s1 =	sadd.s32 $0x400, s1  }
0x9: {  	_ =	strace $0x80000047;
	s13 =	sadd.s32 s5, s6;
	[dreg:$0x4] =	wrdreg s1  }
0xa: {  	s16 =	sadd.s32 $0x1200, s13;
	[dreg:$0x13] =	wrdreg s13  }
0xb: {  	s14 =	simm.s32 $0x1;
	s17 =	sadd.s32 $0x2400, s13;
	[dreg:$0x5] =	wrdreg s16  }
0xc: {  	s7 =	sadd.s32 $0x300, s2;
	s18 =	sadd.s32 $0x3600, s13;
	[dreg:$0x6] =	wrdreg s17  }
0xd: {  	s8 =	sadd.s32 $0x400, s2;
	s19 =	sadd.s32 $0x4800, s13;
	[dreg:$0x7] =	wrdreg s18  }
0xe: {  	s9 =	sadd.s32 $0x500, s2;
	s21 =	sadd.s32 $0x5A00, s13;
	[dreg:$0x8] =	wrdreg s19  }
0xf: {  	s10 =	sadd.s32 $0x600, s2;
	s22 =	sadd.s32 $0x6C00, s13;
	[dreg:$0x9] =	wrdreg s21  }
0x10: {  	s11 =	sadd.s32 $0x700, s2;
	s23 =	sadd.s32 $0x7E00, s13;
	[dreg:$0xa] =	wrdreg s22  }
0x11: {  	s12 =	sadd.s32 $0x800, s2;
	s24 =	sadd.s32 $0x9000, s13;
	[dreg:$0xb] =	wrdreg s23  }
0x12: {  	s0 =	ssub.s32 $0x2, s0;
	s25 =	sadd.s32 $0xA200, s13;
	[dreg:$0xc] =	wrdreg s24  }
0x13: {  	s20 =	sshrl.u32 s0, $0x1;
	s26 =	sadd.s32 $0xB400, s13;
	[dreg:$0xd] =	wrdreg s25  }
0x14: {  	s0 =	ssub.s32 s0, s20;
	s28 =	sadd.s32 $0xC600, s13;
	[dreg:$0xe] =	wrdreg s26  }
0x15: {  	s20 =	simm.s32 $0x6;
	s29 =	sadd.s32 $0xD800, s13;
	[dreg:$0xf] =	wrdreg s28  }
0x16: {  	s0 =	smax.u32 s0, $0x1;
	s30 =	sadd.s32 $0xEA00, s13;
	[dreg:$0x10] =	wrdreg s29  }
0x17: {  	v2 =	vlaneseq.u32;
	s5 =	sadd.s32 $0x100, s2;
	s31 =	sadd.s32 $0xFC00, s13;
	[dreg:$0x11] =	wrdreg s30  }
0x18: {  	vm0 =	vmmov $0xffff;
	v1 =	vshrl.u32 v2, $0x3;
	s6 =	sadd.s32 $0x200, s2;
	[dreg:$0x12] =	wrdreg s31;
	s16 =	simm.s32 $0x4  }
0x19: {  	v0 =	vand.u32 $0x7, v2;
	v2 =	vor.u32 $0x8, v2;
	v1 =	vmul.u32 $0x8, v1;
	s17 =	simm.s32 $0x2;
	s18 =	simm.s32 $0x5;
	s19 =	simm.s32 $0x3  }
.LBB2_1:
0x1a: {  	[dreg:$0x14] =	wrdreg s0  }
0x1b: {  	s21 =	rddreg [dreg:$0x4];
	s30 =	simm.s32 $0x7  }
0x1c: {  	[tilespmem:s3], [sflag:$0x7] =	stream.linear.gather [hbm4b:s21+s3], $0xF0, $0x38;
	[tilespmem:$0x1F900] =	vst v63  }
0x1d: {  	_ =	swait.ge [sflag:s30], $0xF0  }
0x1e: {  	[sflag:s30] =	ssyncset.done $0x0  }
0x1f: {  	[sflag:s30] =	ssyncadd.s32 $0xFFFFFF10  }
0x20: {  	v3 =	vld [tilespmem:$0x0];
	_ =	sdelay $0x4  }
0x21: {  	v4 =	vshrl.u32 v3, $0x3  }
0x22: {  	v4 =	vmul.u32 $0x90, v4  }
0x23: {  	v3 =	vand.u32 $0x7, v3  }
0x24: {  	v3 =	vor.u32 v3, v4  }
0x25: {  	v4 =	vperm.xlane v3, v0;
	_ =	sdelay $0x1  }
0x26: {  	v4 =	vadd.s32 v1, v4;
	_ =	sdelay $0x3  }
0x27: {  	s31 =	simm.s32 $0x100  }
0x28: {  	[tilespmem:s31], [sflag:$0x1] =	stream.indirect_vreg.gather [hbm4b:s2+s3], $0x80, v4, vm0, $0xb8;
	[tilespmem:$0x1F900] =	vst v63  }
0x29: {  	s1 =	simm.s32 $0x900  }
0x2a: {  	[tilespmem:s1], [sflag:$0x1] =	stream.indirect_vreg.gather [hbm4b:s5+s3], $0x80, v4, vm0, $0xb8;
	[tilespmem:$0x1F900] =	vst v63  }
0x2b: {  	s4 =	simm.s32 $0x1100  }
0x2c: {  	[tilespmem:s4], [sflag:$0x1] =	stream.indirect_vreg.gather [hbm4b:s6+s3], $0x80, v4, vm0, $0xb8;
	[tilespmem:$0x1F900] =	vst v63  }
0x2d: {  	s13 =	simm.s32 $0x1900  }
0x2e: {  	[tilespmem:s13], [sflag:$0x1] =	stream.indirect_vreg.gather [hbm4b:s7+s3], $0x80, v4, vm0, $0xb8;
	[tilespmem:$0x1F900] =	vst v63  }
0x2f: {  	s15 =	simm.s32 $0x2100  }
0x30: {  	[tilespmem:s15], [sflag:$0x1] =	stream.indirect_vreg.gather [hbm4b:s8+s3], $0x80, v4, vm0, $0xb8;
	[tilespmem:$0x1F900] =	vst v63  }
0x31: {  	s21 =	simm.s32 $0x2900  }
0x32: {  	[tilespmem:s21], [sflag:$0x1] =	stream.indirect_vreg.gather [hbm4b:s9+s3], $0x80, v4, vm0, $0xb8;
	[tilespmem:$0x1F900] =	vst v63  }
0x33: {  	s25 =	simm.s32 $0x3100;
	v3 =	vperm.xlane v3, v2  }
0x34: {  	[tilespmem:s25], [sflag:$0x1] =	stream.indirect_vreg.gather [hbm4b:s10+s3], $0x80, v4, vm0, $0xb8;
	[tilespmem:$0x1F900] =	vst v63  }
0x35: {  	s26 =	simm.s32 $0x3900;
	v3 =	vadd.s32 v1, v3  }
0x36: {  	[tilespmem:s26], [sflag:$0x1] =	stream.indirect_vreg.gather [hbm4b:s11+s3], $0x80, v4, vm0, $0xb8;
	[tilespmem:$0x1F900] =	vst v63  }
0x37: {  	s28 =	simm.s32 $0x4100  }
0x38: {  	[tilespmem:s28], [sflag:$0x1] =	stream.indirect_vreg.gather [hbm4b:s12+s3], $0x80, v4, vm0, $0xb8;
	[tilespmem:$0x1F900] =	vst v63  }
0x39: {  	s29 =	simm.s32 $0x4900  }
0x3a: {  	[tilespmem:s29], [sflag:$0x1] =	stream.indirect_vreg.gather [hbm4b:s2+s3], $0x80, v3, vm0, $0xb8;
	[tilespmem:$0x1F900] =	vst v63  }
0x3b: {  	s30 =	simm.s32 $0x5100  }
0x3c: {  	[tilespmem:s30], [sflag:$0x1] =	stream.indirect_vreg.gather [hbm4b:s5+s3], $0x80, v3, vm0, $0xb8;
	[tilespmem:$0x1F900] =	vst v63  }
0x3d: {  	s31 =	simm.s32 $0x5900  }
0x3e: {  	[tilespmem:s31], [sflag:$0x1] =	stream.indirect_vreg.gather [hbm4b:s6+s3], $0x80, v3, vm0, $0xb8;
	[tilespmem:$0x1F900] =	vst v63  }
0x3f: {  	s1 =	simm.s32 $0x6100  }
0x40: {  	[tilespmem:s1], [sflag:$0x1] =	stream.indirect_vreg.gather [hbm4b:s7+s3], $0x80, v3, vm0, $0xb8;
	[tilespmem:$0x1F900] =	vst v63  }
0x41: {  	s15 =	simm.s32 $0x6900  }
0x42: {  	[tilespmem:s15], [sflag:$0x1] =	stream.indirect_vreg.gather [hbm4b:s8+s3], $0x80, v3, vm0, $0xb8;
	[tilespmem:$0x1F900] =	vst v63  }
0x43: {  	s21 =	simm.s32 $0x7100  }
0x44: {  	[tilespmem:s21], [sflag:$0x1] =	stream.indirect_vreg.gather [hbm4b:s9+s3], $0x80, v3, vm0, $0xb8;
	[tilespmem:$0x1F900] =	vst v63  }
0x45: {  	s1 =	simm.s32 $0x7900  }
0x46: {  	[tilespmem:s1], [sflag:$0x1] =	stream.indirect_vreg.gather [hbm4b:s10+s3], $0x80, v3, vm0, $0xb8;
	[tilespmem:$0x1F900] =	vst v63  }
0x47: {  	s15 =	simm.s32 $0x8100  }
0x48: {  	[tilespmem:s15], [sflag:$0x1] =	stream.indirect_vreg.gather [hbm4b:s11+s3], $0x80, v3, vm0, $0xb8;
	[tilespmem:$0x1F900] =	vst v63  }
0x49: {  	s21 =	simm.s32 $0x8900  }
0x4a: {  	[tilespmem:s21], [sflag:$0x1] =	stream.indirect_vreg.gather [hbm4b:s12+s3], $0x80, v3, vm0, $0xb8;
	[tilespmem:$0x1F900] =	vst v63  }
0x4b: {  	v3 =	vld [tilespmem:$0x10];
	_ =	sdelay $0x4  }
0x4c: {  	v50 =	vshrl.u32 v3, $0x3  }
0x4d: {  	v4 =	vmul.u32 $0x90, v50  }
0x4e: {  	v3 =	vand.u32 $0x7, v3  }
0x4f: {  	v3 =	vor.u32 v3, v4  }
0x50: {  	v4 =	vperm.xlane v3, v0;
	_ =	sdelay $0x1  }
0x51: {  	v4 =	vadd.s32 v1, v4;
	_ =	sdelay $0x3  }
0x52: {  	s1 =	simm.s32 $0x9100  }
0x53: {  	[tilespmem:s1], [sflag:$0x2] =	stream.indirect_vreg.gather [hbm4b:s2+s3], $0x80, v4, vm0, $0xb8;
	[tilespmem:$0x1F900] =	vst v63  }
0x54: {  	s1 =	simm.s32 $0x9900  }
0x55: {  	[tilespmem:s1], [sflag:$0x2] =	stream.indirect_vreg.gather [hbm4b:s5+s3], $0x80, v4, vm0, $0xb8;
	[tilespmem:$0x1F900] =	vst v63  }
0x56: {  	s21 =	simm.s32 $0xA100  }
0x57: {  	[tilespmem:s21], [sflag:$0x2] =	stream.indirect_vreg.gather [hbm4b:s6+s3], $0x80, v4, vm0, $0xb8;
	[tilespmem:$0x1F900] =	vst v63  }
0x58: {  	s0 =	simm.s32 $0xA900  }
0x59: {  	[tilespmem:s0], [sflag:$0x2] =	stream.indirect_vreg.gather [hbm4b:s7+s3], $0x80, v4, vm0, $0xb8;
	[tilespmem:$0x1F900] =	vst v63  }
0x5a: {  	s21 =	simm.s32 $0xB100  }
0x5b: {  	[tilespmem:s21], [sflag:$0x2] =	stream.indirect_vreg.gather [hbm4b:s8+s3], $0x80, v4, vm0, $0xb8;
	[tilespmem:$0x1F900] =	vst v63  }
0x5c: {  	s0 =	simm.s32 $0xB900  }
0x5d: {  	[tilespmem:s0], [sflag:$0x2] =	stream.indirect_vreg.gather [hbm4b:s9+s3], $0x80, v4, vm0, $0xb8;
	[tilespmem:$0x1F900] =	vst v63  }
0x5e: {  	v3 =	vperm.xlane v3, v2;
	s21 =	simm.s32 $0xC100  }
0x5f: {  	[tilespmem:s21], [sflag:$0x2] =	stream.indirect_vreg.gather [hbm4b:s10+s3], $0x80, v4, vm0, $0xb8;
	[tilespmem:$0x1F900] =	vst v63  }
0x60: {  	v3 =	vadd.s32 v1, v3;
	s0 =	simm.s32 $0xC900  }
0x61: {  	[tilespmem:s0], [sflag:$0x2] =	stream.indirect_vreg.gather [hbm4b:s11+s3], $0x80, v4, vm0, $0xb8;
	[tilespmem:$0x1F900] =	vst v63  }
0x62: {  	s21 =	simm.s32 $0xD100  }
0x63: {  	[tilespmem:s21], [sflag:$0x2] =	stream.indirect_vreg.gather [hbm4b:s12+s3], $0x80, v4, vm0, $0xb8;
	[tilespmem:$0x1F900] =	vst v63  }
0x64: {  	s0 =	simm.s32 $0xD900  }
0x65: {  	[tilespmem:s0], [sflag:$0x2] =	stream.indirect_vreg.gather [hbm4b:s2+s3], $0x80, v3, vm0, $0xb8;
	[tilespmem:$0x1F900] =	vst v63  }
0x66: {  	s21 =	simm.s32 $0xE100  }
0x67: {  	[tilespmem:s21], [sflag:$0x2] =	stream.indirect_vreg.gather [hbm4b:s5+s3], $0x80, v3, vm0, $0xb8;
	[tilespmem:$0x1F900] =	vst v63  }
0x68: {  	s0 =	simm.s32 $0xE900  }
0x69: {  	[tilespmem:s0], [sflag:$0x2] =	stream.indirect_vreg.gather [hbm4b:s6+s3], $0x80, v3, vm0, $0xb8;
	[tilespmem:$0x1F900] =	vst v63  }
0x6a: {  	s21 =	simm.s32 $0xF100  }
0x6b: {  	[tilespmem:s21], [sflag:$0x2] =	stream.indirect_vreg.gather [hbm4b:s7+s3], $0x80, v3, vm0, $0xb8;
	[tilespmem:$0x1F900] =	vst v63  }
0x6c: {  	s0 =	simm.s32 $0xF900  }
0x6d: {  	[tilespmem:s0], [sflag:$0x2] =	stream.indirect_vreg.gather [hbm4b:s8+s3], $0x80, v3, vm0, $0xb8;
	[tilespmem:$0x1F900] =	vst v63  }
0x6e: {  	s21 =	simm.s32 $0x10100  }
0x6f: {  	[tilespmem:s21], [sflag:$0x2] =	stream.indirect_vreg.gather [hbm4b:s9+s3], $0x80, v3, vm0, $0xb8;
	[tilespmem:$0x1F900] =	vst v63  }
0x70: {  	s0 =	simm.s32 $0x10900  }
0x71: {  	[tilespmem:s0], [sflag:$0x2] =	stream.indirect_vreg.gather [hbm4b:s10+s3], $0x80, v3, vm0, $0xb8;
	[tilespmem:$0x1F900] =	vst v63  }
0x72: {  	s21 =	simm.s32 $0x11100  }
0x73: {  	[tilespmem:s21], [sflag:$0x2] =	stream.indirect_vreg.gather [hbm4b:s11+s3], $0x80, v3, vm0, $0xb8;
	[tilespmem:$0x1F900] =	vst v63  }
0x74: {  	s0 =	simm.s32 $0x11900  }
0x75: {  	[tilespmem:s0], [sflag:$0x2] =	stream.indirect_vreg.gather [hbm4b:s12+s3], $0x80, v3, vm0, $0xb8;
	[tilespmem:$0x1F900] =	vst v63  }
0x76: {  	v3 =	vld [tilespmem:$0x20];
	_ =	sdelay $0x4  }
0x77: {  	v51 =	vshrl.u32 v3, $0x3  }
0x78: {  	v4 =	vmul.u32 $0x90, v51  }
0x79: {  	v3 =	vand.u32 $0x7, v3  }
0x7a: {  	v3 =	vor.u32 v3, v4  }
0x7b: {  	v4 =	vperm.xlane v3, v0;
	_ =	sdelay $0x1  }
0x7c: {  	v4 =	vadd.s32 v1, v4;
	_ =	sdelay $0x3  }
0x7d: {  	s21 =	simm.s32 $0x12100  }
0x7e: {  	[tilespmem:s21], [sflag:$0x3] =	stream.indirect_vreg.gather [hbm4b:s2+s3], $0x80, v4, vm0, $0xb8;
	[tilespmem:$0x1F900] =	vst v63  }
0x7f: {  	s1 =	simm.s32 $0x12900  }
0x80: {  	[tilespmem:s1], [sflag:$0x3] =	stream.indirect_vreg.gather [hbm4b:s5+s3], $0x80, v4, vm0, $0xb8;
	[tilespmem:$0x1F900] =	vst v63  }
0x81: {  	s1 =	simm.s32 $0x13100  }
0x82: {  	[tilespmem:s1], [sflag:$0x3] =	stream.indirect_vreg.gather [hbm4b:s6+s3], $0x80, v4, vm0, $0xb8;
	[tilespmem:$0x1F900] =	vst v63  }
0x83: {  	s1 =	simm.s32 $0x13900  }
0x84: {  	[tilespmem:s1], [sflag:$0x3] =	stream.indirect_vreg.gather [hbm4b:s7+s3], $0x80, v4, vm0, $0xb8;
	[tilespmem:$0x1F900] =	vst v63  }
0x85: {  	s1 =	simm.s32 $0x14100  }
0x86: {  	[tilespmem:s1], [sflag:$0x3] =	stream.indirect_vreg.gather [hbm4b:s8+s3], $0x80, v4, vm0, $0xb8;
	[tilespmem:$0x1F900] =	vst v63  }
0x87: {  	s1 =	simm.s32 $0x14900  }
0x88: {  	[tilespmem:s1], [sflag:$0x3] =	stream.indirect_vreg.gather [hbm4b:s9+s3], $0x80, v4, vm0, $0xb8;
	[tilespmem:$0x1F900] =	vst v63  }
0x89: {  	v3 =	vperm.xlane v3, v2;
	s1 =	simm.s32 $0x15100  }
0x8a: {  	[tilespmem:s1], [sflag:$0x3] =	stream.indirect_vreg.gather [hbm4b:s10+s3], $0x80, v4, vm0, $0xb8;
	[tilespmem:$0x1F900] =	vst v63  }
0x8b: {  	v3 =	vadd.s32 v1, v3;
	s1 =	simm.s32 $0x15900  }
0x8c: {  	[tilespmem:s1], [sflag:$0x3] =	stream.indirect_vreg.gather [hbm4b:s11+s3], $0x80, v4, vm0, $0xb8;
	[tilespmem:$0x1F900] =	vst v63  }
0x8d: {  	s1 =	simm.s32 $0x16100  }
0x8e: {  	[tilespmem:s1], [sflag:$0x3] =	stream.indirect_vreg.gather [hbm4b:s12+s3], $0x80, v4, vm0, $0xb8;
	[tilespmem:$0x1F900] =	vst v63  }
0x8f: {  	s1 =	simm.s32 $0x16900  }
0x90: {  	[tilespmem:s1], [sflag:$0x3] =	stream.indirect_vreg.gather [hbm4b:s2+s3], $0x80, v3, vm0, $0xb8;
	[tilespmem:$0x1F900] =	vst v63  }
0x91: {  	s1 =	simm.s32 $0x17100  }
0x92: {  	[tilespmem:s1], [sflag:$0x3] =	stream.indirect_vreg.gather [hbm4b:s5+s3], $0x80, v3, vm0, $0xb8;
	[tilespmem:$0x1F900] =	vst v63  }
0x93: {  	s1 =	simm.s32 $0x17900  }
0x94: {  	[tilespmem:s1], [sflag:$0x3] =	stream.indirect_vreg.gather [hbm4b:s6+s3], $0x80, v3, vm0, $0xb8;
	[tilespmem:$0x1F900] =	vst v63  }
0x95: {  	s1 =	simm.s32 $0x18100  }
0x96: {  	[tilespmem:s1], [sflag:$0x3] =	stream.indirect_vreg.gather [hbm4b:s7+s3], $0x80, v3, vm0, $0xb8;
	[tilespmem:$0x1F900] =	vst v63  }
0x97: {  	s1 =	simm.s32 $0x18900  }
0x98: {  	[tilespmem:s1], [sflag:$0x3] =	stream.indirect_vreg.gather [hbm4b:s8+s3], $0x80, v3, vm0, $0xb8;
	[tilespmem:$0x1F900] =	vst v63  }
0x99: {  	s1 =	simm.s32 $0x19100  }
0x9a: {  	[tilespmem:s1], [sflag:$0x3] =	stream.indirect_vreg.gather [hbm4b:s9+s3], $0x80, v3, vm0, $0xb8;
	[tilespmem:$0x1F900] =	vst v63  }
0x9b: {  	s1 =	simm.s32 $0x19900  }
0x9c: {  	[tilespmem:s1], [sflag:$0x3] =	stream.indirect_vreg.gather [hbm4b:s10+s3], $0x80, v3, vm0, $0xb8;
	[tilespmem:$0x1F900] =	vst v63  }
0x9d: {  	s1 =	simm.s32 $0x1A100  }
0x9e: {  	[tilespmem:s1], [sflag:$0x3] =	stream.indirect_vreg.gather [hbm4b:s11+s3], $0x80, v3, vm0, $0xb8;
	[tilespmem:$0x1F900] =	vst v63  }
0x9f: {  	s1 =	simm.s32 $0x1A900  }
0xa0: {  	[tilespmem:s1], [sflag:$0x3] =	stream.indirect_vreg.gather [hbm4b:s12+s3], $0x80, v3, vm0, $0xb8;
	[tilespmem:$0x1F900] =	vst v63  }
0xa1: {  	_ =	swait.ge [sflag:s14], $0x9000  }
0xa2: {  	[sflag:s14] =	ssyncset.done $0x0  }
0xa3: {  	s1 =	simm.s32 $0x100;
	s21 =	rddreg [dreg:$0x13];
	[sflag:s14] =	ssyncadd.s32 $0xFFFF7000  }
0xa4: {  	[hbm4b:s21+s3] =	stream.linear.scatter [tilespmem:s1], [sflag:$0x4], $0x9000, $0x38;
	[tilespmem:$0x1F900] =	vst v63  }
0xa5: {  	_ =	swait.ge [sflag:s16], $0x9000  }
0xa6: {  	[sflag:s16] =	ssyncset.done $0x0  }
0xa7: {  	[sflag:s16] =	ssyncadd.s32 $0xFFFF7000  }
0xa8: {  	v3 =	vld [tilespmem:$0x30];
	_ =	sdelay $0x4  }
0xa9: {  	v52 =	vshrl.u32 v3, $0x3  }
0xaa: {  	v4 =	vmul.u32 $0x90, v52  }
0xab: {  	v3 =	vand.u32 $0x7, v3  }
0xac: {  	v3 =	vor.u32 v3, v4  }
0xad: {  	v4 =	vperm.xlane v3, v0;
	_ =	sdelay $0x1  }
0xae: {  	v4 =	vadd.s32 v1, v4;
	_ =	sdelay $0x4  }
0xaf: {  	[tilespmem:s1], [sflag:$0x1] =	stream.indirect_vreg.gather [hbm4b:s2+s3], $0x80, v4, vm0, $0xb8;
	[tilespmem:$0x1F900] =	vst v63  }
0xb0: {  	s21 =	simm.s32 $0x900  }
0xb1: {  	[tilespmem:s21], [sflag:$0x1] =	stream.indirect_vreg.gather [hbm4b:s5+s3], $0x80, v4, vm0, $0xb8;
	[tilespmem:$0x1F900] =	vst v63  }
0xb2: {  	s22 =	simm.s32 $0x1100  }
0xb3: {  	[tilespmem:s22], [sflag:$0x1] =	stream.indirect_vreg.gather [hbm4b:s6+s3], $0x80, v4, vm0, $0xb8;
	[tilespmem:$0x1F900] =	vst v63  }
0xb4: {  	s23 =	simm.s32 $0x1900  }
0xb5: {  	[tilespmem:s23], [sflag:$0x1] =	stream.indirect_vreg.gather [hbm4b:s7+s3], $0x80, v4, vm0, $0xb8;
	[tilespmem:$0x1F900] =	vst v63  }
0xb6: {  	s24 =	simm.s32 $0x2100  }
0xb7: {  	[tilespmem:s24], [sflag:$0x1] =	stream.indirect_vreg.gather [hbm4b:s8+s3], $0x80, v4, vm0, $0xb8;
	[tilespmem:$0x1F900] =	vst v63  }
0xb8: {  	s4 =	simm.s32 $0x2900  }
0xb9: {  	[tilespmem:s4], [sflag:$0x1] =	stream.indirect_vreg.gather [hbm4b:s9+s3], $0x80, v4, vm0, $0xb8;
	[tilespmem:$0x1F900] =	vst v63  }
0xba: {  	s13 =	simm.s32 $0x3100;
	v3 =	vperm.xlane v3, v2  }
0xbb: {  	[tilespmem:s13], [sflag:$0x1] =	stream.indirect_vreg.gather [hbm4b:s10+s3], $0x80, v4, vm0, $0xb8;
	[tilespmem:$0x1F900] =	vst v63  }
0xbc: {  	s25 =	simm.s32 $0x3900;
	v3 =	vadd.s32 v1, v3  }
0xbd: {  	[tilespmem:s25], [sflag:$0x1] =	stream.indirect_vreg.gather [hbm4b:s11+s3], $0x80, v4, vm0, $0xb8;
	[tilespmem:$0x1F900] =	vst v63  }
0xbe: {  	s26 =	simm.s32 $0x4100  }
0xbf: {  	[tilespmem:s26], [sflag:$0x1] =	stream.indirect_vreg.gather [hbm4b:s12+s3], $0x80, v4, vm0, $0xb8;
	[tilespmem:$0x1F900] =	vst v63  }
0xc0: {  	s28 =	simm.s32 $0x4900  }
0xc1: {  	[tilespmem:s28], [sflag:$0x1] =	stream.indirect_vreg.gather [hbm4b:s2+s3], $0x80, v3, vm0, $0xb8;
	[tilespmem:$0x1F900] =	vst v63  }
0xc2: {  	s29 =	simm.s32 $0x5100  }
0xc3: {  	[tilespmem:s29], [sflag:$0x1] =	stream.indirect_vreg.gather [hbm4b:s5+s3], $0x80, v3, vm0, $0xb8;
	[tilespmem:$0x1F900] =	vst v63  }
0xc4: {  	s30 =	simm.s32 $0x5900  }
0xc5: {  	[tilespmem:s30], [sflag:$0x1] =	stream.indirect_vreg.gather [hbm4b:s6+s3], $0x80, v3, vm0, $0xb8;
	[tilespmem:$0x1F900] =	vst v63  }
0xc6: {  	s31 =	simm.s32 $0x6100  }
0xc7: {  	[tilespmem:s31], [sflag:$0x1] =	stream.indirect_vreg.gather [hbm4b:s7+s3], $0x80, v3, vm0, $0xb8;
	[tilespmem:$0x1F900] =	vst v63  }
0xc8: {  	s24 =	simm.s32 $0x6900  }
0xc9: {  	[tilespmem:s24], [sflag:$0x1] =	stream.indirect_vreg.gather [hbm4b:s8+s3], $0x80, v3, vm0, $0xb8;
	[tilespmem:$0x1F900] =	vst v63  }
0xca: {  	s25 =	simm.s32 $0x7100  }
0xcb: {  	[tilespmem:s25], [sflag:$0x1] =	stream.indirect_vreg.gather [hbm4b:s9+s3], $0x80, v3, vm0, $0xb8;
	[tilespmem:$0x1F900] =	vst v63  }
0xcc: {  	s26 =	simm.s32 $0x7900  }
0xcd: {  	[tilespmem:s26], [sflag:$0x1] =	stream.indirect_vreg.gather [hbm4b:s10+s3], $0x80, v3, vm0, $0xb8;
	[tilespmem:$0x1F900] =	vst v63  }
0xce: {  	s28 =	simm.s32 $0x8100  }
0xcf: {  	[tilespmem:s28], [sflag:$0x1] =	stream.indirect_vreg.gather [hbm4b:s11+s3], $0x80, v3, vm0, $0xb8;
	[tilespmem:$0x1F900] =	vst v63  }
0xd0: {  	s15 =	simm.s32 $0x8900  }
0xd1: {  	[tilespmem:s15], [sflag:$0x1] =	stream.indirect_vreg.gather [hbm4b:s12+s3], $0x80, v3, vm0, $0xb8;
	[tilespmem:$0x1F900] =	vst v63  }
0xd2: {  	_ =	swait.ge [sflag:s17], $0x9000  }
0xd3: {  	[sflag:s17] =	ssyncset.done $0x0  }
0xd4: {  	s30 =	simm.s32 $0x9100;
	s29 =	rddreg [dreg:$0x5];
	[sflag:s17] =	ssyncadd.s32 $0xFFFF7000  }
0xd5: {  	[hbm4b:s29+s3] =	stream.linear.scatter [tilespmem:s30], [sflag:$0x5], $0x9000, $0x38;
	[tilespmem:$0x1F900] =	vst v63  }
0xd6: {  	_ =	swait.ge [sflag:s18], $0x9000  }
0xd7: {  	[sflag:s18] =	ssyncset.done $0x0  }
0xd8: {  	[sflag:s18] =	ssyncadd.s32 $0xFFFF7000  }
0xd9: {  	v3 =	vld [tilespmem:$0x40];
	_ =	sdelay $0x4  }
0xda: {  	v53 =	vshrl.u32 v3, $0x3  }
0xdb: {  	v4 =	vmul.u32 $0x90, v53  }
0xdc: {  	v3 =	vand.u32 $0x7, v3  }
0xdd: {  	v3 =	vor.u32 v3, v4  }
0xde: {  	v4 =	vperm.xlane v3, v0;
	_ =	sdelay $0x1  }
0xdf: {  	v4 =	vadd.s32 v1, v4;
	_ =	sdelay $0x4  }
0xe0: {  	[tilespmem:s30], [sflag:$0x2] =	stream.indirect_vreg.gather [hbm4b:s2+s3], $0x80, v4, vm0, $0xb8;
	[tilespmem:$0x1F900] =	vst v63  }
0xe1: {  	s15 =	simm.s32 $0x9900  }
0xe2: {  	[tilespmem:s15], [sflag:$0x2] =	stream.indirect_vreg.gather [hbm4b:s5+s3], $0x80, v4, vm0, $0xb8;
	[tilespmem:$0x1F900] =	vst v63  }
0xe3: {  	s24 =	simm.s32 $0xA100  }
0xe4: {  	[tilespmem:s24], [sflag:$0x2] =	stream.indirect_vreg.gather [hbm4b:s6+s3], $0x80, v4, vm0, $0xb8;
	[tilespmem:$0x1F900] =	vst v63  }
0xe5: {  	s25 =	simm.s32 $0xA900  }
0xe6: {  	[tilespmem:s25], [sflag:$0x2] =	stream.indirect_vreg.gather [hbm4b:s7+s3], $0x80, v4, vm0, $0xb8;
	[tilespmem:$0x1F900] =	vst v63  }
0xe7: {  	s26 =	simm.s32 $0xB100  }
0xe8: {  	[tilespmem:s26], [sflag:$0x2] =	stream.indirect_vreg.gather [hbm4b:s8+s3], $0x80, v4, vm0, $0xb8;
	[tilespmem:$0x1F900] =	vst v63  }
0xe9: {  	s31 =	simm.s32 $0xB900  }
0xea: {  	[tilespmem:s31], [sflag:$0x2] =	stream.indirect_vreg.gather [hbm4b:s9+s3], $0x80, v4, vm0, $0xb8;
	[tilespmem:$0x1F900] =	vst v63  }
0xeb: {  	s4 =	simm.s32 $0xC100;
	v3 =	vperm.xlane v3, v2  }
0xec: {  	[tilespmem:s4], [sflag:$0x2] =	stream.indirect_vreg.gather [hbm4b:s10+s3], $0x80, v4, vm0, $0xb8;
	[tilespmem:$0x1F900] =	vst v63  }
0xed: {  	s28 =	simm.s32 $0xC900;
	v3 =	vadd.s32 v1, v3  }
0xee: {  	[tilespmem:s28], [sflag:$0x2] =	stream.indirect_vreg.gather [hbm4b:s11+s3], $0x80, v4, vm0, $0xb8;
	[tilespmem:$0x1F900] =	vst v63  }
0xef: {  	s29 =	simm.s32 $0xD100  }
0xf0: {  	[tilespmem:s29], [sflag:$0x2] =	stream.indirect_vreg.gather [hbm4b:s12+s3], $0x80, v4, vm0, $0xb8;
	[tilespmem:$0x1F900] =	vst v63  }
0xf1: {  	s30 =	simm.s32 $0xD900  }
0xf2: {  	[tilespmem:s30], [sflag:$0x2] =	stream.indirect_vreg.gather [hbm4b:s2+s3], $0x80, v3, vm0, $0xb8;
	[tilespmem:$0x1F900] =	vst v63  }
0xf3: {  	s31 =	simm.s32 $0xE100  }
0xf4: {  	[tilespmem:s31], [sflag:$0x2] =	stream.indirect_vreg.gather [hbm4b:s5+s3], $0x80, v3, vm0, $0xb8;
	[tilespmem:$0x1F900] =	vst v63  }
0xf5: {  	s22 =	simm.s32 $0xE900  }
0xf6: {  	[tilespmem:s22], [sflag:$0x2] =	stream.indirect_vreg.gather [hbm4b:s6+s3], $0x80, v3, vm0, $0xb8;
	[tilespmem:$0x1F900] =	vst v63  }
0xf7: {  	s23 =	simm.s32 $0xF100  }
0xf8: {  	[tilespmem:s23], [sflag:$0x2] =	stream.indirect_vreg.gather [hbm4b:s7+s3], $0x80, v3, vm0, $0xb8;
	[tilespmem:$0x1F900] =	vst v63  }
0xf9: {  	s13 =	simm.s32 $0xF900  }
0xfa: {  	[tilespmem:s13], [sflag:$0x2] =	stream.indirect_vreg.gather [hbm4b:s8+s3], $0x80, v3, vm0, $0xb8;
	[tilespmem:$0x1F900] =	vst v63  }
0xfb: {  	s4 =	simm.s32 $0x10100  }
0xfc: {  	[tilespmem:s4], [sflag:$0x2] =	stream.indirect_vreg.gather [hbm4b:s9+s3], $0x80, v3, vm0, $0xb8;
	[tilespmem:$0x1F900] =	vst v63  }
0xfd: {  	s21 =	simm.s32 $0x10900  }
0xfe: {  	[tilespmem:s21], [sflag:$0x2] =	stream.indirect_vreg.gather [hbm4b:s10+s3], $0x80, v3, vm0, $0xb8;
	[tilespmem:$0x1F900] =	vst v63  }
0xff: {  	s13 =	simm.s32 $0x11100  }
0x100: {  	[tilespmem:s13], [sflag:$0x2] =	stream.indirect_vreg.gather [hbm4b:s11+s3], $0x80, v3, vm0, $0xb8;
	[tilespmem:$0x1F900] =	vst v63  }
0x101: {  	s21 =	simm.s32 $0x11900  }
0x102: {  	[tilespmem:s21], [sflag:$0x2] =	stream.indirect_vreg.gather [hbm4b:s12+s3], $0x80, v3, vm0, $0xb8;
	[tilespmem:$0x1F900] =	vst v63  }
0x103: {  	_ =	swait.ge [sflag:s19], $0x9000  }
0x104: {  	[sflag:s19] =	ssyncset.done $0x0  }
0x105: {  	s0 =	simm.s32 $0x12100;
	s1 =	rddreg [dreg:$0x6];
	[sflag:s19] =	ssyncadd.s32 $0xFFFF7000  }
0x106: {  	[hbm4b:s1+s3] =	stream.linear.scatter [tilespmem:s0], [sflag:$0x6], $0x9000, $0x38;
	[tilespmem:$0x1F900] =	vst v63  }
0x107: {  	_ =	swait.ge [sflag:s20], $0x9000  }
0x108: {  	[sflag:s20] =	ssyncset.done $0x0  }
0x109: {  	[sflag:s20] =	ssyncadd.s32 $0xFFFF7000  }
0x10a: {  	v3 =	vld [tilespmem:$0x50];
	_ =	sdelay $0x4  }
0x10b: {  	v54 =	vshrl.u32 v3, $0x3  }
0x10c: {  	v4 =	vmul.u32 $0x90, v54  }
0x10d: {  	v3 =	vand.u32 $0x7, v3  }
0x10e: {  	v3 =	vor.u32 v3, v4  }
0x10f: {  	v4 =	vperm.xlane v3, v0;
	_ =	sdelay $0x1  }
0x110: {  	v4 =	vadd.s32 v1, v4;
	_ =	sdelay $0x4  }
0x111: {  	[tilespmem:s0], [sflag:$0x3] =	stream.indirect_vreg.gather [hbm4b:s2+s3], $0x80, v4, vm0, $0xb8;
	[tilespmem:$0x1F900] =	vst v63  }
0x112: {  	s13 =	simm.s32 $0x12900  }
0x113: {  	[tilespmem:s13], [sflag:$0x3] =	stream.indirect_vreg.gather [hbm4b:s5+s3], $0x80, v4, vm0, $0xb8;
	[tilespmem:$0x1F900] =	vst v63  }
0x114: {  	s21 =	simm.s32 $0x13100  }
0x115: {  	[tilespmem:s21], [sflag:$0x3] =	stream.indirect_vreg.gather [hbm4b:s6+s3], $0x80, v4, vm0, $0xb8;
	[tilespmem:$0x1F900] =	vst v63  }
0x116: {  	s1 =	simm.s32 $0x13900  }
0x117: {  	[tilespmem:s1], [sflag:$0x3] =	stream.indirect_vreg.gather [hbm4b:s7+s3], $0x80, v4, vm0, $0xb8;
	[tilespmem:$0x1F900] =	vst v63  }
0x118: {  	s13 =	simm.s32 $0x14100  }
0x119: {  	[tilespmem:s13], [sflag:$0x3] =	stream.indirect_vreg.gather [hbm4b:s8+s3], $0x80, v4, vm0, $0xb8;
	[tilespmem:$0x1F900] =	vst v63  }
0x11a: {  	s21 =	simm.s32 $0x14900  }
0x11b: {  	[tilespmem:s21], [sflag:$0x3] =	stream.indirect_vreg.gather [hbm4b:s9+s3], $0x80, v4, vm0, $0xb8;
	[tilespmem:$0x1F900] =	vst v63  }
0x11c: {  	v3 =	vperm.xlane v3, v2;
	s1 =	simm.s32 $0x15100  }
0x11d: {  	[tilespmem:s1], [sflag:$0x3] =	stream.indirect_vreg.gather [hbm4b:s10+s3], $0x80, v4, vm0, $0xb8;
	[tilespmem:$0x1F900] =	vst v63  }
0x11e: {  	v3 =	vadd.s32 v1, v3;
	s13 =	simm.s32 $0x15900  }
0x11f: {  	[tilespmem:s13], [sflag:$0x3] =	stream.indirect_vreg.gather [hbm4b:s11+s3], $0x80, v4, vm0, $0xb8;
	[tilespmem:$0x1F900] =	vst v63  }
0x120: {  	s21 =	simm.s32 $0x16100  }
0x121: {  	[tilespmem:s21], [sflag:$0x3] =	stream.indirect_vreg.gather [hbm4b:s12+s3], $0x80, v4, vm0, $0xb8;
	[tilespmem:$0x1F900] =	vst v63  }
0x122: {  	s1 =	simm.s32 $0x16900  }
0x123: {  	[tilespmem:s1], [sflag:$0x3] =	stream.indirect_vreg.gather [hbm4b:s2+s3], $0x80, v3, vm0, $0xb8;
	[tilespmem:$0x1F900] =	vst v63  }
0x124: {  	s13 =	simm.s32 $0x17100  }
0x125: {  	[tilespmem:s13], [sflag:$0x3] =	stream.indirect_vreg.gather [hbm4b:s5+s3], $0x80, v3, vm0, $0xb8;
	[tilespmem:$0x1F900] =	vst v63  }
0x126: {  	s21 =	simm.s32 $0x17900  }
0x127: {  	[tilespmem:s21], [sflag:$0x3] =	stream.indirect_vreg.gather [hbm4b:s6+s3], $0x80, v3, vm0, $0xb8;
	[tilespmem:$0x1F900] =	vst v63  }
0x128: {  	s1 =	simm.s32 $0x18100  }
0x129: {  	[tilespmem:s1], [sflag:$0x3] =	stream.indirect_vreg.gather [hbm4b:s7+s3], $0x80, v3, vm0, $0xb8;
	[tilespmem:$0x1F900] =	vst v63  }
0x12a: {  	s13 =	simm.s32 $0x18900  }
0x12b: {  	[tilespmem:s13], [sflag:$0x3] =	stream.indirect_vreg.gather [hbm4b:s8+s3], $0x80, v3, vm0, $0xb8;
	[tilespmem:$0x1F900] =	vst v63  }
0x12c: {  	s21 =	simm.s32 $0x19100  }
0x12d: {  	[tilespmem:s21], [sflag:$0x3] =	stream.indirect_vreg.gather [hbm4b:s9+s3], $0x80, v3, vm0, $0xb8;
	[tilespmem:$0x1F900] =	vst v63  }
0x12e: {  	s1 =	simm.s32 $0x19900  }
0x12f: {  	[tilespmem:s1], [sflag:$0x3] =	stream.indirect_vreg.gather [hbm4b:s10+s3], $0x80, v3, vm0, $0xb8;
	[tilespmem:$0x1F900] =	vst v63  }
0x130: {  	s13 =	simm.s32 $0x1A100  }
0x131: {  	[tilespmem:s13], [sflag:$0x3] =	stream.indirect_vreg.gather [hbm4b:s11+s3], $0x80, v3, vm0, $0xb8;
	[tilespmem:$0x1F900] =	vst v63  }
0x132: {  	s21 =	simm.s32 $0x1A900  }
0x133: {  	[tilespmem:s21], [sflag:$0x3] =	stream.indirect_vreg.gather [hbm4b:s12+s3], $0x80, v3, vm0, $0xb8;
	[tilespmem:$0x1F900] =	vst v63  }
0x134: {  	_ =	swait.ge [sflag:s14], $0x9000  }
0x135: {  	[sflag:s14] =	ssyncset.done $0x0  }
0x136: {  	s13 =	simm.s32 $0x100;
	s1 =	rddreg [dreg:$0x7];
	[sflag:s14] =	ssyncadd.s32 $0xFFFF7000  }
0x137: {  	[hbm4b:s1+s3] =	stream.linear.scatter [tilespmem:s13], [sflag:$0x4], $0x9000, $0x38;
	[tilespmem:$0x1F900] =	vst v63  }
0x138: {  	_ =	swait.ge [sflag:s16], $0x9000  }
0x139: {  	[sflag:s16] =	ssyncset.done $0x0  }
0x13a: {  	[sflag:s16] =	ssyncadd.s32 $0xFFFF7000  }
0x13b: {  	v3 =	vld [tilespmem:$0x60];
	_ =	sdelay $0x4  }
0x13c: {  	v55 =	vshrl.u32 v3, $0x3  }
0x13d: {  	v4 =	vmul.u32 $0x90, v55  }
0x13e: {  	v3 =	vand.u32 $0x7, v3  }
0x13f: {  	v3 =	vor.u32 v3, v4  }
0x140: {  	v4 =	vperm.xlane v3, v0;
	_ =	sdelay $0x1  }
0x141: {  	v4 =	vadd.s32 v1, v4;
	_ =	sdelay $0x4  }
0x142: {  	[tilespmem:s13], [sflag:$0x1] =	stream.indirect_vreg.gather [hbm4b:s2+s3], $0x80, v4, vm0, $0xb8;
	[tilespmem:$0x1F900] =	vst v63  }
0x143: {  	s13 =	simm.s32 $0x900  }
0x144: {  	[tilespmem:s13], [sflag:$0x1] =	stream.indirect_vreg.gather [hbm4b:s5+s3], $0x80, v4, vm0, $0xb8;
	[tilespmem:$0x1F900] =	vst v63  }
0x145: {  	s21 =	simm.s32 $0x1100  }
0x146: {  	[tilespmem:s21], [sflag:$0x1] =	stream.indirect_vreg.gather [hbm4b:s6+s3], $0x80, v4, vm0, $0xb8;
	[tilespmem:$0x1F900] =	vst v63  }
0x147: {  	s21 =	simm.s32 $0x1900  }
0x148: {  	[tilespmem:s21], [sflag:$0x1] =	stream.indirect_vreg.gather [hbm4b:s7+s3], $0x80, v4, vm0, $0xb8;
	[tilespmem:$0x1F900] =	vst v63  }
0x149: {  	s21 =	simm.s32 $0x2100  }
0x14a: {  	[tilespmem:s21], [sflag:$0x1] =	stream.indirect_vreg.gather [hbm4b:s8+s3], $0x80, v4, vm0, $0xb8;
	[tilespmem:$0x1F900] =	vst v63  }
0x14b: {  	s21 =	simm.s32 $0x2900  }
0x14c: {  	[tilespmem:s21], [sflag:$0x1] =	stream.indirect_vreg.gather [hbm4b:s9+s3], $0x80, v4, vm0, $0xb8;
	[tilespmem:$0x1F900] =	vst v63  }
0x14d: {  	v3 =	vperm.xlane v3, v2;
	s21 =	simm.s32 $0x3100  }
0x14e: {  	[tilespmem:s21], [sflag:$0x1] =	stream.indirect_vreg.gather [hbm4b:s10+s3], $0x80, v4, vm0, $0xb8;
	[tilespmem:$0x1F900] =	vst v63  }
0x14f: {  	v3 =	vadd.s32 v1, v3;
	s21 =	simm.s32 $0x3900  }
0x150: {  	[tilespmem:s21], [sflag:$0x1] =	stream.indirect_vreg.gather [hbm4b:s11+s3], $0x80, v4, vm0, $0xb8;
	[tilespmem:$0x1F900] =	vst v63  }
0x151: {  	s21 =	simm.s32 $0x4100  }
0x152: {  	[tilespmem:s21], [sflag:$0x1] =	stream.indirect_vreg.gather [hbm4b:s12+s3], $0x80, v4, vm0, $0xb8;
	[tilespmem:$0x1F900] =	vst v63  }
0x153: {  	s21 =	simm.s32 $0x4900  }
0x154: {  	[tilespmem:s21], [sflag:$0x1] =	stream.indirect_vreg.gather [hbm4b:s2+s3], $0x80, v3, vm0, $0xb8;
	[tilespmem:$0x1F900] =	vst v63  }
0x155: {  	s21 =	simm.s32 $0x5100  }
0x156: {  	[tilespmem:s21], [sflag:$0x1] =	stream.indirect_vreg.gather [hbm4b:s5+s3], $0x80, v3, vm0, $0xb8;
	[tilespmem:$0x1F900] =	vst v63  }
0x157: {  	s21 =	simm.s32 $0x5900  }
0x158: {  	[tilespmem:s21], [sflag:$0x1] =	stream.indirect_vreg.gather [hbm4b:s6+s3], $0x80, v3, vm0, $0xb8;
	[tilespmem:$0x1F900] =	vst v63  }
0x159: {  	s21 =	simm.s32 $0x6100  }
0x15a: {  	[tilespmem:s21], [sflag:$0x1] =	stream.indirect_vreg.gather [hbm4b:s7+s3], $0x80, v3, vm0, $0xb8;
	[tilespmem:$0x1F900] =	vst v63  }
0x15b: {  	s21 =	simm.s32 $0x6900  }
0x15c: {  	[tilespmem:s21], [sflag:$0x1] =	stream.indirect_vreg.gather [hbm4b:s8+s3], $0x80, v3, vm0, $0xb8;
	[tilespmem:$0x1F900] =	vst v63  }
0x15d: {  	s21 =	simm.s32 $0x7100  }
0x15e: {  	[tilespmem:s21], [sflag:$0x1] =	stream.indirect_vreg.gather [hbm4b:s9+s3], $0x80, v3, vm0, $0xb8;
	[tilespmem:$0x1F900] =	vst v63  }
0x15f: {  	s21 =	simm.s32 $0x7900  }
0x160: {  	[tilespmem:s21], [sflag:$0x1] =	stream.indirect_vreg.gather [hbm4b:s10+s3], $0x80, v3, vm0, $0xb8;
	[tilespmem:$0x1F900] =	vst v63  }
0x161: {  	s21 =	simm.s32 $0x8100  }
0x162: {  	[tilespmem:s21], [sflag:$0x1] =	stream.indirect_vreg.gather [hbm4b:s11+s3], $0x80, v3, vm0, $0xb8;
	[tilespmem:$0x1F900] =	vst v63  }
0x163: {  	s21 =	simm.s32 $0x8900  }
0x164: {  	[tilespmem:s21], [sflag:$0x1] =	stream.indirect_vreg.gather [hbm4b:s12+s3], $0x80, v3, vm0, $0xb8;
	[tilespmem:$0x1F900] =	vst v63  }
0x165: {  	_ =	swait.ge [sflag:s17], $0x9000  }
0x166: {  	[sflag:s17] =	ssyncset.done $0x0  }
0x167: {  	s0 =	simm.s32 $0x9100;
	s21 =	rddreg [dreg:$0x8];
	[sflag:s17] =	ssyncadd.s32 $0xFFFF7000  }
0x168: {  	[hbm4b:s21+s3] =	stream.linear.scatter [tilespmem:s0], [sflag:$0x5], $0x9000, $0x38;
	[tilespmem:$0x1F900] =	vst v63  }
0x169: {  	_ =	swait.ge [sflag:s18], $0x9000  }
0x16a: {  	[sflag:s18] =	ssyncset.done $0x0  }
0x16b: {  	[sflag:s18] =	ssyncadd.s32 $0xFFFF7000  }
0x16c: {  	v3 =	vld [tilespmem:$0x70];
	_ =	sdelay $0x4  }
0x16d: {  	v56 =	vshrl.u32 v3, $0x3  }
0x16e: {  	v4 =	vmul.u32 $0x90, v56  }
0x16f: {  	v3 =	vand.u32 $0x7, v3  }
0x170: {  	v3 =	vor.u32 v3, v4  }
0x171: {  	v4 =	vperm.xlane v3, v0;
	_ =	sdelay $0x1  }
0x172: {  	v4 =	vadd.s32 v1, v4;
	_ =	sdelay $0x4  }
0x173: {  	[tilespmem:s0], [sflag:$0x2] =	stream.indirect_vreg.gather [hbm4b:s2+s3], $0x80, v4, vm0, $0xb8;
	[tilespmem:$0x1F900] =	vst v63  }
0x174: {  	_ = 	snop  }
0x175: {  	[tilespmem:s15], [sflag:$0x2] =	stream.indirect_vreg.gather [hbm4b:s5+s3], $0x80, v4, vm0, $0xb8;
	[tilespmem:$0x1F900] =	vst v63  }
0x176: {  	_ = 	snop  }
0x177: {  	[tilespmem:s24], [sflag:$0x2] =	stream.indirect_vreg.gather [hbm4b:s6+s3], $0x80, v4, vm0, $0xb8;
	[tilespmem:$0x1F900] =	vst v63  }
0x178: {  	_ = 	snop  }
0x179: {  	[tilespmem:s25], [sflag:$0x2] =	stream.indirect_vreg.gather [hbm4b:s7+s3], $0x80, v4, vm0, $0xb8;
	[tilespmem:$0x1F900] =	vst v63  }
0x17a: {  	_ = 	snop  }
0x17b: {  	[tilespmem:s26], [sflag:$0x2] =	stream.indirect_vreg.gather [hbm4b:s8+s3], $0x80, v4, vm0, $0xb8;
	[tilespmem:$0x1F900] =	vst v63  }
0x17c: {  	s25 =	simm.s32 $0xB900  }
0x17d: {  	[tilespmem:s25], [sflag:$0x2] =	stream.indirect_vreg.gather [hbm4b:s9+s3], $0x80, v4, vm0, $0xb8;
	[tilespmem:$0x1F900] =	vst v63  }
0x17e: {  	v3 =	vperm.xlane v3, v2;
	s26 =	simm.s32 $0xC100  }
0x17f: {  	[tilespmem:s26], [sflag:$0x2] =	stream.indirect_vreg.gather [hbm4b:s10+s3], $0x80, v4, vm0, $0xb8;
	[tilespmem:$0x1F900] =	vst v63  }
0x180: {  	v3 =	vadd.s32 v1, v3  }
0x181: {  	[tilespmem:s28], [sflag:$0x2] =	stream.indirect_vreg.gather [hbm4b:s11+s3], $0x80, v4, vm0, $0xb8;
	[tilespmem:$0x1F900] =	vst v63  }
0x182: {  	_ = 	snop  }
0x183: {  	[tilespmem:s29], [sflag:$0x2] =	stream.indirect_vreg.gather [hbm4b:s12+s3], $0x80, v4, vm0, $0xb8;
	[tilespmem:$0x1F900] =	vst v63  }
0x184: {  	_ = 	snop  }
0x185: {  	[tilespmem:s30], [sflag:$0x2] =	stream.indirect_vreg.gather [hbm4b:s2+s3], $0x80, v3, vm0, $0xb8;
	[tilespmem:$0x1F900] =	vst v63  }
0x186: {  	_ = 	snop  }
0x187: {  	[tilespmem:s31], [sflag:$0x2] =	stream.indirect_vreg.gather [hbm4b:s5+s3], $0x80, v3, vm0, $0xb8;
	[tilespmem:$0x1F900] =	vst v63  }
0x188: {  	_ = 	snop  }
0x189: {  	[tilespmem:s22], [sflag:$0x2] =	stream.indirect_vreg.gather [hbm4b:s6+s3], $0x80, v3, vm0, $0xb8;
	[tilespmem:$0x1F900] =	vst v63  }
0x18a: {  	_ = 	snop  }
0x18b: {  	[tilespmem:s23], [sflag:$0x2] =	stream.indirect_vreg.gather [hbm4b:s7+s3], $0x80, v3, vm0, $0xb8;
	[tilespmem:$0x1F900] =	vst v63  }
0x18c: {  	s15 =	simm.s32 $0xF900  }
0x18d: {  	[tilespmem:s15], [sflag:$0x2] =	stream.indirect_vreg.gather [hbm4b:s8+s3], $0x80, v3, vm0, $0xb8;
	[tilespmem:$0x1F900] =	vst v63  }
0x18e: {  	_ = 	snop  }
0x18f: {  	[tilespmem:s4], [sflag:$0x2] =	stream.indirect_vreg.gather [hbm4b:s9+s3], $0x80, v3, vm0, $0xb8;
	[tilespmem:$0x1F900] =	vst v63  }
0x190: {  	s21 =	simm.s32 $0x10900  }
0x191: {  	[tilespmem:s21], [sflag:$0x2] =	stream.indirect_vreg.gather [hbm4b:s10+s3], $0x80, v3, vm0, $0xb8;
	[tilespmem:$0x1F900] =	vst v63  }
0x192: {  	s22 =	simm.s32 $0x11100  }
0x193: {  	[tilespmem:s22], [sflag:$0x2] =	stream.indirect_vreg.gather [hbm4b:s11+s3], $0x80, v3, vm0, $0xb8;
	[tilespmem:$0x1F900] =	vst v63  }
0x194: {  	s23 =	simm.s32 $0x11900  }
0x195: {  	[tilespmem:s23], [sflag:$0x2] =	stream.indirect_vreg.gather [hbm4b:s12+s3], $0x80, v3, vm0, $0xb8;
	[tilespmem:$0x1F900] =	vst v63  }
0x196: {  	_ =	swait.ge [sflag:s19], $0x9000  }
0x197: {  	[sflag:s19] =	ssyncset.done $0x0  }
0x198: {  	s25 =	simm.s32 $0x12100;
	s24 =	rddreg [dreg:$0x9];
	[sflag:s19] =	ssyncadd.s32 $0xFFFF7000  }
0x199: {  	[hbm4b:s24+s3] =	stream.linear.scatter [tilespmem:s25], [sflag:$0x6], $0x9000, $0x38;
	[tilespmem:$0x1F900] =	vst v63  }
0x19a: {  	_ =	swait.ge [sflag:s20], $0x9000  }
0x19b: {  	[sflag:s20] =	ssyncset.done $0x0  }
0x19c: {  	[sflag:s20] =	ssyncadd.s32 $0xFFFF7000  }
0x19d: {  	v3 =	vld [tilespmem:$0x80];
	_ =	sdelay $0x4  }
0x19e: {  	v57 =	vshrl.u32 v3, $0x3  }
0x19f: {  	v4 =	vmul.u32 $0x90, v57  }
0x1a0: {  	v3 =	vand.u32 $0x7, v3  }
0x1a1: {  	v3 =	vor.u32 v3, v4  }
0x1a2: {  	v4 =	vperm.xlane v3, v0;
	_ =	sdelay $0x1  }
0x1a3: {  	v4 =	vadd.s32 v1, v4;
	_ =	sdelay $0x4  }
0x1a4: {  	[tilespmem:s25], [sflag:$0x3] =	stream.indirect_vreg.gather [hbm4b:s2+s3], $0x80, v4, vm0, $0xb8;
	[tilespmem:$0x1F900] =	vst v63  }
0x1a5: {  	s0 =	simm.s32 $0x12900  }
0x1a6: {  	[tilespmem:s0], [sflag:$0x3] =	stream.indirect_vreg.gather [hbm4b:s5+s3], $0x80, v4, vm0, $0xb8;
	[tilespmem:$0x1F900] =	vst v63  }
0x1a7: {  	s26 =	simm.s32 $0x13100  }
0x1a8: {  	[tilespmem:s26], [sflag:$0x3] =	stream.indirect_vreg.gather [hbm4b:s6+s3], $0x80, v4, vm0, $0xb8;
	[tilespmem:$0x1F900] =	vst v63  }
0x1a9: {  	s28 =	simm.s32 $0x13900  }
0x1aa: {  	[tilespmem:s28], [sflag:$0x3] =	stream.indirect_vreg.gather [hbm4b:s7+s3], $0x80, v4, vm0, $0xb8;
	[tilespmem:$0x1F900] =	vst v63  }
0x1ab: {  	s29 =	simm.s32 $0x14100  }
0x1ac: {  	[tilespmem:s29], [sflag:$0x3] =	stream.indirect_vreg.gather [hbm4b:s8+s3], $0x80, v4, vm0, $0xb8;
	[tilespmem:$0x1F900] =	vst v63  }
0x1ad: {  	s30 =	simm.s32 $0x14900  }
0x1ae: {  	[tilespmem:s30], [sflag:$0x3] =	stream.indirect_vreg.gather [hbm4b:s9+s3], $0x80, v4, vm0, $0xb8;
	[tilespmem:$0x1F900] =	vst v63  }
0x1af: {  	s31 =	simm.s32 $0x15100;
	v3 =	vperm.xlane v3, v2  }
0x1b0: {  	[tilespmem:s31], [sflag:$0x3] =	stream.indirect_vreg.gather [hbm4b:s10+s3], $0x80, v4, vm0, $0xb8;
	[tilespmem:$0x1F900] =	vst v63  }
0x1b1: {  	s15 =	simm.s32 $0x15900;
	v3 =	vadd.s32 v1, v3  }
0x1b2: {  	[tilespmem:s15], [sflag:$0x3] =	stream.indirect_vreg.gather [hbm4b:s11+s3], $0x80, v4, vm0, $0xb8;
	[tilespmem:$0x1F900] =	vst v63  }
0x1b3: {  	s22 =	simm.s32 $0x16100  }
0x1b4: {  	[tilespmem:s22], [sflag:$0x3] =	stream.indirect_vreg.gather [hbm4b:s12+s3], $0x80, v4, vm0, $0xb8;
	[tilespmem:$0x1F900] =	vst v63  }
0x1b5: {  	s23 =	simm.s32 $0x16900  }
0x1b6: {  	[tilespmem:s23], [sflag:$0x3] =	stream.indirect_vreg.gather [hbm4b:s2+s3], $0x80, v3, vm0, $0xb8;
	[tilespmem:$0x1F900] =	vst v63  }
0x1b7: {  	s24 =	simm.s32 $0x17100  }
0x1b8: {  	[tilespmem:s24], [sflag:$0x3] =	stream.indirect_vreg.gather [hbm4b:s5+s3], $0x80, v3, vm0, $0xb8;
	[tilespmem:$0x1F900] =	vst v63  }
0x1b9: {  	s25 =	simm.s32 $0x17900  }
0x1ba: {  	[tilespmem:s25], [sflag:$0x3] =	stream.indirect_vreg.gather [hbm4b:s6+s3], $0x80, v3, vm0, $0xb8;
	[tilespmem:$0x1F900] =	vst v63  }
0x1bb: {  	s26 =	simm.s32 $0x18100  }
0x1bc: {  	[tilespmem:s26], [sflag:$0x3] =	stream.indirect_vreg.gather [hbm4b:s7+s3], $0x80, v3, vm0, $0xb8;
	[tilespmem:$0x1F900] =	vst v63  }
0x1bd: {  	s28 =	simm.s32 $0x18900  }
0x1be: {  	[tilespmem:s28], [sflag:$0x3] =	stream.indirect_vreg.gather [hbm4b:s8+s3], $0x80, v3, vm0, $0xb8;
	[tilespmem:$0x1F900] =	vst v63  }
0x1bf: {  	s29 =	simm.s32 $0x19100  }
0x1c0: {  	[tilespmem:s29], [sflag:$0x3] =	stream.indirect_vreg.gather [hbm4b:s9+s3], $0x80, v3, vm0, $0xb8;
	[tilespmem:$0x1F900] =	vst v63  }
0x1c1: {  	s30 =	simm.s32 $0x19900  }
0x1c2: {  	[tilespmem:s30], [sflag:$0x3] =	stream.indirect_vreg.gather [hbm4b:s10+s3], $0x80, v3, vm0, $0xb8;
	[tilespmem:$0x1F900] =	vst v63  }
0x1c3: {  	s31 =	simm.s32 $0x1A100  }
0x1c4: {  	[tilespmem:s31], [sflag:$0x3] =	stream.indirect_vreg.gather [hbm4b:s11+s3], $0x80, v3, vm0, $0xb8;
	[tilespmem:$0x1F900] =	vst v63  }
0x1c5: {  	s4 =	simm.s32 $0x1A900  }
0x1c6: {  	[tilespmem:s4], [sflag:$0x3] =	stream.indirect_vreg.gather [hbm4b:s12+s3], $0x80, v3, vm0, $0xb8;
	[tilespmem:$0x1F900] =	vst v63  }
0x1c7: {  	_ =	swait.ge [sflag:s14], $0x9000  }
0x1c8: {  	[sflag:s14] =	ssyncset.done $0x0  }
0x1c9: {  	s1 =	simm.s32 $0x100;
	s4 =	rddreg [dreg:$0xa];
	[sflag:s14] =	ssyncadd.s32 $0xFFFF7000  }
0x1ca: {  	[hbm4b:s4+s3] =	stream.linear.scatter [tilespmem:s1], [sflag:$0x4], $0x9000, $0x38;
	[tilespmem:$0x1F900] =	vst v63  }
0x1cb: {  	_ =	swait.ge [sflag:s16], $0x9000  }
0x1cc: {  	[sflag:s16] =	ssyncset.done $0x0  }
0x1cd: {  	[sflag:s16] =	ssyncadd.s32 $0xFFFF7000  }
0x1ce: {  	v3 =	vld [tilespmem:$0x90];
	_ =	sdelay $0x4  }
0x1cf: {  	v58 =	vshrl.u32 v3, $0x3  }
0x1d0: {  	v4 =	vmul.u32 $0x90, v58  }
0x1d1: {  	v3 =	vand.u32 $0x7, v3  }
0x1d2: {  	v3 =	vor.u32 v3, v4  }
0x1d3: {  	v4 =	vperm.xlane v3, v0;
	_ =	sdelay $0x1  }
0x1d4: {  	v4 =	vadd.s32 v1, v4;
	_ =	sdelay $0x4  }
0x1d5: {  	[tilespmem:s1], [sflag:$0x1] =	stream.indirect_vreg.gather [hbm4b:s2+s3], $0x80, v4, vm0, $0xb8;
	[tilespmem:$0x1F900] =	vst v63  }
0x1d6: {  	_ = 	snop  }
0x1d7: {  	[tilespmem:s13], [sflag:$0x1] =	stream.indirect_vreg.gather [hbm4b:s5+s3], $0x80, v4, vm0, $0xb8;
	[tilespmem:$0x1F900] =	vst v63  }
0x1d8: {  	s21 =	simm.s32 $0x1100  }
0x1d9: {  	[tilespmem:s21], [sflag:$0x1] =	stream.indirect_vreg.gather [hbm4b:s6+s3], $0x80, v4, vm0, $0xb8;
	[tilespmem:$0x1F900] =	vst v63  }
0x1da: {  	s4 =	simm.s32 $0x1900  }
0x1db: {  	[tilespmem:s4], [sflag:$0x1] =	stream.indirect_vreg.gather [hbm4b:s7+s3], $0x80, v4, vm0, $0xb8;
	[tilespmem:$0x1F900] =	vst v63  }
0x1dc: {  	s13 =	simm.s32 $0x2100  }
0x1dd: {  	[tilespmem:s13], [sflag:$0x1] =	stream.indirect_vreg.gather [hbm4b:s8+s3], $0x80, v4, vm0, $0xb8;
	[tilespmem:$0x1F900] =	vst v63  }
0x1de: {  	s21 =	simm.s32 $0x2900  }
0x1df: {  	[tilespmem:s21], [sflag:$0x1] =	stream.indirect_vreg.gather [hbm4b:s9+s3], $0x80, v4, vm0, $0xb8;
	[tilespmem:$0x1F900] =	vst v63  }
0x1e0: {  	v3 =	vperm.xlane v3, v2;
	s4 =	simm.s32 $0x3100  }
0x1e1: {  	[tilespmem:s4], [sflag:$0x1] =	stream.indirect_vreg.gather [hbm4b:s10+s3], $0x80, v4, vm0, $0xb8;
	[tilespmem:$0x1F900] =	vst v63  }
0x1e2: {  	v3 =	vadd.s32 v1, v3;
	s13 =	simm.s32 $0x3900  }
0x1e3: {  	[tilespmem:s13], [sflag:$0x1] =	stream.indirect_vreg.gather [hbm4b:s11+s3], $0x80, v4, vm0, $0xb8;
	[tilespmem:$0x1F900] =	vst v63  }
0x1e4: {  	s21 =	simm.s32 $0x4100  }
0x1e5: {  	[tilespmem:s21], [sflag:$0x1] =	stream.indirect_vreg.gather [hbm4b:s12+s3], $0x80, v4, vm0, $0xb8;
	[tilespmem:$0x1F900] =	vst v63  }
0x1e6: {  	s4 =	simm.s32 $0x4900  }
0x1e7: {  	[tilespmem:s4], [sflag:$0x1] =	stream.indirect_vreg.gather [hbm4b:s2+s3], $0x80, v3, vm0, $0xb8;
	[tilespmem:$0x1F900] =	vst v63  }
0x1e8: {  	s13 =	simm.s32 $0x5100  }
0x1e9: {  	[tilespmem:s13], [sflag:$0x1] =	stream.indirect_vreg.gather [hbm4b:s5+s3], $0x80, v3, vm0, $0xb8;
	[tilespmem:$0x1F900] =	vst v63  }
0x1ea: {  	s21 =	simm.s32 $0x5900  }
0x1eb: {  	[tilespmem:s21], [sflag:$0x1] =	stream.indirect_vreg.gather [hbm4b:s6+s3], $0x80, v3, vm0, $0xb8;
	[tilespmem:$0x1F900] =	vst v63  }
0x1ec: {  	s4 =	simm.s32 $0x6100  }
0x1ed: {  	[tilespmem:s4], [sflag:$0x1] =	stream.indirect_vreg.gather [hbm4b:s7+s3], $0x80, v3, vm0, $0xb8;
	[tilespmem:$0x1F900] =	vst v63  }
0x1ee: {  	s13 =	simm.s32 $0x6900  }
0x1ef: {  	[tilespmem:s13], [sflag:$0x1] =	stream.indirect_vreg.gather [hbm4b:s8+s3], $0x80, v3, vm0, $0xb8;
	[tilespmem:$0x1F900] =	vst v63  }
0x1f0: {  	s21 =	simm.s32 $0x7100  }
0x1f1: {  	[tilespmem:s21], [sflag:$0x1] =	stream.indirect_vreg.gather [hbm4b:s9+s3], $0x80, v3, vm0, $0xb8;
	[tilespmem:$0x1F900] =	vst v63  }
0x1f2: {  	s4 =	simm.s32 $0x7900  }
0x1f3: {  	[tilespmem:s4], [sflag:$0x1] =	stream.indirect_vreg.gather [hbm4b:s10+s3], $0x80, v3, vm0, $0xb8;
	[tilespmem:$0x1F900] =	vst v63  }
0x1f4: {  	s13 =	simm.s32 $0x8100  }
0x1f5: {  	[tilespmem:s13], [sflag:$0x1] =	stream.indirect_vreg.gather [hbm4b:s11+s3], $0x80, v3, vm0, $0xb8;
	[tilespmem:$0x1F900] =	vst v63  }
0x1f6: {  	s21 =	simm.s32 $0x8900  }
0x1f7: {  	[tilespmem:s21], [sflag:$0x1] =	stream.indirect_vreg.gather [hbm4b:s12+s3], $0x80, v3, vm0, $0xb8;
	[tilespmem:$0x1F900] =	vst v63  }
0x1f8: {  	_ =	swait.ge [sflag:s17], $0x9000  }
0x1f9: {  	[sflag:s17] =	ssyncset.done $0x0  }
0x1fa: {  	s13 =	simm.s32 $0x9100;
	s4 =	rddreg [dreg:$0xb];
	[sflag:s17] =	ssyncadd.s32 $0xFFFF7000  }
0x1fb: {  	[hbm4b:s4+s3] =	stream.linear.scatter [tilespmem:s13], [sflag:$0x5], $0x9000, $0x38;
	[tilespmem:$0x1F900] =	vst v63  }
0x1fc: {  	_ =	swait.ge [sflag:s18], $0x9000  }
0x1fd: {  	[sflag:s18] =	ssyncset.done $0x0  }
0x1fe: {  	[sflag:s18] =	ssyncadd.s32 $0xFFFF7000  }
0x1ff: {  	v3 =	vld [tilespmem:$0xA0];
	_ =	sdelay $0x4  }
0x200: {  	v59 =	vshrl.u32 v3, $0x3  }
0x201: {  	v4 =	vmul.u32 $0x90, v59  }
0x202: {  	v3 =	vand.u32 $0x7, v3  }
0x203: {  	v3 =	vor.u32 v3, v4  }
0x204: {  	v4 =	vperm.xlane v3, v0;
	_ =	sdelay $0x1  }
0x205: {  	v4 =	vadd.s32 v1, v4;
	_ =	sdelay $0x4  }
0x206: {  	[tilespmem:s13], [sflag:$0x2] =	stream.indirect_vreg.gather [hbm4b:s2+s3], $0x80, v4, vm0, $0xb8;
	[tilespmem:$0x1F900] =	vst v63  }
0x207: {  	s21 =	simm.s32 $0x9900  }
0x208: {  	[tilespmem:s21], [sflag:$0x2] =	stream.indirect_vreg.gather [hbm4b:s5+s3], $0x80, v4, vm0, $0xb8;
	[tilespmem:$0x1F900] =	vst v63  }
0x209: {  	s4 =	simm.s32 $0xA100  }
0x20a: {  	[tilespmem:s4], [sflag:$0x2] =	stream.indirect_vreg.gather [hbm4b:s6+s3], $0x80, v4, vm0, $0xb8;
	[tilespmem:$0x1F900] =	vst v63  }
0x20b: {  	s21 =	simm.s32 $0xA900  }
0x20c: {  	[tilespmem:s21], [sflag:$0x2] =	stream.indirect_vreg.gather [hbm4b:s7+s3], $0x80, v4, vm0, $0xb8;
	[tilespmem:$0x1F900] =	vst v63  }
0x20d: {  	s4 =	simm.s32 $0xB100  }
0x20e: {  	[tilespmem:s4], [sflag:$0x2] =	stream.indirect_vreg.gather [hbm4b:s8+s3], $0x80, v4, vm0, $0xb8;
	[tilespmem:$0x1F900] =	vst v63  }
0x20f: {  	s21 =	simm.s32 $0xB900  }
0x210: {  	[tilespmem:s21], [sflag:$0x2] =	stream.indirect_vreg.gather [hbm4b:s9+s3], $0x80, v4, vm0, $0xb8;
	[tilespmem:$0x1F900] =	vst v63  }
0x211: {  	v3 =	vperm.xlane v3, v2;
	s4 =	simm.s32 $0xC100  }
0x212: {  	[tilespmem:s4], [sflag:$0x2] =	stream.indirect_vreg.gather [hbm4b:s10+s3], $0x80, v4, vm0, $0xb8;
	[tilespmem:$0x1F900] =	vst v63  }
0x213: {  	v3 =	vadd.s32 v1, v3;
	s21 =	simm.s32 $0xC900  }
0x214: {  	[tilespmem:s21], [sflag:$0x2] =	stream.indirect_vreg.gather [hbm4b:s11+s3], $0x80, v4, vm0, $0xb8;
	[tilespmem:$0x1F900] =	vst v63  }
0x215: {  	s4 =	simm.s32 $0xD100  }
0x216: {  	[tilespmem:s4], [sflag:$0x2] =	stream.indirect_vreg.gather [hbm4b:s12+s3], $0x80, v4, vm0, $0xb8;
	[tilespmem:$0x1F900] =	vst v63  }
0x217: {  	s21 =	simm.s32 $0xD900  }
0x218: {  	[tilespmem:s21], [sflag:$0x2] =	stream.indirect_vreg.gather [hbm4b:s2+s3], $0x80, v3, vm0, $0xb8;
	[tilespmem:$0x1F900] =	vst v63  }
0x219: {  	s4 =	simm.s32 $0xE100  }
0x21a: {  	[tilespmem:s4], [sflag:$0x2] =	stream.indirect_vreg.gather [hbm4b:s5+s3], $0x80, v3, vm0, $0xb8;
	[tilespmem:$0x1F900] =	vst v63  }
0x21b: {  	s21 =	simm.s32 $0xE900  }
0x21c: {  	[tilespmem:s21], [sflag:$0x2] =	stream.indirect_vreg.gather [hbm4b:s6+s3], $0x80, v3, vm0, $0xb8;
	[tilespmem:$0x1F900] =	vst v63  }
0x21d: {  	s4 =	simm.s32 $0xF100  }
0x21e: {  	[tilespmem:s4], [sflag:$0x2] =	stream.indirect_vreg.gather [hbm4b:s7+s3], $0x80, v3, vm0, $0xb8;
	[tilespmem:$0x1F900] =	vst v63  }
0x21f: {  	s21 =	simm.s32 $0xF900  }
0x220: {  	[tilespmem:s21], [sflag:$0x2] =	stream.indirect_vreg.gather [hbm4b:s8+s3], $0x80, v3, vm0, $0xb8;
	[tilespmem:$0x1F900] =	vst v63  }
0x221: {  	s4 =	simm.s32 $0x10100  }
0x222: {  	[tilespmem:s4], [sflag:$0x2] =	stream.indirect_vreg.gather [hbm4b:s9+s3], $0x80, v3, vm0, $0xb8;
	[tilespmem:$0x1F900] =	vst v63  }
0x223: {  	s21 =	simm.s32 $0x10900  }
0x224: {  	[tilespmem:s21], [sflag:$0x2] =	stream.indirect_vreg.gather [hbm4b:s10+s3], $0x80, v3, vm0, $0xb8;
	[tilespmem:$0x1F900] =	vst v63  }
0x225: {  	s4 =	simm.s32 $0x11100  }
0x226: {  	[tilespmem:s4], [sflag:$0x2] =	stream.indirect_vreg.gather [hbm4b:s11+s3], $0x80, v3, vm0, $0xb8;
	[tilespmem:$0x1F900] =	vst v63  }
0x227: {  	s21 =	simm.s32 $0x11900  }
0x228: {  	[tilespmem:s21], [sflag:$0x2] =	stream.indirect_vreg.gather [hbm4b:s12+s3], $0x80, v3, vm0, $0xb8;
	[tilespmem:$0x1F900] =	vst v63  }
0x229: {  	_ =	swait.ge [sflag:s19], $0x9000  }
0x22a: {  	[sflag:s19] =	ssyncset.done $0x0  }
0x22b: {  	s4 =	simm.s32 $0x12100;
	s1 =	rddreg [dreg:$0xc];
	[sflag:s19] =	ssyncadd.s32 $0xFFFF7000  }
0x22c: {  	[hbm4b:s1+s3] =	stream.linear.scatter [tilespmem:s4], [sflag:$0x6], $0x9000, $0x38;
	[tilespmem:$0x1F900] =	vst v63  }
0x22d: {  	_ =	swait.ge [sflag:s20], $0x9000  }
0x22e: {  	[sflag:s20] =	ssyncset.done $0x0  }
0x22f: {  	[sflag:s20] =	ssyncadd.s32 $0xFFFF7000  }
0x230: {  	v3 =	vld [tilespmem:$0xB0];
	_ =	sdelay $0x4  }
0x231: {  	v60 =	vshrl.u32 v3, $0x3  }
0x232: {  	v4 =	vmul.u32 $0x90, v60  }
0x233: {  	v3 =	vand.u32 $0x7, v3  }
0x234: {  	v3 =	vor.u32 v3, v4  }
0x235: {  	v4 =	vperm.xlane v3, v0;
	_ =	sdelay $0x1  }
0x236: {  	v4 =	vadd.s32 v1, v4;
	_ =	sdelay $0x4  }
0x237: {  	[tilespmem:s4], [sflag:$0x3] =	stream.indirect_vreg.gather [hbm4b:s2+s3], $0x80, v4, vm0, $0xb8;
	[tilespmem:$0x1F900] =	vst v63  }
0x238: {  	_ = 	snop  }
0x239: {  	[tilespmem:s0], [sflag:$0x3] =	stream.indirect_vreg.gather [hbm4b:s5+s3], $0x80, v4, vm0, $0xb8;
	[tilespmem:$0x1F900] =	vst v63  }
0x23a: {  	s0 =	simm.s32 $0x13100  }
0x23b: {  	[tilespmem:s0], [sflag:$0x3] =	stream.indirect_vreg.gather [hbm4b:s6+s3], $0x80, v4, vm0, $0xb8;
	[tilespmem:$0x1F900] =	vst v63  }
0x23c: {  	s21 =	simm.s32 $0x13900  }
0x23d: {  	[tilespmem:s21], [sflag:$0x3] =	stream.indirect_vreg.gather [hbm4b:s7+s3], $0x80, v4, vm0, $0xb8;
	[tilespmem:$0x1F900] =	vst v63  }
0x23e: {  	s21 =	simm.s32 $0x14100  }
0x23f: {  	[tilespmem:s21], [sflag:$0x3] =	stream.indirect_vreg.gather [hbm4b:s8+s3], $0x80, v4, vm0, $0xb8;
	[tilespmem:$0x1F900] =	vst v63  }
0x240: {  	s0 =	simm.s32 $0x14900  }
0x241: {  	[tilespmem:s0], [sflag:$0x3] =	stream.indirect_vreg.gather [hbm4b:s9+s3], $0x80, v4, vm0, $0xb8;
	[tilespmem:$0x1F900] =	vst v63  }
0x242: {  	v3 =	vperm.xlane v3, v2;
	s0 =	simm.s32 $0x15100  }
0x243: {  	[tilespmem:s0], [sflag:$0x3] =	stream.indirect_vreg.gather [hbm4b:s10+s3], $0x80, v4, vm0, $0xb8;
	[tilespmem:$0x1F900] =	vst v63  }
0x244: {  	v3 =	vadd.s32 v1, v3  }
0x245: {  	[tilespmem:s15], [sflag:$0x3] =	stream.indirect_vreg.gather [hbm4b:s11+s3], $0x80, v4, vm0, $0xb8;
	[tilespmem:$0x1F900] =	vst v63  }
0x246: {  	_ = 	snop  }
0x247: {  	[tilespmem:s22], [sflag:$0x3] =	stream.indirect_vreg.gather [hbm4b:s12+s3], $0x80, v4, vm0, $0xb8;
	[tilespmem:$0x1F900] =	vst v63  }
0x248: {  	_ = 	snop  }
0x249: {  	[tilespmem:s23], [sflag:$0x3] =	stream.indirect_vreg.gather [hbm4b:s2+s3], $0x80, v3, vm0, $0xb8;
	[tilespmem:$0x1F900] =	vst v63  }
0x24a: {  	_ = 	snop  }
0x24b: {  	[tilespmem:s24], [sflag:$0x3] =	stream.indirect_vreg.gather [hbm4b:s5+s3], $0x80, v3, vm0, $0xb8;
	[tilespmem:$0x1F900] =	vst v63  }
0x24c: {  	_ = 	snop  }
0x24d: {  	[tilespmem:s25], [sflag:$0x3] =	stream.indirect_vreg.gather [hbm4b:s6+s3], $0x80, v3, vm0, $0xb8;
	[tilespmem:$0x1F900] =	vst v63  }
0x24e: {  	_ = 	snop  }
0x24f: {  	[tilespmem:s26], [sflag:$0x3] =	stream.indirect_vreg.gather [hbm4b:s7+s3], $0x80, v3, vm0, $0xb8;
	[tilespmem:$0x1F900] =	vst v63  }
0x250: {  	_ = 	snop  }
0x251: {  	[tilespmem:s28], [sflag:$0x3] =	stream.indirect_vreg.gather [hbm4b:s8+s3], $0x80, v3, vm0, $0xb8;
	[tilespmem:$0x1F900] =	vst v63  }
0x252: {  	_ = 	snop  }
0x253: {  	[tilespmem:s29], [sflag:$0x3] =	stream.indirect_vreg.gather [hbm4b:s9+s3], $0x80, v3, vm0, $0xb8;
	[tilespmem:$0x1F900] =	vst v63  }
0x254: {  	_ = 	snop  }
0x255: {  	[tilespmem:s30], [sflag:$0x3] =	stream.indirect_vreg.gather [hbm4b:s10+s3], $0x80, v3, vm0, $0xb8;
	[tilespmem:$0x1F900] =	vst v63  }
0x256: {  	_ = 	snop  }
0x257: {  	[tilespmem:s31], [sflag:$0x3] =	stream.indirect_vreg.gather [hbm4b:s11+s3], $0x80, v3, vm0, $0xb8;
	[tilespmem:$0x1F900] =	vst v63  }
0x258: {  	s0 =	simm.s32 $0x1A900  }
0x259: {  	[tilespmem:s0], [sflag:$0x3] =	stream.indirect_vreg.gather [hbm4b:s12+s3], $0x80, v3, vm0, $0xb8;
	[tilespmem:$0x1F900] =	vst v63  }
0x25a: {  	_ =	swait.ge [sflag:s14], $0x9000  }
0x25b: {  	[sflag:s14] =	ssyncset.done $0x0  }
0x25c: {  	s0 =	simm.s32 $0x100;
	s21 =	rddreg [dreg:$0xd];
	[sflag:s14] =	ssyncadd.s32 $0xFFFF7000  }
0x25d: {  	[hbm4b:s21+s3] =	stream.linear.scatter [tilespmem:s0], [sflag:$0x4], $0x9000, $0x38;
	[tilespmem:$0x1F900] =	vst v63  }
0x25e: {  	_ =	swait.ge [sflag:s16], $0x9000  }
0x25f: {  	[sflag:s16] =	ssyncset.done $0x0  }
0x260: {  	[sflag:s16] =	ssyncadd.s32 $0xFFFF7000  }
0x261: {  	v3 =	vld [tilespmem:$0xC0];
	_ =	sdelay $0x4  }
0x262: {  	v61 =	vshrl.u32 v3, $0x3  }
0x263: {  	v4 =	vmul.u32 $0x90, v61  }
0x264: {  	v3 =	vand.u32 $0x7, v3  }
0x265: {  	v3 =	vor.u32 v3, v4  }
0x266: {  	v4 =	vperm.xlane v3, v0;
	_ =	sdelay $0x1  }
0x267: {  	v4 =	vadd.s32 v1, v4;
	_ =	sdelay $0x4  }
0x268: {  	[tilespmem:s0], [sflag:$0x1] =	stream.indirect_vreg.gather [hbm4b:s2+s3], $0x80, v4, vm0, $0xb8;
	[tilespmem:$0x1F900] =	vst v63  }
0x269: {  	s21 =	simm.s32 $0x900  }
0x26a: {  	[tilespmem:s21], [sflag:$0x1] =	stream.indirect_vreg.gather [hbm4b:s5+s3], $0x80, v4, vm0, $0xb8;
	[tilespmem:$0x1F900] =	vst v63  }
0x26b: {  	s21 =	simm.s32 $0x1100  }
0x26c: {  	[tilespmem:s21], [sflag:$0x1] =	stream.indirect_vreg.gather [hbm4b:s6+s3], $0x80, v4, vm0, $0xb8;
	[tilespmem:$0x1F900] =	vst v63  }
0x26d: {  	s21 =	simm.s32 $0x1900  }
0x26e: {  	[tilespmem:s21], [sflag:$0x1] =	stream.indirect_vreg.gather [hbm4b:s7+s3], $0x80, v4, vm0, $0xb8;
	[tilespmem:$0x1F900] =	vst v63  }
0x26f: {  	s21 =	simm.s32 $0x2100  }
0x270: {  	[tilespmem:s21], [sflag:$0x1] =	stream.indirect_vreg.gather [hbm4b:s8+s3], $0x80, v4, vm0, $0xb8;
	[tilespmem:$0x1F900] =	vst v63  }
0x271: {  	s21 =	simm.s32 $0x2900  }
0x272: {  	[tilespmem:s21], [sflag:$0x1] =	stream.indirect_vreg.gather [hbm4b:s9+s3], $0x80, v4, vm0, $0xb8;
	[tilespmem:$0x1F900] =	vst v63  }
0x273: {  	v3 =	vperm.xlane v3, v2;
	s21 =	simm.s32 $0x3100  }
0x274: {  	[tilespmem:s21], [sflag:$0x1] =	stream.indirect_vreg.gather [hbm4b:s10+s3], $0x80, v4, vm0, $0xb8;
	[tilespmem:$0x1F900] =	vst v63  }
0x275: {  	v3 =	vadd.s32 v1, v3;
	s21 =	simm.s32 $0x3900  }
0x276: {  	[tilespmem:s21], [sflag:$0x1] =	stream.indirect_vreg.gather [hbm4b:s11+s3], $0x80, v4, vm0, $0xb8;
	[tilespmem:$0x1F900] =	vst v63  }
0x277: {  	s21 =	simm.s32 $0x4100  }
0x278: {  	[tilespmem:s21], [sflag:$0x1] =	stream.indirect_vreg.gather [hbm4b:s12+s3], $0x80, v4, vm0, $0xb8;
	[tilespmem:$0x1F900] =	vst v63  }
0x279: {  	s21 =	simm.s32 $0x4900  }
0x27a: {  	[tilespmem:s21], [sflag:$0x1] =	stream.indirect_vreg.gather [hbm4b:s2+s3], $0x80, v3, vm0, $0xb8;
	[tilespmem:$0x1F900] =	vst v63  }
0x27b: {  	s21 =	simm.s32 $0x5100  }
0x27c: {  	[tilespmem:s21], [sflag:$0x1] =	stream.indirect_vreg.gather [hbm4b:s5+s3], $0x80, v3, vm0, $0xb8;
	[tilespmem:$0x1F900] =	vst v63  }
0x27d: {  	s21 =	simm.s32 $0x5900  }
0x27e: {  	[tilespmem:s21], [sflag:$0x1] =	stream.indirect_vreg.gather [hbm4b:s6+s3], $0x80, v3, vm0, $0xb8;
	[tilespmem:$0x1F900] =	vst v63  }
0x27f: {  	s21 =	simm.s32 $0x6100  }
0x280: {  	[tilespmem:s21], [sflag:$0x1] =	stream.indirect_vreg.gather [hbm4b:s7+s3], $0x80, v3, vm0, $0xb8;
	[tilespmem:$0x1F900] =	vst v63  }
0x281: {  	s21 =	simm.s32 $0x6900  }
0x282: {  	[tilespmem:s21], [sflag:$0x1] =	stream.indirect_vreg.gather [hbm4b:s8+s3], $0x80, v3, vm0, $0xb8;
	[tilespmem:$0x1F900] =	vst v63  }
0x283: {  	s21 =	simm.s32 $0x7100  }
0x284: {  	[tilespmem:s21], [sflag:$0x1] =	stream.indirect_vreg.gather [hbm4b:s9+s3], $0x80, v3, vm0, $0xb8;
	[tilespmem:$0x1F900] =	vst v63  }
0x285: {  	s21 =	simm.s32 $0x7900  }
0x286: {  	[tilespmem:s21], [sflag:$0x1] =	stream.indirect_vreg.gather [hbm4b:s10+s3], $0x80, v3, vm0, $0xb8;
	[tilespmem:$0x1F900] =	vst v63  }
0x287: {  	s21 =	simm.s32 $0x8100  }
0x288: {  	[tilespmem:s21], [sflag:$0x1] =	stream.indirect_vreg.gather [hbm4b:s11+s3], $0x80, v3, vm0, $0xb8;
	[tilespmem:$0x1F900] =	vst v63  }
0x289: {  	s21 =	simm.s32 $0x8900  }
0x28a: {  	[tilespmem:s21], [sflag:$0x1] =	stream.indirect_vreg.gather [hbm4b:s12+s3], $0x80, v3, vm0, $0xb8;
	[tilespmem:$0x1F900] =	vst v63  }
0x28b: {  	_ =	swait.ge [sflag:s17], $0x9000  }
0x28c: {  	[sflag:s17] =	ssyncset.done $0x0  }
0x28d: {  	s13 =	simm.s32 $0x9100;
	s21 =	rddreg [dreg:$0xe];
	[sflag:s17] =	ssyncadd.s32 $0xFFFF7000  }
0x28e: {  	[hbm4b:s21+s3] =	stream.linear.scatter [tilespmem:s13], [sflag:$0x5], $0x9000, $0x38;
	[tilespmem:$0x1F900] =	vst v63  }
0x28f: {  	_ =	swait.ge [sflag:s18], $0x9000  }
0x290: {  	[sflag:s18] =	ssyncset.done $0x0  }
0x291: {  	[sflag:s18] =	ssyncadd.s32 $0xFFFF7000  }
0x292: {  	v3 =	vld [tilespmem:$0xD0];
	_ =	sdelay $0x4  }
0x293: {  	v62 =	vshrl.u32 v3, $0x3  }
0x294: {  	v4 =	vmul.u32 $0x90, v62  }
0x295: {  	v3 =	vand.u32 $0x7, v3  }
0x296: {  	v3 =	vor.u32 v3, v4  }
0x297: {  	v4 =	vperm.xlane v3, v0;
	_ =	sdelay $0x1  }
0x298: {  	v4 =	vadd.s32 v1, v4;
	_ =	sdelay $0x4  }
0x299: {  	[tilespmem:s13], [sflag:$0x2] =	stream.indirect_vreg.gather [hbm4b:s2+s3], $0x80, v4, vm0, $0xb8;
	[tilespmem:$0x1F900] =	vst v63  }
0x29a: {  	s21 =	simm.s32 $0x9900  }
0x29b: {  	[tilespmem:s21], [sflag:$0x2] =	stream.indirect_vreg.gather [hbm4b:s5+s3], $0x80, v4, vm0, $0xb8;
	[tilespmem:$0x1F900] =	vst v63  }
0x29c: {  	s21 =	simm.s32 $0xA100  }
0x29d: {  	[tilespmem:s21], [sflag:$0x2] =	stream.indirect_vreg.gather [hbm4b:s6+s3], $0x80, v4, vm0, $0xb8;
	[tilespmem:$0x1F900] =	vst v63  }
0x29e: {  	s21 =	simm.s32 $0xA900  }
0x29f: {  	[tilespmem:s21], [sflag:$0x2] =	stream.indirect_vreg.gather [hbm4b:s7+s3], $0x80, v4, vm0, $0xb8;
	[tilespmem:$0x1F900] =	vst v63  }
0x2a0: {  	s21 =	simm.s32 $0xB100  }
0x2a1: {  	[tilespmem:s21], [sflag:$0x2] =	stream.indirect_vreg.gather [hbm4b:s8+s3], $0x80, v4, vm0, $0xb8;
	[tilespmem:$0x1F900] =	vst v63  }
0x2a2: {  	s21 =	simm.s32 $0xB900  }
0x2a3: {  	[tilespmem:s21], [sflag:$0x2] =	stream.indirect_vreg.gather [hbm4b:s9+s3], $0x80, v4, vm0, $0xb8;
	[tilespmem:$0x1F900] =	vst v63  }
0x2a4: {  	v3 =	vperm.xlane v3, v2;
	s21 =	simm.s32 $0xC100  }
0x2a5: {  	[tilespmem:s21], [sflag:$0x2] =	stream.indirect_vreg.gather [hbm4b:s10+s3], $0x80, v4, vm0, $0xb8;
	[tilespmem:$0x1F900] =	vst v63  }
0x2a6: {  	v3 =	vadd.s32 v1, v3;
	s21 =	simm.s32 $0xC900  }
0x2a7: {  	[tilespmem:s21], [sflag:$0x2] =	stream.indirect_vreg.gather [hbm4b:s11+s3], $0x80, v4, vm0, $0xb8;
	[tilespmem:$0x1F900] =	vst v63  }
0x2a8: {  	s21 =	simm.s32 $0xD100  }
0x2a9: {  	[tilespmem:s21], [sflag:$0x2] =	stream.indirect_vreg.gather [hbm4b:s12+s3], $0x80, v4, vm0, $0xb8;
	[tilespmem:$0x1F900] =	vst v63  }
0x2aa: {  	s21 =	simm.s32 $0xD900  }
0x2ab: {  	[tilespmem:s21], [sflag:$0x2] =	stream.indirect_vreg.gather [hbm4b:s2+s3], $0x80, v3, vm0, $0xb8;
	[tilespmem:$0x1F900] =	vst v63  }
0x2ac: {  	s21 =	simm.s32 $0xE100  }
0x2ad: {  	[tilespmem:s21], [sflag:$0x2] =	stream.indirect_vreg.gather [hbm4b:s5+s3], $0x80, v3, vm0, $0xb8;
	[tilespmem:$0x1F900] =	vst v63  }
0x2ae: {  	s21 =	simm.s32 $0xE900  }
0x2af: {  	[tilespmem:s21], [sflag:$0x2] =	stream.indirect_vreg.gather [hbm4b:s6+s3], $0x80, v3, vm0, $0xb8;
	[tilespmem:$0x1F900] =	vst v63  }
0x2b0: {  	s21 =	simm.s32 $0xF100  }
0x2b1: {  	[tilespmem:s21], [sflag:$0x2] =	stream.indirect_vreg.gather [hbm4b:s7+s3], $0x80, v3, vm0, $0xb8;
	[tilespmem:$0x1F900] =	vst v63  }
0x2b2: {  	s21 =	simm.s32 $0xF900  }
0x2b3: {  	[tilespmem:s21], [sflag:$0x2] =	stream.indirect_vreg.gather [hbm4b:s8+s3], $0x80, v3, vm0, $0xb8;
	[tilespmem:$0x1F900] =	vst v63  }
0x2b4: {  	s21 =	simm.s32 $0x10100  }
0x2b5: {  	[tilespmem:s21], [sflag:$0x2] =	stream.indirect_vreg.gather [hbm4b:s9+s3], $0x80, v3, vm0, $0xb8;
	[tilespmem:$0x1F900] =	vst v63  }
0x2b6: {  	s21 =	simm.s32 $0x10900  }
0x2b7: {  	[tilespmem:s21], [sflag:$0x2] =	stream.indirect_vreg.gather [hbm4b:s10+s3], $0x80, v3, vm0, $0xb8;
	[tilespmem:$0x1F900] =	vst v63  }
0x2b8: {  	s21 =	simm.s32 $0x11100  }
0x2b9: {  	[tilespmem:s21], [sflag:$0x2] =	stream.indirect_vreg.gather [hbm4b:s11+s3], $0x80, v3, vm0, $0xb8;
	[tilespmem:$0x1F900] =	vst v63  }
0x2ba: {  	s21 =	simm.s32 $0x11900  }
0x2bb: {  	[tilespmem:s21], [sflag:$0x2] =	stream.indirect_vreg.gather [hbm4b:s12+s3], $0x80, v3, vm0, $0xb8;
	[tilespmem:$0x1F900] =	vst v63  }
0x2bc: {  	_ =	swait.ge [sflag:s19], $0x9000  }
0x2bd: {  	[sflag:s19] =	ssyncset.done $0x0  }
0x2be: {  	s4 =	simm.s32 $0x12100;
	s21 =	rddreg [dreg:$0xf];
	[sflag:s19] =	ssyncadd.s32 $0xFFFF7000  }
0x2bf: {  	[hbm4b:s21+s3] =	stream.linear.scatter [tilespmem:s4], [sflag:$0x6], $0x9000, $0x38;
	[tilespmem:$0x1F900] =	vst v63  }
0x2c0: {  	_ =	swait.ge [sflag:s20], $0x9000  }
0x2c1: {  	[sflag:s20] =	ssyncset.done $0x0  }
0x2c2: {  	[sflag:s20] =	ssyncadd.s32 $0xFFFF7000  }
0x2c3: {  	v3 =	vld [tilespmem:$0xE0];
	_ =	sdelay $0x4  }
0x2c4: {  	v63 =	vshrl.u32 v3, $0x3  }
0x2c5: {  	v4 =	vmul.u32 $0x90, v63  }
0x2c6: {  	v3 =	vand.u32 $0x7, v3  }
0x2c7: {  	v3 =	vor.u32 v3, v4  }
0x2c8: {  	v4 =	vperm.xlane v3, v0;
	_ =	sdelay $0x1  }
0x2c9: {  	v4 =	vadd.s32 v1, v4;
	_ =	sdelay $0x4  }
0x2ca: {  	[tilespmem:s4], [sflag:$0x3] =	stream.indirect_vreg.gather [hbm4b:s2+s3], $0x80, v4, vm0, $0xb8;
	[tilespmem:$0x1F900] =	vst v63  }
0x2cb: {  	s21 =	simm.s32 $0x12900  }
0x2cc: {  	[tilespmem:s21], [sflag:$0x3] =	stream.indirect_vreg.gather [hbm4b:s5+s3], $0x80, v4, vm0, $0xb8;
	[tilespmem:$0x1F900] =	vst v63  }
0x2cd: {  	s1 =	simm.s32 $0x13100  }
0x2ce: {  	[tilespmem:s1], [sflag:$0x3] =	stream.indirect_vreg.gather [hbm4b:s6+s3], $0x80, v4, vm0, $0xb8;
	[tilespmem:$0x1F900] =	vst v63  }
0x2cf: {  	s21 =	simm.s32 $0x13900  }
0x2d0: {  	[tilespmem:s21], [sflag:$0x3] =	stream.indirect_vreg.gather [hbm4b:s7+s3], $0x80, v4, vm0, $0xb8;
	[tilespmem:$0x1F900] =	vst v63  }
0x2d1: {  	s21 =	simm.s32 $0x14100  }
0x2d2: {  	[tilespmem:s21], [sflag:$0x3] =	stream.indirect_vreg.gather [hbm4b:s8+s3], $0x80, v4, vm0, $0xb8;
	[tilespmem:$0x1F900] =	vst v63  }
0x2d3: {  	s21 =	simm.s32 $0x14900  }
0x2d4: {  	[tilespmem:s21], [sflag:$0x3] =	stream.indirect_vreg.gather [hbm4b:s9+s3], $0x80, v4, vm0, $0xb8;
	[tilespmem:$0x1F900] =	vst v63  }
0x2d5: {  	v3 =	vperm.xlane v3, v2;
	s21 =	simm.s32 $0x15100  }
0x2d6: {  	[tilespmem:s21], [sflag:$0x3] =	stream.indirect_vreg.gather [hbm4b:s10+s3], $0x80, v4, vm0, $0xb8;
	[tilespmem:$0x1F900] =	vst v63  }
0x2d7: {  	s15 =	simm.s32 $0x15900;
	v3 =	vadd.s32 v1, v3  }
0x2d8: {  	[tilespmem:s15], [sflag:$0x3] =	stream.indirect_vreg.gather [hbm4b:s11+s3], $0x80, v4, vm0, $0xb8;
	[tilespmem:$0x1F900] =	vst v63  }
0x2d9: {  	s22 =	simm.s32 $0x16100  }
0x2da: {  	[tilespmem:s22], [sflag:$0x3] =	stream.indirect_vreg.gather [hbm4b:s12+s3], $0x80, v4, vm0, $0xb8;
	[tilespmem:$0x1F900] =	vst v63  }
0x2db: {  	s23 =	simm.s32 $0x16900  }
0x2dc: {  	[tilespmem:s23], [sflag:$0x3] =	stream.indirect_vreg.gather [hbm4b:s2+s3], $0x80, v3, vm0, $0xb8;
	[tilespmem:$0x1F900] =	vst v63  }
0x2dd: {  	s24 =	simm.s32 $0x17100  }
0x2de: {  	[tilespmem:s24], [sflag:$0x3] =	stream.indirect_vreg.gather [hbm4b:s5+s3], $0x80, v3, vm0, $0xb8;
	[tilespmem:$0x1F900] =	vst v63  }
0x2df: {  	s25 =	simm.s32 $0x17900  }
0x2e0: {  	[tilespmem:s25], [sflag:$0x3] =	stream.indirect_vreg.gather [hbm4b:s6+s3], $0x80, v3, vm0, $0xb8;
	[tilespmem:$0x1F900] =	vst v63  }
0x2e1: {  	s26 =	simm.s32 $0x18100  }
0x2e2: {  	[tilespmem:s26], [sflag:$0x3] =	stream.indirect_vreg.gather [hbm4b:s7+s3], $0x80, v3, vm0, $0xb8;
	[tilespmem:$0x1F900] =	vst v63  }
0x2e3: {  	s28 =	simm.s32 $0x18900  }
0x2e4: {  	[tilespmem:s28], [sflag:$0x3] =	stream.indirect_vreg.gather [hbm4b:s8+s3], $0x80, v3, vm0, $0xb8;
	[tilespmem:$0x1F900] =	vst v63  }
0x2e5: {  	s29 =	simm.s32 $0x19100  }
0x2e6: {  	[tilespmem:s29], [sflag:$0x3] =	stream.indirect_vreg.gather [hbm4b:s9+s3], $0x80, v3, vm0, $0xb8;
	[tilespmem:$0x1F900] =	vst v63  }
0x2e7: {  	s30 =	simm.s32 $0x19900  }
0x2e8: {  	[tilespmem:s30], [sflag:$0x3] =	stream.indirect_vreg.gather [hbm4b:s10+s3], $0x80, v3, vm0, $0xb8;
	[tilespmem:$0x1F900] =	vst v63  }
0x2e9: {  	s31 =	simm.s32 $0x1A100  }
0x2ea: {  	[tilespmem:s31], [sflag:$0x3] =	stream.indirect_vreg.gather [hbm4b:s11+s3], $0x80, v3, vm0, $0xb8;
	[tilespmem:$0x1F900] =	vst v63  }
0x2eb: {  	s26 =	simm.s32 $0x1A900  }
0x2ec: {  	[tilespmem:s26], [sflag:$0x3] =	stream.indirect_vreg.gather [hbm4b:s12+s3], $0x80, v3, vm0, $0xb8;
	[tilespmem:$0x1F900] =	vst v63  }
0x2ed: {  	_ =	swait.ge [sflag:s14], $0x9000  }
0x2ee: {  	[sflag:s14] =	ssyncset.done $0x0  }
0x2ef: {  	s0 =	simm.s32 $0x100;
	s28 =	rddreg [dreg:$0x10];
	[sflag:s14] =	ssyncadd.s32 $0xFFFF7000  }
0x2f0: {  	[hbm4b:s28+s3] =	stream.linear.scatter [tilespmem:s0], [sflag:$0x4], $0x9000, $0x38;
	[tilespmem:$0x1F900] =	vst v63  }
0x2f1: {  	_ =	swait.ge [sflag:s17], $0x9000  }
0x2f2: {  	[sflag:s17] =	ssyncset.done $0x0  }
0x2f3: {  	s29 =	rddreg [dreg:$0x11];
	[sflag:s17] =	ssyncadd.s32 $0xFFFF7000  }
0x2f4: {  	[hbm4b:s29+s3] =	stream.linear.scatter [tilespmem:s13], [sflag:$0x5], $0x9000, $0x38;
	[tilespmem:$0x1F900] =	vst v63  }
0x2f5: {  	_ =	swait.ge [sflag:s19], $0x9000  }
0x2f6: {  	[sflag:s19] =	ssyncset.done $0x0  }
0x2f7: {  	s30 =	rddreg [dreg:$0x12];
	[sflag:s19] =	ssyncadd.s32 $0xFFFF7000  }
0x2f8: {  	[hbm4b:s30+s3] =	stream.linear.scatter [tilespmem:s4], [sflag:$0x6], $0x9000, $0x38;
	[tilespmem:$0x1F900] =	vst v63  }
0x2f9: {  	s31 =	rddreg [dreg:$0x14];
	_ =	swait.ge [sflag:s16], $0x9000  }
0x2fa: {  	[sflag:s16] =	ssyncset.done $0x0  }
0x2fb: {  	[sflag:s16] =	ssyncadd.s32 $0xFFFF7000  }
0x2fc: {  	p0 =	sne.s32 s31, $0x1;
	_ =	swait.ge [sflag:s18], $0x9000  }
.Ltmp4:
0x2fd: {  	[sflag:s18] =	ssyncset.done $0x0;
	(pc) =	sbr.rel @p0 .LBB2_1-.Ltmp4, $4  }
0x2fe: {  	[sflag:s18] =	ssyncadd.s32 $0xFFFF7000  }
0x2ff: {  	_ =	swait.ge [sflag:s20], $0x9000  }
0x300: {  	[sflag:s20] =	ssyncset.done $0x0  }
0x301: {  	s0 =	sadd.s32 $0xFFFFFFFF, s31;
	[sflag:s20] =	ssyncadd.s32 $0xFFFF7000  }
0x302: {  	_ =	sfence.sel $0x180000  }
0x303: {  	[bflag:$0x0] =	sbarrier.arrive $0xFFFF  }
0x304: {  	_ =	strace $0x90000047  }
0x305: {  	s0 =	stileid.u32;
	[bflag:$0x2] =	sbarrier.arrive $0xFFFF  }
0x306: {  	p0 =	sne.s32 s0, $0x0;
	s0 =	rddreg [dreg:$0x3]  }
0x307: {  	s0 =	sadd.s32 @!p0 $0x100000, s0  }
0x308: {  	[sflag:s0] =	ssyncadd.tile.s32 @!p0 $0x1;
	_ =	shalt  }
.Lfunc_end2:
_tile_overlayer_lowered:
.L_overlay_start_2:
0x309: {  	(tag) =	ssettag $0x2  }
0x30a: {  	s0 =	rddreg [dreg:$0x0];
	s2 =	stileid.u32  }
0x30b: {  	s1 =	rddreg [dreg:$0x1];
	p0 =	sne.s32 s2, $0x0  }
0x30c: {  	s3 =	rddreg [dreg:$0x2];
	[bflag:$0x3] =	sbarrier.arrive $0xFFFF;
	s2 =	simm.s32 @!p0 $0x1C07  }
0x30d: {  	[timem:s3], [sflag:s2] =	dma.local @!p0 [hbm:s0], s1  }
0x30e: {  	s0 =	simm.s32 @!p0 $0x7  }
0x30f: {  	_ =	swait.ge @!p0 [sflag:s0], s1  }
0x310: {  	s1 =	ssub.s32 @!p0 $0x0, s1;
	[sflag:s0] =	ssyncset.done @!p0 $0x0  }
0x311: {  	[sflag:s0] =	ssyncadd.s32 @!p0 s1  }
0x312: {  	[bflag:$0x3] =	sbarrier.arrive $0xFFFF  }
0x313: {  	_ =	shalt  }

</sc_bundles>
